<compile_context>
chip_gen: v7x
topology: tpu7x:2x2x1
jax: 0.10.2.dev20260603
libtpu: 0.0.44.dev20260713+nightly
codegen_flags: <defaults>
</compile_context>

<pallas_src>
import functools

import jax
import jax.numpy as jnp
from jax import lax
from jax.experimental import pallas as pl
from jax.experimental.pallas import tpu as pltpu
from jax.experimental.pallas import tpu_sc as plsc

OUTPUT_DIMENSION = 64
SCALE = 8.0

NUM_CORES = 2
NUM_SUBCORES = 16
NUM_WORKERS = NUM_CORES * NUM_SUBCORES

B_TOTAL = 4096 * 200
B_PER_WORKER = B_TOTAL // NUM_WORKERS
IDX_ROW = 128
IDX_ROWS_PER_WORKER = B_PER_WORKER // IDX_ROW
CHUNK = 256
SUB = CHUNK // IDX_ROW
NUM_CHUNKS = B_PER_WORKER // CHUNK
NBUF = 4
K_ITERS = NUM_CHUNKS // NBUF

_mesh = plsc.VectorSubcoreMesh(core_axis_name="c", subcore_axis_name="s")


@functools.partial(
    pl.kernel,
    mesh=_mesh,
    compiler_params=pltpu.CompilerParams(use_tc_tiling_on_sc=False),
    out_type=jax.ShapeDtypeStruct((B_TOTAL, OUTPUT_DIMENSION), jnp.float32),
    scratch_types=[
        pltpu.VMEM((IDX_ROWS_PER_WORKER, IDX_ROW), jnp.int32),
        pltpu.VMEM((CHUNK, OUTPUT_DIMENSION), jnp.float32),
        pltpu.VMEM((CHUNK, OUTPUT_DIMENSION), jnp.float32),
        pltpu.VMEM((CHUNK, OUTPUT_DIMENSION), jnp.float32),
        pltpu.VMEM((CHUNK, OUTPUT_DIMENSION), jnp.float32),
        pltpu.SemaphoreType.DMA,
        pltpu.SemaphoreType.DMA,
        pltpu.SemaphoreType.DMA,
        pltpu.SemaphoreType.DMA,
        pltpu.SemaphoreType.DMA,
        pltpu.SemaphoreType.DMA,
        pltpu.SemaphoreType.DMA,
        pltpu.SemaphoreType.DMA,
    ],
)
def _emb_lookup(idx_hbm, table_hbm, out_hbm, idx_v,
                buf0, buf1, buf2, buf3,
                semg0, semg1, semg2, semg3,
                semw0, semw1, semw2, semw3):
    bufs = (buf0, buf1, buf2, buf3)
    semg = (semg0, semg1, semg2, semg3)
    semw = (semw0, semw1, semw2, semw3)

    wid = lax.axis_index("s") * NUM_CORES + lax.axis_index("c")
    base = wid * B_PER_WORKER
    pltpu.sync_copy(idx_hbm.at[pl.ds(wid * IDX_ROWS_PER_WORKER, IDX_ROWS_PER_WORKER)], idx_v)

    def fire_gather(c, b):
        for j in range(SUB):
            pltpu.async_copy(
                table_hbm.at[idx_v.at[SUB * c + j]],
                bufs[b].at[pl.ds(j * IDX_ROW, IDX_ROW)],
                semg[b],
            )

    def drain_gather(b):
        pltpu.make_async_copy(out_hbm.at[pl.ds(0, CHUNK)], bufs[b], semg[b]).wait()

    def fire_writeback(c, b):
        pltpu.async_copy(bufs[b], out_hbm.at[pl.ds(base + c * CHUNK, CHUNK)], semw[b])

    def drain_writeback(b):
        pltpu.make_async_copy(bufs[b], out_hbm.at[pl.ds(0, CHUNK)], semw[b]).wait()

    def add_scale(b):
        buf = bufs[b]

        def body(r8, carry):
            for dr in range(8):
                for j in range(OUTPUT_DIMENSION // 16):
                    r = r8 * 8 + dr
                    col = j * 16
                    buf[r, pl.ds(col, 16)] = buf[r, pl.ds(col, 16)] + SCALE
            return carry

        lax.fori_loop(0, CHUNK // 8, body, 0)

    fire_gather(0, 0)

    def k_body(k, carry):
        for u in range(NBUF):
            c = NBUF * k + u
            nxt = (u + 1) % NBUF
            if u < NBUF - 1:
                @pl.when(k > 0)
                def _():
                    drain_writeback(nxt)
                fire_gather(c + 1, nxt)
            else:
                drain_writeback(0)

                @pl.when(k < K_ITERS - 1)
                def _():
                    fire_gather(c + 1, 0)
            drain_gather(u)
            add_scale(u)
            fire_writeback(c, u)
        return carry

    lax.fori_loop(0, K_ITERS, k_body, 0)
    drain_writeback(1)
    drain_writeback(2)
    drain_writeback(3)


def kernel(x, embedding_table):
    idx = x.reshape(
        NUM_WORKERS * IDX_ROWS_PER_WORKER, IDX_ROW).astype(jnp.int32)
    out = _emb_lookup(idx, embedding_table)
    return out.reshape(x.shape + (OUTPUT_DIMENSION,))

# --- scband reference (transcript-rebuilt; emitter-appended) ---
"""Pipeline reference for scband-input-embeddings-12249246728327 (READ-ONLY COPY).

The authoritative reference and input builder live on the scoring server;
editing this copy changes nothing except your own understanding.
"""

import jax, jax.numpy as jnp
import numpy as np

VOCAB_SIZE = 1000000
OUTPUT_DIMENSION = 64

def setup_inputs(seed: int = 0) -> dict:
    key = jax.random.key(seed)
    k1, k2 = jax.random.split(key)
    x = jax.random.randint(k1, (4096, 200), 0, VOCAB_SIZE, dtype=jnp.int64 if jax.config.jax_enable_x64 else jnp.int32)
    # nn.Embedding default init: N(0, 1)
    embedding_table = jax.random.normal(k2, (VOCAB_SIZE, OUTPUT_DIMENSION), dtype=jnp.float32)
    return {"x": x, "embedding_table": embedding_table}

def reference(x, embedding_table):
    # Faithful translation: embedding lookup, then ADD sqrt(output_dimension)
    # (the original module adds the normalization factor, it does not multiply).
    embedding_calculation = jnp.take(embedding_table, x, axis=0)
    normalization_factor = np.sqrt(OUTPUT_DIMENSION).astype(np.float32)
    return embedding_calculation + normalization_factor

if __name__ == "__main__":
    import jax
    _d = setup_inputs()
    print(jax.jit(kernel)(*tuple(_d.values())))

</pallas_src>

<mosaic_0001>
#map = affine_map<(d0, d1) -> (0, 0)>
module attributes {stable_mosaic.version = 14 : i64} {
  func.func @_emb_lookup(%arg0: i32, %arg1: i32, %arg2: memref<6400x128xi32, #tpu.memory_space<hbm>>, %arg3: memref<1000000x64xf32, #tpu.memory_space<hbm>>, %arg4: memref<819200x64xf32, #tpu.memory_space<hbm>>, %arg5: memref<200x128xi32, #tpu.memory_space<vmem>>, %arg6: memref<256x64xf32, #tpu.memory_space<vmem>>, %arg7: memref<256x64xf32, #tpu.memory_space<vmem>>, %arg8: memref<256x64xf32, #tpu.memory_space<vmem>>, %arg9: memref<256x64xf32, #tpu.memory_space<vmem>>, %arg10: memref<!tpu.dma_semaphore, #tpu.memory_space<semaphore_mem>>, %arg11: memref<!tpu.dma_semaphore, #tpu.memory_space<semaphore_mem>>, %arg12: memref<!tpu.dma_semaphore, #tpu.memory_space<semaphore_mem>>, %arg13: memref<!tpu.dma_semaphore, #tpu.memory_space<semaphore_mem>>, %arg14: memref<!tpu.dma_semaphore, #tpu.memory_space<semaphore_mem>>, %arg15: memref<!tpu.dma_semaphore, #tpu.memory_space<semaphore_mem>>, %arg16: memref<!tpu.dma_semaphore, #tpu.memory_space<semaphore_mem>>, %arg17: memref<!tpu.dma_semaphore, #tpu.memory_space<semaphore_mem>>) attributes {dimension_semantics = [#tpu.dimension_semantics<core_parallel>, #tpu.dimension_semantics<subcore_parallel>], iteration_bounds = array<i64: 2, 16>, scalar_prefetch = 0 : i64, scratch_operands = 13 : i64, tpu.core_type = #tpu.core_type<sc_vector_subcore>, window_params = [{transform_indices = #map}, {transform_indices = #map}, {transform_indices = #map}]} {
    %mul3A = arith.constant 2 : i32
    %mul3A_0 = arith.muli %arg1, %mul3A : i32
    %add3A = arith.addi %mul3A_0, %arg0 : i32
    %mul3A_1 = arith.constant 25600 : i32
    %mul3A_2 = arith.muli %add3A, %mul3A_1 : i32
    %mul3A_3 = arith.constant 200 : i32
    %mul3A_4 = arith.muli %add3A, %mul3A_3 : i32
    "tpu.region"() ({
      %run_scoped3A = tpu.sem_alloc : memref<!tpu.dma_semaphore, #tpu.memory_space<semaphore_mem>>
      %dma_start3A_46 = arith.constant 0 : i32
      %dma_start3A_47 = tpu.memref_slice %arg2[%mul3A_4, %dma_start3A_46] : memref<6400x128xi32, #tpu.memory_space<hbm>> -> memref<200x128xi32, #tpu.memory_space<hbm>>
      %dma_start3A_48 = arith.constant 0 : i32
      %dma_start3A_49 = tpu.memref_slice %arg2[%mul3A_4, %dma_start3A_48] : memref<6400x128xi32, #tpu.memory_space<hbm>> -> memref<200x128xi32, #tpu.memory_space<hbm>>
      tpu.enqueue_dma source(%dma_start3A_49 : memref<200x128xi32, #tpu.memory_space<hbm>>) target(%arg5 : memref<200x128xi32, #tpu.memory_space<vmem>>) target_semaphore(%run_scoped3A : memref<!tpu.dma_semaphore, #tpu.memory_space<semaphore_mem>>)
      %dma_wait3A_50 = arith.constant 0 : i32
      %dma_wait3A_51 = tpu.memref_slice %arg2[%mul3A_4, %dma_wait3A_50] : memref<6400x128xi32, #tpu.memory_space<hbm>> -> memref<200x128xi32, #tpu.memory_space<hbm>>
      %dma_wait3A_52 = arith.constant 0 : i32
      %dma_wait3A_53 = tpu.memref_slice %arg2[%mul3A_4, %dma_wait3A_52] : memref<6400x128xi32, #tpu.memory_space<hbm>> -> memref<200x128xi32, #tpu.memory_space<hbm>>
      tpu.wait_dma2 semaphore(%run_scoped3A : memref<!tpu.dma_semaphore, #tpu.memory_space<semaphore_mem>>) src(%dma_wait3A_53 : memref<200x128xi32, #tpu.memory_space<hbm>>) dst(%arg5 : memref<200x128xi32, #tpu.memory_space<vmem>>)
      tpu.yield
    }) : () -> ()
    %dma_start3A = arith.constant 0 : i32
    %dma_start3A_5 = arith.constant 0 : i32
    %dma_start3A_6 = arith.constant 0 : i32
    %dma_start3A_7 = tpu.memref_slice %arg6[%dma_start3A_5, %dma_start3A_6] : memref<256x64xf32, #tpu.memory_space<vmem>> -> memref<128x64xf32, #tpu.memory_space<vmem>>
    %dma_start3A_8 = arith.constant 0 : i32
    %dma_start3A_9 = tpu.memref_slice %arg5[%dma_start3A, %dma_start3A_8] : memref<200x128xi32, #tpu.memory_space<vmem>> -> memref<1x128xi32, #tpu.memory_space<vmem>>
    %dma_start3A_10 = tpu.memref_squeeze %dma_start3A_9 : memref<1x128xi32, #tpu.memory_space<vmem>> -> memref<128xi32, #tpu.memory_space<vmem>>
    %dma_start3A_11 = arith.constant 0 : i32
    %dma_start3A_12 = arith.constant 0 : i32
    %dma_start3A_13 = tpu.memref_slice %arg3[%dma_start3A_11, %dma_start3A_12] : memref<1000000x64xf32, #tpu.memory_space<hbm>> -> memref<1000000x64xf32, #tpu.memory_space<hbm>>
    tpu.enqueue_indirect_dma source(%dma_start3A_13 : memref<1000000x64xf32, #tpu.memory_space<hbm>>) target(%dma_start3A_7 : memref<128x64xf32, #tpu.memory_space<vmem>>) offsets(%dma_start3A_10 : memref<128xi32, #tpu.memory_space<vmem>>) semaphore(%arg10 : memref<!tpu.dma_semaphore, #tpu.memory_space<semaphore_mem>>)
    %dma_start3A_14 = arith.constant 1 : i32
    %dma_start3A_15 = arith.constant 128 : i32
    %dma_start3A_16 = arith.constant 0 : i32
    %dma_start3A_17 = tpu.memref_slice %arg6[%dma_start3A_15, %dma_start3A_16] : memref<256x64xf32, #tpu.memory_space<vmem>> -> memref<128x64xf32, #tpu.memory_space<vmem>>
    %dma_start3A_18 = arith.constant 0 : i32
    %dma_start3A_19 = tpu.memref_slice %arg5[%dma_start3A_14, %dma_start3A_18] : memref<200x128xi32, #tpu.memory_space<vmem>> -> memref<1x128xi32, #tpu.memory_space<vmem>>
    %dma_start3A_20 = tpu.memref_squeeze %dma_start3A_19 : memref<1x128xi32, #tpu.memory_space<vmem>> -> memref<128xi32, #tpu.memory_space<vmem>>
    %dma_start3A_21 = arith.constant 0 : i32
    %dma_start3A_22 = arith.constant 0 : i32
    %dma_start3A_23 = tpu.memref_slice %arg3[%dma_start3A_21, %dma_start3A_22] : memref<1000000x64xf32, #tpu.memory_space<hbm>> -> memref<1000000x64xf32, #tpu.memory_space<hbm>>
    tpu.enqueue_indirect_dma source(%dma_start3A_23 : memref<1000000x64xf32, #tpu.memory_space<hbm>>) target(%dma_start3A_17 : memref<128x64xf32, #tpu.memory_space<vmem>>) offsets(%dma_start3A_20 : memref<128xi32, #tpu.memory_space<vmem>>) semaphore(%arg10 : memref<!tpu.dma_semaphore, #tpu.memory_space<semaphore_mem>>)
    %scan3A = arith.constant 0 : i32
    %scan3A_24 = arith.constant 0 : i32
    %scan3A_25 = arith.constant 25 : i32
    %scan3A_26 = arith.addi %scan3A_24, %scan3A_25 : i32
    %scan3A_27 = arith.constant 1 : i32
    scf.for %scan3A_46 = %scan3A_24 to %scan3A_26 step %scan3A_27  : i32 {
      %mul3A_47 = arith.constant 4 : i32
      %mul3A_48 = arith.muli %mul3A_47, %scan3A_46 : i32
      %add3A_49 = arith.constant 0 : i32
      %add3A_50 = arith.addi %mul3A_48, %add3A_49 : i32
      %gt3A = arith.constant 0 : i32
      %gt3A_51 = arith.cmpi sgt, %scan3A_46, %gt3A : i32
      %convert_element_type3A = arith.extui %gt3A_51 : i1 to i32
      %cond3A = arith.constant 0 : i32
      %cond3A_52 = arith.cmpi ne, %convert_element_type3A, %cond3A : i32
      scf.if %cond3A_52 {
        %dma_wait3A_245 = arith.constant 0 : i32
        %dma_wait3A_246 = arith.constant 0 : i32
        %dma_wait3A_247 = tpu.memref_slice %arg4[%dma_wait3A_245, %dma_wait3A_246] : memref<819200x64xf32, #tpu.memory_space<hbm>> -> memref<256x64xf32, #tpu.memory_space<hbm>>
        %dma_wait3A_248 = arith.constant 0 : i32
        %dma_wait3A_249 = arith.constant 0 : i32
        %dma_wait3A_250 = tpu.memref_slice %arg4[%dma_wait3A_248, %dma_wait3A_249] : memref<819200x64xf32, #tpu.memory_space<hbm>> -> memref<256x64xf32, #tpu.memory_space<hbm>>
        tpu.wait_dma2 semaphore(%arg15 : memref<!tpu.dma_semaphore, #tpu.memory_space<semaphore_mem>>) src(%arg7 : memref<256x64xf32, #tpu.memory_space<vmem>>) dst(%dma_wait3A_250 : memref<256x64xf32, #tpu.memory_space<hbm>>)
      } else {
      }
      %add3A_53 = arith.constant 1 : i32
      %add3A_54 = arith.addi %add3A_50, %add3A_53 : i32
      %mul3A_55 = arith.constant 2 : i32
      %mul3A_56 = arith.muli %mul3A_55, %add3A_54 : i32
      %add3A_57 = arith.constant 0 : i32
      %add3A_58 = arith.addi %mul3A_56, %add3A_57 : i32
      %dma_start3A_59 = arith.constant 0 : i32
      %dma_start3A_60 = arith.constant 0 : i32
      %dma_start3A_61 = tpu.memref_slice %arg7[%dma_start3A_59, %dma_start3A_60] : memref<256x64xf32, #tpu.memory_space<vmem>> -> memref<128x64xf32, #tpu.memory_space<vmem>>
      %dma_start3A_62 = arith.constant 0 : i32
      %dma_start3A_63 = tpu.memref_slice %arg5[%add3A_58, %dma_start3A_62] : memref<200x128xi32, #tpu.memory_space<vmem>> -> memref<1x128xi32, #tpu.memory_space<vmem>>
      %dma_start3A_64 = tpu.memref_squeeze %dma_start3A_63 : memref<1x128xi32, #tpu.memory_space<vmem>> -> memref<128xi32, #tpu.memory_space<vmem>>
      %dma_start3A_65 = arith.constant 0 : i32
      %dma_start3A_66 = arith.constant 0 : i32
      %dma_start3A_67 = tpu.memref_slice %arg3[%dma_start3A_65, %dma_start3A_66] : memref<1000000x64xf32, #tpu.memory_space<hbm>> -> memref<1000000x64xf32, #tpu.memory_space<hbm>>
      tpu.enqueue_indirect_dma source(%dma_start3A_67 : memref<1000000x64xf32, #tpu.memory_space<hbm>>) target(%dma_start3A_61 : memref<128x64xf32, #tpu.memory_space<vmem>>) offsets(%dma_start3A_64 : memref<128xi32, #tpu.memory_space<vmem>>) semaphore(%arg11 : memref<!tpu.dma_semaphore, #tpu.memory_space<semaphore_mem>>)
      %mul3A_68 = arith.constant 2 : i32
      %mul3A_69 = arith.muli %mul3A_68, %add3A_54 : i32
      %add3A_70 = arith.constant 1 : i32
      %add3A_71 = arith.addi %mul3A_69, %add3A_70 : i32
      %dma_start3A_72 = arith.constant 128 : i32
      %dma_start3A_73 = arith.constant 0 : i32
      %dma_start3A_74 = tpu.memref_slice %arg7[%dma_start3A_72, %dma_start3A_73] : memref<256x64xf32, #tpu.memory_space<vmem>> -> memref<128x64xf32, #tpu.memory_space<vmem>>
      %dma_start3A_75 = arith.constant 0 : i32
      %dma_start3A_76 = tpu.memref_slice %arg5[%add3A_71, %dma_start3A_75] : memref<200x128xi32, #tpu.memory_space<vmem>> -> memref<1x128xi32, #tpu.memory_space<vmem>>
      %dma_start3A_77 = tpu.memref_squeeze %dma_start3A_76 : memref<1x128xi32, #tpu.memory_space<vmem>> -> memref<128xi32, #tpu.memory_space<vmem>>
      %dma_start3A_78 = arith.constant 0 : i32
      %dma_start3A_79 = arith.constant 0 : i32
      %dma_start3A_80 = tpu.memref_slice %arg3[%dma_start3A_78, %dma_start3A_79] : memref<1000000x64xf32, #tpu.memory_space<hbm>> -> memref<1000000x64xf32, #tpu.memory_space<hbm>>
      tpu.enqueue_indirect_dma source(%dma_start3A_80 : memref<1000000x64xf32, #tpu.memory_space<hbm>>) target(%dma_start3A_74 : memref<128x64xf32, #tpu.memory_space<vmem>>) offsets(%dma_start3A_77 : memref<128xi32, #tpu.memory_space<vmem>>) semaphore(%arg11 : memref<!tpu.dma_semaphore, #tpu.memory_space<semaphore_mem>>)
      %dma_wait3A_81 = arith.constant 0 : i32
      %dma_wait3A_82 = arith.constant 0 : i32
      %dma_wait3A_83 = tpu.memref_slice %arg4[%dma_wait3A_81, %dma_wait3A_82] : memref<819200x64xf32, #tpu.memory_space<hbm>> -> memref<256x64xf32, #tpu.memory_space<hbm>>
      %dma_wait3A_84 = arith.constant 0 : i32
      %dma_wait3A_85 = arith.constant 0 : i32
      %dma_wait3A_86 = tpu.memref_slice %arg4[%dma_wait3A_84, %dma_wait3A_85] : memref<819200x64xf32, #tpu.memory_space<hbm>> -> memref<256x64xf32, #tpu.memory_space<hbm>>
      tpu.wait_dma2 semaphore(%arg10 : memref<!tpu.dma_semaphore, #tpu.memory_space<semaphore_mem>>) src(%dma_wait3A_86 : memref<256x64xf32, #tpu.memory_space<hbm>>) dst(%arg6 : memref<256x64xf32, #tpu.memory_space<vmem>>)
      %scan3A_87 = arith.constant 0 : i32
      %scan3A_88 = arith.constant 0 : i32
      %scan3A_89 = arith.constant 32 : i32
      %scan3A_90 = arith.addi %scan3A_88, %scan3A_89 : i32
      %scan3A_91 = arith.constant 1 : i32
      scf.for %scan3A_245 = %scan3A_88 to %scan3A_90 step %scan3A_91  : i32 {
        %mul3A_246 = arith.constant 8 : i32
        %mul3A_247 = arith.muli %scan3A_245, %mul3A_246 : i32
        %add3A_248 = arith.constant 0 : i32
        %add3A_249 = arith.addi %mul3A_247, %add3A_248 : i32
        %get3A = arith.index_cast %add3A_249 : i32 to index
        %get3A_250 = arith.constant 0 : index
        %get3A_251 = tpu.vector_load %arg6[%get3A, %get3A_250] {strides = array<i32>} : memref<256x64xf32, #tpu.memory_space<vmem>>, vector<1x16xf32>,
        %get3A_252 = vector.shape_cast %get3A_251 : vector<1x16xf32> to vector<16xf32>
        %add3A_253 = arith.constant 8.000000e+00 : f32
        %add3A_254 = vector.broadcast %add3A_253 : f32 to vector<16xf32>
        %add3A_255 = arith.addf %get3A_252, %add3A_254 : vector<16xf32>
        %swap3A = arith.index_cast %add3A_249 : i32 to index
        %swap3A_256 = arith.constant 0 : index
        %swap3A_257 = tpu.vector_load %arg6[%swap3A, %swap3A_256] {strides = array<i32>} : memref<256x64xf32, #tpu.memory_space<vmem>>, vector<1x16xf32>,
        %swap3A_258 = vector.shape_cast %swap3A_257 : vector<1x16xf32> to vector<16xf32>
        %swap3A_259 = vector.shape_cast %add3A_255 : vector<16xf32> to vector<1x16xf32>
        tpu.vector_store %arg6[%swap3A, %swap3A_256], %swap3A_259 {strides = array<i32>} : memref<256x64xf32, #tpu.memory_space<vmem>>, vector<1x16xf32>,
        %mul3A_260 = arith.constant 8 : i32
        %mul3A_261 = arith.muli %scan3A_245, %mul3A_260 : i32
        %add3A_262 = arith.constant 0 : i32
        %add3A_263 = arith.addi %mul3A_261, %add3A_262 : i32
        %get3A_264 = arith.index_cast %add3A_263 : i32 to index
        %get3A_265 = arith.constant 16 : index
        %get3A_266 = tpu.vector_load %arg6[%get3A_264, %get3A_265] {strides = array<i32>} : memref<256x64xf32, #tpu.memory_space<vmem>>, vector<1x16xf32>,
        %get3A_267 = vector.shape_cast %get3A_266 : vector<1x16xf32> to vector<16xf32>
        %add3A_268 = arith.constant 8.000000e+00 : f32
        %add3A_269 = vector.broadcast %add3A_268 : f32 to vector<16xf32>
        %add3A_270 = arith.addf %get3A_267, %add3A_269 : vector<16xf32>
        %swap3A_271 = arith.index_cast %add3A_263 : i32 to index
        %swap3A_272 = arith.constant 16 : index
        %swap3A_273 = tpu.vector_load %arg6[%swap3A_271, %swap3A_272] {strides = array<i32>} : memref<256x64xf32, #tpu.memory_space<vmem>>, vector<1x16xf32>,
        %swap3A_274 = vector.shape_cast %swap3A_273 : vector<1x16xf32> to vector<16xf32>
        %swap3A_275 = vector.shape_cast %add3A_270 : vector<16xf32> to vector<1x16xf32>
        tpu.vector_store %arg6[%swap3A_271, %swap3A_272], %swap3A_275 {strides = array<i32>} : memref<256x64xf32, #tpu.memory_space<vmem>>, vector<1x16xf32>,
        %mul3A_276 = arith.constant 8 : i32
        %mul3A_277 = arith.muli %scan3A_245, %mul3A_276 : i32
        %add3A_278 = arith.constant 0 : i32
        %add3A_279 = arith.addi %mul3A_277, %add3A_278 : i32
        %get3A_280 = arith.index_cast %add3A_279 : i32 to index
        %get3A_281 = arith.constant 32 : index
        %get3A_282 = tpu.vector_load %arg6[%get3A_280, %get3A_281] {strides = array<i32>} : memref<256x64xf32, #tpu.memory_space<vmem>>, vector<1x16xf32>,
        %get3A_283 = vector.shape_cast %get3A_282 : vector<1x16xf32> to vector<16xf32>
        %add3A_284 = arith.constant 8.000000e+00 : f32
        %add3A_285 = vector.broadcast %add3A_284 : f32 to vector<16xf32>
        %add3A_286 = arith.addf %get3A_283, %add3A_285 : vector<16xf32>
        %swap3A_287 = arith.index_cast %add3A_279 : i32 to index
        %swap3A_288 = arith.constant 32 : index
        %swap3A_289 = tpu.vector_load %arg6[%swap3A_287, %swap3A_288] {strides = array<i32>} : memref<256x64xf32, #tpu.memory_space<vmem>>, vector<1x16xf32>,
        %swap3A_290 = vector.shape_cast %swap3A_289 : vector<1x16xf32> to vector<16xf32>
        %swap3A_291 = vector.shape_cast %add3A_286 : vector<16xf32> to vector<1x16xf32>
        tpu.vector_store %arg6[%swap3A_287, %swap3A_288], %swap3A_291 {strides = array<i32>} : memref<256x64xf32, #tpu.memory_space<vmem>>, vector<1x16xf32>,
        %mul3A_292 = arith.constant 8 : i32
        %mul3A_293 = arith.muli %scan3A_245, %mul3A_292 : i32
        %add3A_294 = arith.constant 0 : i32
        %add3A_295 = arith.addi %mul3A_293, %add3A_294 : i32
        %get3A_296 = arith.index_cast %add3A_295 : i32 to index
        %get3A_297 = arith.constant 48 : index
        %get3A_298 = tpu.vector_load %arg6[%get3A_296, %get3A_297] {strides = array<i32>} : memref<256x64xf32, #tpu.memory_space<vmem>>, vector<1x16xf32>,
        %get3A_299 = vector.shape_cast %get3A_298 : vector<1x16xf32> to vector<16xf32>
        %add3A_300 = arith.constant 8.000000e+00 : f32
        %add3A_301 = vector.broadcast %add3A_300 : f32 to vector<16xf32>
        %add3A_302 = arith.addf %get3A_299, %add3A_301 : vector<16xf32>
        %swap3A_303 = arith.index_cast %add3A_295 : i32 to index
        %swap3A_304 = arith.constant 48 : index
        %swap3A_305 = tpu.vector_load %arg6[%swap3A_303, %swap3A_304] {strides = array<i32>} : memref<256x64xf32, #tpu.memory_space<vmem>>, vector<1x16xf32>,
        %swap3A_306 = vector.shape_cast %swap3A_305 : vector<1x16xf32> to vector<16xf32>
        %swap3A_307 = vector.shape_cast %add3A_302 : vector<16xf32> to vector<1x16xf32>
        tpu.vector_store %arg6[%swap3A_303, %swap3A_304], %swap3A_307 {strides = array<i32>} : memref<256x64xf32, #tpu.memory_space<vmem>>, vector<1x16xf32>,
        %mul3A_308 = arith.constant 8 : i32
        %mul3A_309 = arith.muli %scan3A_245, %mul3A_308 : i32
        %add3A_310 = arith.constant 1 : i32
        %add3A_311 = arith.addi %mul3A_309, %add3A_310 : i32
        %get3A_312 = arith.index_cast %add3A_311 : i32 to index
        %get3A_313 = arith.constant 0 : index
        %get3A_314 = tpu.vector_load %arg6[%get3A_312, %get3A_313] {strides = array<i32>} : memref<256x64xf32, #tpu.memory_space<vmem>>, vector<1x16xf32>,
        %get3A_315 = vector.shape_cast %get3A_314 : vector<1x16xf32> to vector<16xf32>
        %add3A_316 = arith.constant 8.000000e+00 : f32
        %add3A_317 = vector.broadcast %add3A_316 : f32 to vector<16xf32>
        %add3A_318 = arith.addf %get3A_315, %add3A_317 : vector<16xf32>
        %swap3A_319 = arith.index_cast %add3A_311 : i32 to index
        %swap3A_320 = arith.constant 0 : index
        %swap3A_321 = tpu.vector_load %arg6[%swap3A_319, %swap3A_320] {strides = array<i32>} : memref<256x64xf32, #tpu.memory_space<vmem>>, vector<1x16xf32>,
        %swap3A_322 = vector.shape_cast %swap3A_321 : vector<1x16xf32> to vector<16xf32>
        %swap3A_323 = vector.shape_cast %add3A_318 : vector<16xf32> to vector<1x16xf32>
        tpu.vector_store %arg6[%swap3A_319, %swap3A_320], %swap3A_323 {strides = array<i32>} : memref<256x64xf32, #tpu.memory_space<vmem>>, vector<1x16xf32>,
        %mul3A_324 = arith.constant 8 : i32
        %mul3A_325 = arith.muli %scan3A_245, %mul3A_324 : i32
        %add3A_326 = arith.constant 1 : i32
        %add3A_327 = arith.addi %mul3A_325, %add3A_326 : i32
        %get3A_328 = arith.index_cast %add3A_327 : i32 to index
        %get3A_329 = arith.constant 16 : index
        %get3A_330 = tpu.vector_load %arg6[%get3A_328, %get3A_329] {strides = array<i32>} : memref<256x64xf32, #tpu.memory_space<vmem>>, vector<1x16xf32>,
        %get3A_331 = vector.shape_cast %get3A_330 : vector<1x16xf32> to vector<16xf32>
        %add3A_332 = arith.constant 8.000000e+00 : f32
        %add3A_333 = vector.broadcast %add3A_332 : f32 to vector<16xf32>
        %add3A_334 = arith.addf %get3A_331, %add3A_333 : vector<16xf32>
        %swap3A_335 = arith.index_cast %add3A_327 : i32 to index
        %swap3A_336 = arith.constant 16 : index
        %swap3A_337 = tpu.vector_load %arg6[%swap3A_335, %swap3A_336] {strides = array<i32>} : memref<256x64xf32, #tpu.memory_space<vmem>>, vector<1x16xf32>,
        %swap3A_338 = vector.shape_cast %swap3A_337 : vector<1x16xf32> to vector<16xf32>
        %swap3A_339 = vector.shape_cast %add3A_334 : vector<16xf32> to vector<1x16xf32>
        tpu.vector_store %arg6[%swap3A_335, %swap3A_336], %swap3A_339 {strides = array<i32>} : memref<256x64xf32, #tpu.memory_space<vmem>>, vector<1x16xf32>,
        %mul3A_340 = arith.constant 8 : i32
        %mul3A_341 = arith.muli %scan3A_245, %mul3A_340 : i32
        %add3A_342 = arith.constant 1 : i32
        %add3A_343 = arith.addi %mul3A_341, %add3A_342 : i32
        %get3A_344 = arith.index_cast %add3A_343 : i32 to index
        %get3A_345 = arith.constant 32 : index
        %get3A_346 = tpu.vector_load %arg6[%get3A_344, %get3A_345] {strides = array<i32>} : memref<256x64xf32, #tpu.memory_space<vmem>>, vector<1x16xf32>,
        %get3A_347 = vector.shape_cast %get3A_346 : vector<1x16xf32> to vector<16xf32>
        %add3A_348 = arith.constant 8.000000e+00 : f32
        %add3A_349 = vector.broadcast %add3A_348 : f32 to vector<16xf32>
        %add3A_350 = arith.addf %get3A_347, %add3A_349 : vector<16xf32>
        %swap3A_351 = arith.index_cast %add3A_343 : i32 to index
        %swap3A_352 = arith.constant 32 : index
        %swap3A_353 = tpu.vector_load %arg6[%swap3A_351, %swap3A_352] {strides = array<i32>} : memref<256x64xf32, #tpu.memory_space<vmem>>, vector<1x16xf32>,
        %swap3A_354 = vector.shape_cast %swap3A_353 : vector<1x16xf32> to vector<16xf32>
        %swap3A_355 = vector.shape_cast %add3A_350 : vector<16xf32> to vector<1x16xf32>
        tpu.vector_store %arg6[%swap3A_351, %swap3A_352], %swap3A_355 {strides = array<i32>} : memref<256x64xf32, #tpu.memory_space<vmem>>, vector<1x16xf32>,
        %mul3A_356 = arith.constant 8 : i32
        %mul3A_357 = arith.muli %scan3A_245, %mul3A_356 : i32
        %add3A_358 = arith.constant 1 : i32
        %add3A_359 = arith.addi %mul3A_357, %add3A_358 : i32
        %get3A_360 = arith.index_cast %add3A_359 : i32 to index
        %get3A_361 = arith.constant 48 : index
        %get3A_362 = tpu.vector_load %arg6[%get3A_360, %get3A_361] {strides = array<i32>} : memref<256x64xf32, #tpu.memory_space<vmem>>, vector<1x16xf32>,
        %get3A_363 = vector.shape_cast %get3A_362 : vector<1x16xf32> to vector<16xf32>
        %add3A_364 = arith.constant 8.000000e+00 : f32
        %add3A_365 = vector.broadcast %add3A_364 : f32 to vector<16xf32>
        %add3A_366 = arith.addf %get3A_363, %add3A_365 : vector<16xf32>
        %swap3A_367 = arith.index_cast %add3A_359 : i32 to index
        %swap3A_368 = arith.constant 48 : index
        %swap3A_369 = tpu.vector_load %arg6[%swap3A_367, %swap3A_368] {strides = array<i32>} : memref<256x64xf32, #tpu.memory_space<vmem>>, vector<1x16xf32>,
        %swap3A_370 = vector.shape_cast %swap3A_369 : vector<1x16xf32> to vector<16xf32>
        %swap3A_371 = vector.shape_cast %add3A_366 : vector<16xf32> to vector<1x16xf32>
        tpu.vector_store %arg6[%swap3A_367, %swap3A_368], %swap3A_371 {strides = array<i32>} : memref<256x64xf32, #tpu.memory_space<vmem>>, vector<1x16xf32>,
        %mul3A_372 = arith.constant 8 : i32
        %mul3A_373 = arith.muli %scan3A_245, %mul3A_372 : i32
        %add3A_374 = arith.constant 2 : i32
        %add3A_375 = arith.addi %mul3A_373, %add3A_374 : i32
        %get3A_376 = arith.index_cast %add3A_375 : i32 to index
        %get3A_377 = arith.constant 0 : index
        %get3A_378 = tpu.vector_load %arg6[%get3A_376, %get3A_377] {strides = array<i32>} : memref<256x64xf32, #tpu.memory_space<vmem>>, vector<1x16xf32>,
        %get3A_379 = vector.shape_cast %get3A_378 : vector<1x16xf32> to vector<16xf32>
        %add3A_380 = arith.constant 8.000000e+00 : f32
        %add3A_381 = vector.broadcast %add3A_380 : f32 to vector<16xf32>
        %add3A_382 = arith.addf %get3A_379, %add3A_381 : vector<16xf32>
        %swap3A_383 = arith.index_cast %add3A_375 : i32 to index
        %swap3A_384 = arith.constant 0 : index
        %swap3A_385 = tpu.vector_load %arg6[%swap3A_383, %swap3A_384] {strides = array<i32>} : memref<256x64xf32, #tpu.memory_space<vmem>>, vector<1x16xf32>,
        %swap3A_386 = vector.shape_cast %swap3A_385 : vector<1x16xf32> to vector<16xf32>
        %swap3A_387 = vector.shape_cast %add3A_382 : vector<16xf32> to vector<1x16xf32>
        tpu.vector_store %arg6[%swap3A_383, %swap3A_384], %swap3A_387 {strides = array<i32>} : memref<256x64xf32, #tpu.memory_space<vmem>>, vector<1x16xf32>,
        %mul3A_388 = arith.constant 8 : i32
        %mul3A_389 = arith.muli %scan3A_245, %mul3A_388 : i32
        %add3A_390 = arith.constant 2 : i32
        %add3A_391 = arith.addi %mul3A_389, %add3A_390 : i32
        %get3A_392 = arith.index_cast %add3A_391 : i32 to index
        %get3A_393 = arith.constant 16 : index
        %get3A_394 = tpu.vector_load %arg6[%get3A_392, %get3A_393] {strides = array<i32>} : memref<256x64xf32, #tpu.memory_space<vmem>>, vector<1x16xf32>,
        %get3A_395 = vector.shape_cast %get3A_394 : vector<1x16xf32> to vector<16xf32>
        %add3A_396 = arith.constant 8.000000e+00 : f32
        %add3A_397 = vector.broadcast %add3A_396 : f32 to vector<16xf32>
        %add3A_398 = arith.addf %get3A_395, %add3A_397 : vector<16xf32>
        %swap3A_399 = arith.index_cast %add3A_391 : i32 to index
        %swap3A_400 = arith.constant 16 : index
        %swap3A_401 = tpu.vector_load %arg6[%swap3A_399, %swap3A_400] {strides = array<i32>} : memref<256x64xf32, #tpu.memory_space<vmem>>, vector<1x16xf32>,
        %swap3A_402 = vector.shape_cast %swap3A_401 : vector<1x16xf32> to vector<16xf32>
        %swap3A_403 = vector.shape_cast %add3A_398 : vector<16xf32> to vector<1x16xf32>
        tpu.vector_store %arg6[%swap3A_399, %swap3A_400], %swap3A_403 {strides = array<i32>} : memref<256x64xf32, #tpu.memory_space<vmem>>, vector<1x16xf32>,
        %mul3A_404 = arith.constant 8 : i32
        %mul3A_405 = arith.muli %scan3A_245, %mul3A_404 : i32
        %add3A_406 = arith.constant 2 : i32
        %add3A_407 = arith.addi %mul3A_405, %add3A_406 : i32
        %get3A_408 = arith.index_cast %add3A_407 : i32 to index
        %get3A_409 = arith.constant 32 : index
        %get3A_410 = tpu.vector_load %arg6[%get3A_408, %get3A_409] {strides = array<i32>} : memref<256x64xf32, #tpu.memory_space<vmem>>, vector<1x16xf32>,
        %get3A_411 = vector.shape_cast %get3A_410 : vector<1x16xf32> to vector<16xf32>
        %add3A_412 = arith.constant 8.000000e+00 : f32
        %add3A_413 = vector.broadcast %add3A_412 : f32 to vector<16xf32>
        %add3A_414 = arith.addf %get3A_411, %add3A_413 : vector<16xf32>
        %swap3A_415 = arith.index_cast %add3A_407 : i32 to index
        %swap3A_416 = arith.constant 32 : index
        %swap3A_417 = tpu.vector_load %arg6[%swap3A_415, %swap3A_416] {strides = array<i32>} : memref<256x64xf32, #tpu.memory_space<vmem>>, vector<1x16xf32>,
        %swap3A_418 = vector.shape_cast %swap3A_417 : vector<1x16xf32> to vector<16xf32>
        %swap3A_419 = vector.shape_cast %add3A_414 : vector<16xf32> to vector<1x16xf32>
        tpu.vector_store %arg6[%swap3A_415, %swap3A_416], %swap3A_419 {strides = array<i32>} : memref<256x64xf32, #tpu.memory_space<vmem>>, vector<1x16xf32>,
        %mul3A_420 = arith.constant 8 : i32
        %mul3A_421 = arith.muli %scan3A_245, %mul3A_420 : i32
        %add3A_422 = arith.constant 2 : i32
        %add3A_423 = arith.addi %mul3A_421, %add3A_422 : i32
        %get3A_424 = arith.index_cast %add3A_423 : i32 to index
        %get3A_425 = arith.constant 48 : index
        %get3A_426 = tpu.vector_load %arg6[%get3A_424, %get3A_425] {strides = array<i32>} : memref<256x64xf32, #tpu.memory_space<vmem>>, vector<1x16xf32>,
        %get3A_427 = vector.shape_cast %get3A_426 : vector<1x16xf32> to vector<16xf32>
        %add3A_428 = arith.constant 8.000000e+00 : f32
        %add3A_429 = vector.broadcast %add3A_428 : f32 to vector<16xf32>
        %add3A_430 = arith.addf %get3A_427, %add3A_429 : vector<16xf32>
        %swap3A_431 = arith.index_cast %add3A_423 : i32 to index
        %swap3A_432 = arith.constant 48 : index
        %swap3A_433 = tpu.vector_load %arg6[%swap3A_431, %swap3A_432] {strides = array<i32>} : memref<256x64xf32, #tpu.memory_space<vmem>>, vector<1x16xf32>,
        %swap3A_434 = vector.shape_cast %swap3A_433 : vector<1x16xf32> to vector<16xf32>
        %swap3A_435 = vector.shape_cast %add3A_430 : vector<16xf32> to vector<1x16xf32>
        tpu.vector_store %arg6[%swap3A_431, %swap3A_432], %swap3A_435 {strides = array<i32>} : memref<256x64xf32, #tpu.memory_space<vmem>>, vector<1x16xf32>,
        %mul3A_436 = arith.constant 8 : i32
        %mul3A_437 = arith.muli %scan3A_245, %mul3A_436 : i32
        %add3A_438 = arith.constant 3 : i32
        %add3A_439 = arith.addi %mul3A_437, %add3A_438 : i32
        %get3A_440 = arith.index_cast %add3A_439 : i32 to index
        %get3A_441 = arith.constant 0 : index
        %get3A_442 = tpu.vector_load %arg6[%get3A_440, %get3A_441] {strides = array<i32>} : memref<256x64xf32, #tpu.memory_space<vmem>>, vector<1x16xf32>,
        %get3A_443 = vector.shape_cast %get3A_442 : vector<1x16xf32> to vector<16xf32>
        %add3A_444 = arith.constant 8.000000e+00 : f32
        %add3A_445 = vector.broadcast %add3A_444 : f32 to vector<16xf32>
        %add3A_446 = arith.addf %get3A_443, %add3A_445 : vector<16xf32>
        %swap3A_447 = arith.index_cast %add3A_439 : i32 to index
        %swap3A_448 = arith.constant 0 : index
        %swap3A_449 = tpu.vector_load %arg6[%swap3A_447, %swap3A_448] {strides = array<i32>} : memref<256x64xf32, #tpu.memory_space<vmem>>, vector<1x16xf32>,
        %swap3A_450 = vector.shape_cast %swap3A_449 : vector<1x16xf32> to vector<16xf32>
        %swap3A_451 = vector.shape_cast %add3A_446 : vector<16xf32> to vector<1x16xf32>
        tpu.vector_store %arg6[%swap3A_447, %swap3A_448], %swap3A_451 {strides = array<i32>} : memref<256x64xf32, #tpu.memory_space<vmem>>, vector<1x16xf32>,
        %mul3A_452 = arith.constant 8 : i32
        %mul3A_453 = arith.muli %scan3A_245, %mul3A_452 : i32
        %add3A_454 = arith.constant 3 : i32
        %add3A_455 = arith.addi %mul3A_453, %add3A_454 : i32
        %get3A_456 = arith.index_cast %add3A_455 : i32 to index
        %get3A_457 = arith.constant 16 : index
        %get3A_458 = tpu.vector_load %arg6[%get3A_456, %get3A_457] {strides = array<i32>} : memref<256x64xf32, #tpu.memory_space<vmem>>, vector<1x16xf32>,
        %get3A_459 = vector.shape_cast %get3A_458 : vector<1x16xf32> to vector<16xf32>
        %add3A_460 = arith.constant 8.000000e+00 : f32
        %add3A_461 = vector.broadcast %add3A_460 : f32 to vector<16xf32>
        %add3A_462 = arith.addf %get3A_459, %add3A_461 : vector<16xf32>
        %swap3A_463 = arith.index_cast %add3A_455 : i32 to index
        %swap3A_464 = arith.constant 16 : index
        %swap3A_465 = tpu.vector_load %arg6[%swap3A_463, %swap3A_464] {strides = array<i32>} : memref<256x64xf32, #tpu.memory_space<vmem>>, vector<1x16xf32>,
        %swap3A_466 = vector.shape_cast %swap3A_465 : vector<1x16xf32> to vector<16xf32>
        %swap3A_467 = vector.shape_cast %add3A_462 : vector<16xf32> to vector<1x16xf32>
        tpu.vector_store %arg6[%swap3A_463, %swap3A_464], %swap3A_467 {strides = array<i32>} : memref<256x64xf32, #tpu.memory_space<vmem>>, vector<1x16xf32>,
        %mul3A_468 = arith.constant 8 : i32
        %mul3A_469 = arith.muli %scan3A_245, %mul3A_468 : i32
        %add3A_470 = arith.constant 3 : i32
        %add3A_471 = arith.addi %mul3A_469, %add3A_470 : i32
        %get3A_472 = arith.index_cast %add3A_471 : i32 to index
        %get3A_473 = arith.constant 32 : index
        %get3A_474 = tpu.vector_load %arg6[%get3A_472, %get3A_473] {strides = array<i32>} : memref<256x64xf32, #tpu.memory_space<vmem>>, vector<1x16xf32>,
        %get3A_475 = vector.shape_cast %get3A_474 : vector<1x16xf32> to vector<16xf32>
        %add3A_476 = arith.constant 8.000000e+00 : f32
        %add3A_477 = vector.broadcast %add3A_476 : f32 to vector<16xf32>
        %add3A_478 = arith.addf %get3A_475, %add3A_477 : vector<16xf32>
        %swap3A_479 = arith.index_cast %add3A_471 : i32 to index
        %swap3A_480 = arith.constant 32 : index
        %swap3A_481 = tpu.vector_load %arg6[%swap3A_479, %swap3A_480] {strides = array<i32>} : memref<256x64xf32, #tpu.memory_space<vmem>>, vector<1x16xf32>,
        %swap3A_482 = vector.shape_cast %swap3A_481 : vector<1x16xf32> to vector<16xf32>
        %swap3A_483 = vector.shape_cast %add3A_478 : vector<16xf32> to vector<1x16xf32>
        tpu.vector_store %arg6[%swap3A_479, %swap3A_480], %swap3A_483 {strides = array<i32>} : memref<256x64xf32, #tpu.memory_space<vmem>>, vector<1x16xf32>,
        %mul3A_484 = arith.constant 8 : i32
        %mul3A_485 = arith.muli %scan3A_245, %mul3A_484 : i32
        %add3A_486 = arith.constant 3 : i32
        %add3A_487 = arith.addi %mul3A_485, %add3A_486 : i32
        %get3A_488 = arith.index_cast %add3A_487 : i32 to index
        %get3A_489 = arith.constant 48 : index
        %get3A_490 = tpu.vector_load %arg6[%get3A_488, %get3A_489] {strides = array<i32>} : memref<256x64xf32, #tpu.memory_space<vmem>>, vector<1x16xf32>,
        %get3A_491 = vector.shape_cast %get3A_490 : vector<1x16xf32> to vector<16xf32>
        %add3A_492 = arith.constant 8.000000e+00 : f32
        %add3A_493 = vector.broadcast %add3A_492 : f32 to vector<16xf32>
        %add3A_494 = arith.addf %get3A_491, %add3A_493 : vector<16xf32>
        %swap3A_495 = arith.index_cast %add3A_487 : i32 to index
        %swap3A_496 = arith.constant 48 : index
        %swap3A_497 = tpu.vector_load %arg6[%swap3A_495, %swap3A_496] {strides = array<i32>} : memref<256x64xf32, #tpu.memory_space<vmem>>, vector<1x16xf32>,
        %swap3A_498 = vector.shape_cast %swap3A_497 : vector<1x16xf32> to vector<16xf32>
        %swap3A_499 = vector.shape_cast %add3A_494 : vector<16xf32> to vector<1x16xf32>
        tpu.vector_store %arg6[%swap3A_495, %swap3A_496], %swap3A_499 {strides = array<i32>} : memref<256x64xf32, #tpu.memory_space<vmem>>, vector<1x16xf32>,
        %mul3A_500 = arith.constant 8 : i32
        %mul3A_501 = arith.muli %scan3A_245, %mul3A_500 : i32
        %add3A_502 = arith.constant 4 : i32
        %add3A_503 = arith.addi %mul3A_501, %add3A_502 : i32
        %get3A_504 = arith.index_cast %add3A_503 : i32 to index
        %get3A_505 = arith.constant 0 : index
        %get3A_506 = tpu.vector_load %arg6[%get3A_504, %get3A_505] {strides = array<i32>} : memref<256x64xf32, #tpu.memory_space<vmem>>, vector<1x16xf32>,
        %get3A_507 = vector.shape_cast %get3A_506 : vector<1x16xf32> to vector<16xf32>
        %add3A_508 = arith.constant 8.000000e+00 : f32
        %add3A_509 = vector.broadcast %add3A_508 : f32 to vector<16xf32>
        %add3A_510 = arith.addf %get3A_507, %add3A_509 : vector<16xf32>
        %swap3A_511 = arith.index_cast %add3A_503 : i32 to index
        %swap3A_512 = arith.constant 0 : index
        %swap3A_513 = tpu.vector_load %arg6[%swap3A_511, %swap3A_512] {strides = array<i32>} : memref<256x64xf32, #tpu.memory_space<vmem>>, vector<1x16xf32>,
        %swap3A_514 = vector.shape_cast %swap3A_513 : vector<1x16xf32> to vector<16xf32>
        %swap3A_515 = vector.shape_cast %add3A_510 : vector<16xf32> to vector<1x16xf32>
        tpu.vector_store %arg6[%swap3A_511, %swap3A_512], %swap3A_515 {strides = array<i32>} : memref<256x64xf32, #tpu.memory_space<vmem>>, vector<1x16xf32>,
        %mul3A_516 = arith.constant 8 : i32
        %mul3A_517 = arith.muli %scan3A_245, %mul3A_516 : i32
        %add3A_518 = arith.constant 4 : i32
        %add3A_519 = arith.addi %mul3A_517, %add3A_518 : i32
        %get3A_520 = arith.index_cast %add3A_519 : i32 to index
        %get3A_521 = arith.constant 16 : index
        %get3A_522 = tpu.vector_load %arg6[%get3A_520, %get3A_521] {strides = array<i32>} : memref<256x64xf32, #tpu.memory_space<vmem>>, vector<1x16xf32>,
        %get3A_523 = vector.shape_cast %get3A_522 : vector<1x16xf32> to vector<16xf32>
        %add3A_524 = arith.constant 8.000000e+00 : f32
        %add3A_525 = vector.broadcast %add3A_524 : f32 to vector<16xf32>
        %add3A_526 = arith.addf %get3A_523, %add3A_525 : vector<16xf32>
        %swap3A_527 = arith.index_cast %add3A_519 : i32 to index
        %swap3A_528 = arith.constant 16 : index
        %swap3A_529 = tpu.vector_load %arg6[%swap3A_527, %swap3A_528] {strides = array<i32>} : memref<256x64xf32, #tpu.memory_space<vmem>>, vector<1x16xf32>,
        %swap3A_530 = vector.shape_cast %swap3A_529 : vector<1x16xf32> to vector<16xf32>
        %swap3A_531 = vector.shape_cast %add3A_526 : vector<16xf32> to vector<1x16xf32>
        tpu.vector_store %arg6[%swap3A_527, %swap3A_528], %swap3A_531 {strides = array<i32>} : memref<256x64xf32, #tpu.memory_space<vmem>>, vector<1x16xf32>,
        %mul3A_532 = arith.constant 8 : i32
        %mul3A_533 = arith.muli %scan3A_245, %mul3A_532 : i32
        %add3A_534 = arith.constant 4 : i32
        %add3A_535 = arith.addi %mul3A_533, %add3A_534 : i32
        %get3A_536 = arith.index_cast %add3A_535 : i32 to index
        %get3A_537 = arith.constant 32 : index
        %get3A_538 = tpu.vector_load %arg6[%get3A_536, %get3A_537] {strides = array<i32>} : memref<256x64xf32, #tpu.memory_space<vmem>>, vector<1x16xf32>,
        %get3A_539 = vector.shape_cast %get3A_538 : vector<1x16xf32> to vector<16xf32>
        %add3A_540 = arith.constant 8.000000e+00 : f32
        %add3A_541 = vector.broadcast %add3A_540 : f32 to vector<16xf32>
        %add3A_542 = arith.addf %get3A_539, %add3A_541 : vector<16xf32>
        %swap3A_543 = arith.index_cast %add3A_535 : i32 to index
        %swap3A_544 = arith.constant 32 : index
        %swap3A_545 = tpu.vector_load %arg6[%swap3A_543, %swap3A_544] {strides = array<i32>} : memref<256x64xf32, #tpu.memory_space<vmem>>, vector<1x16xf32>,
        %swap3A_546 = vector.shape_cast %swap3A_545 : vector<1x16xf32> to vector<16xf32>
        %swap3A_547 = vector.shape_cast %add3A_542 : vector<16xf32> to vector<1x16xf32>
        tpu.vector_store %arg6[%swap3A_543, %swap3A_544], %swap3A_547 {strides = array<i32>} : memref<256x64xf32, #tpu.memory_space<vmem>>, vector<1x16xf32>,
        %mul3A_548 = arith.constant 8 : i32
        %mul3A_549 = arith.muli %scan3A_245, %mul3A_548 : i32
        %add3A_550 = arith.constant 4 : i32
        %add3A_551 = arith.addi %mul3A_549, %add3A_550 : i32
        %get3A_552 = arith.index_cast %add3A_551 : i32 to index
        %get3A_553 = arith.constant 48 : index
        %get3A_554 = tpu.vector_load %arg6[%get3A_552, %get3A_553] {strides = array<i32>} : memref<256x64xf32, #tpu.memory_space<vmem>>, vector<1x16xf32>,
        %get3A_555 = vector.shape_cast %get3A_554 : vector<1x16xf32> to vector<16xf32>
        %add3A_556 = arith.constant 8.000000e+00 : f32
        %add3A_557 = vector.broadcast %add3A_556 : f32 to vector<16xf32>
        %add3A_558 = arith.addf %get3A_555, %add3A_557 : vector<16xf32>
        %swap3A_559 = arith.index_cast %add3A_551 : i32 to index
        %swap3A_560 = arith.constant 48 : index
        %swap3A_561 = tpu.vector_load %arg6[%swap3A_559, %swap3A_560] {strides = array<i32>} : memref<256x64xf32, #tpu.memory_space<vmem>>, vector<1x16xf32>,
        %swap3A_562 = vector.shape_cast %swap3A_561 : vector<1x16xf32> to vector<16xf32>
        %swap3A_563 = vector.shape_cast %add3A_558 : vector<16xf32> to vector<1x16xf32>
        tpu.vector_store %arg6[%swap3A_559, %swap3A_560], %swap3A_563 {strides = array<i32>} : memref<256x64xf32, #tpu.memory_space<vmem>>, vector<1x16xf32>,
        %mul3A_564 = arith.constant 8 : i32
        %mul3A_565 = arith.muli %scan3A_245, %mul3A_564 : i32
        %add3A_566 = arith.constant 5 : i32
        %add3A_567 = arith.addi %mul3A_565, %add3A_566 : i32
        %get3A_568 = arith.index_cast %add3A_567 : i32 to index
        %get3A_569 = arith.constant 0 : index
        %get3A_570 = tpu.vector_load %arg6[%get3A_568, %get3A_569] {strides = array<i32>} : memref<256x64xf32, #tpu.memory_space<vmem>>, vector<1x16xf32>,
        %get3A_571 = vector.shape_cast %get3A_570 : vector<1x16xf32> to vector<16xf32>
        %add3A_572 = arith.constant 8.000000e+00 : f32
        %add3A_573 = vector.broadcast %add3A_572 : f32 to vector<16xf32>
        %add3A_574 = arith.addf %get3A_571, %add3A_573 : vector<16xf32>
        %swap3A_575 = arith.index_cast %add3A_567 : i32 to index
        %swap3A_576 = arith.constant 0 : index
        %swap3A_577 = tpu.vector_load %arg6[%swap3A_575, %swap3A_576] {strides = array<i32>} : memref<256x64xf32, #tpu.memory_space<vmem>>, vector<1x16xf32>,
        %swap3A_578 = vector.shape_cast %swap3A_577 : vector<1x16xf32> to vector<16xf32>
        %swap3A_579 = vector.shape_cast %add3A_574 : vector<16xf32> to vector<1x16xf32>
        tpu.vector_store %arg6[%swap3A_575, %swap3A_576], %swap3A_579 {strides = array<i32>} : memref<256x64xf32, #tpu.memory_space<vmem>>, vector<1x16xf32>,
        %mul3A_580 = arith.constant 8 : i32
        %mul3A_581 = arith.muli %scan3A_245, %mul3A_580 : i32
        %add3A_582 = arith.constant 5 : i32
        %add3A_583 = arith.addi %mul3A_581, %add3A_582 : i32
        %get3A_584 = arith.index_cast %add3A_583 : i32 to index
        %get3A_585 = arith.constant 16 : index
        %get3A_586 = tpu.vector_load %arg6[%get3A_584, %get3A_585] {strides = array<i32>} : memref<256x64xf32, #tpu.memory_space<vmem>>, vector<1x16xf32>,
        %get3A_587 = vector.shape_cast %get3A_586 : vector<1x16xf32> to vector<16xf32>
        %add3A_588 = arith.constant 8.000000e+00 : f32
        %add3A_589 = vector.broadcast %add3A_588 : f32 to vector<16xf32>
        %add3A_590 = arith.addf %get3A_587, %add3A_589 : vector<16xf32>
        %swap3A_591 = arith.index_cast %add3A_583 : i32 to index
        %swap3A_592 = arith.constant 16 : index
        %swap3A_593 = tpu.vector_load %arg6[%swap3A_591, %swap3A_592] {strides = array<i32>} : memref<256x64xf32, #tpu.memory_space<vmem>>, vector<1x16xf32>,
        %swap3A_594 = vector.shape_cast %swap3A_593 : vector<1x16xf32> to vector<16xf32>
        %swap3A_595 = vector.shape_cast %add3A_590 : vector<16xf32> to vector<1x16xf32>
        tpu.vector_store %arg6[%swap3A_591, %swap3A_592], %swap3A_595 {strides = array<i32>} : memref<256x64xf32, #tpu.memory_space<vmem>>, vector<1x16xf32>,
        %mul3A_596 = arith.constant 8 : i32
        %mul3A_597 = arith.muli %scan3A_245, %mul3A_596 : i32
        %add3A_598 = arith.constant 5 : i32
        %add3A_599 = arith.addi %mul3A_597, %add3A_598 : i32
        %get3A_600 = arith.index_cast %add3A_599 : i32 to index
        %get3A_601 = arith.constant 32 : index
        %get3A_602 = tpu.vector_load %arg6[%get3A_600, %get3A_601] {strides = array<i32>} : memref<256x64xf32, #tpu.memory_space<vmem>>, vector<1x16xf32>,
        %get3A_603 = vector.shape_cast %get3A_602 : vector<1x16xf32> to vector<16xf32>
        %add3A_604 = arith.constant 8.000000e+00 : f32
        %add3A_605 = vector.broadcast %add3A_604 : f32 to vector<16xf32>
        %add3A_606 = arith.addf %get3A_603, %add3A_605 : vector<16xf32>
        %swap3A_607 = arith.index_cast %add3A_599 : i32 to index
        %swap3A_608 = arith.constant 32 : index
        %swap3A_609 = tpu.vector_load %arg6[%swap3A_607, %swap3A_608] {strides = array<i32>} : memref<256x64xf32, #tpu.memory_space<vmem>>, vector<1x16xf32>,
        %swap3A_610 = vector.shape_cast %swap3A_609 : vector<1x16xf32> to vector<16xf32>
        %swap3A_611 = vector.shape_cast %add3A_606 : vector<16xf32> to vector<1x16xf32>
        tpu.vector_store %arg6[%swap3A_607, %swap3A_608], %swap3A_611 {strides = array<i32>} : memref<256x64xf32, #tpu.memory_space<vmem>>, vector<1x16xf32>,
        %mul3A_612 = arith.constant 8 : i32
        %mul3A_613 = arith.muli %scan3A_245, %mul3A_612 : i32
        %add3A_614 = arith.constant 5 : i32
        %add3A_615 = arith.addi %mul3A_613, %add3A_614 : i32
        %get3A_616 = arith.index_cast %add3A_615 : i32 to index
        %get3A_617 = arith.constant 48 : index
        %get3A_618 = tpu.vector_load %arg6[%get3A_616, %get3A_617] {strides = array<i32>} : memref<256x64xf32, #tpu.memory_space<vmem>>, vector<1x16xf32>,
        %get3A_619 = vector.shape_cast %get3A_618 : vector<1x16xf32> to vector<16xf32>
        %add3A_620 = arith.constant 8.000000e+00 : f32
        %add3A_621 = vector.broadcast %add3A_620 : f32 to vector<16xf32>
        %add3A_622 = arith.addf %get3A_619, %add3A_621 : vector<16xf32>
        %swap3A_623 = arith.index_cast %add3A_615 : i32 to index
        %swap3A_624 = arith.constant 48 : index
        %swap3A_625 = tpu.vector_load %arg6[%swap3A_623, %swap3A_624] {strides = array<i32>} : memref<256x64xf32, #tpu.memory_space<vmem>>, vector<1x16xf32>,
        %swap3A_626 = vector.shape_cast %swap3A_625 : vector<1x16xf32> to vector<16xf32>
        %swap3A_627 = vector.shape_cast %add3A_622 : vector<16xf32> to vector<1x16xf32>
        tpu.vector_store %arg6[%swap3A_623, %swap3A_624], %swap3A_627 {strides = array<i32>} : memref<256x64xf32, #tpu.memory_space<vmem>>, vector<1x16xf32>,
        %mul3A_628 = arith.constant 8 : i32
        %mul3A_629 = arith.muli %scan3A_245, %mul3A_628 : i32
        %add3A_630 = arith.constant 6 : i32
        %add3A_631 = arith.addi %mul3A_629, %add3A_630 : i32
        %get3A_632 = arith.index_cast %add3A_631 : i32 to index
        %get3A_633 = arith.constant 0 : index
        %get3A_634 = tpu.vector_load %arg6[%get3A_632, %get3A_633] {strides = array<i32>} : memref<256x64xf32, #tpu.memory_space<vmem>>, vector<1x16xf32>,
        %get3A_635 = vector.shape_cast %get3A_634 : vector<1x16xf32> to vector<16xf32>
        %add3A_636 = arith.constant 8.000000e+00 : f32
        %add3A_637 = vector.broadcast %add3A_636 : f32 to vector<16xf32>
        %add3A_638 = arith.addf %get3A_635, %add3A_637 : vector<16xf32>
        %swap3A_639 = arith.index_cast %add3A_631 : i32 to index
        %swap3A_640 = arith.constant 0 : index
        %swap3A_641 = tpu.vector_load %arg6[%swap3A_639, %swap3A_640] {strides = array<i32>} : memref<256x64xf32, #tpu.memory_space<vmem>>, vector<1x16xf32>,
        %swap3A_642 = vector.shape_cast %swap3A_641 : vector<1x16xf32> to vector<16xf32>
        %swap3A_643 = vector.shape_cast %add3A_638 : vector<16xf32> to vector<1x16xf32>
        tpu.vector_store %arg6[%swap3A_639, %swap3A_640], %swap3A_643 {strides = array<i32>} : memref<256x64xf32, #tpu.memory_space<vmem>>, vector<1x16xf32>,
        %mul3A_644 = arith.constant 8 : i32
        %mul3A_645 = arith.muli %scan3A_245, %mul3A_644 : i32
        %add3A_646 = arith.constant 6 : i32
        %add3A_647 = arith.addi %mul3A_645, %add3A_646 : i32
        %get3A_648 = arith.index_cast %add3A_647 : i32 to index
        %get3A_649 = arith.constant 16 : index
        %get3A_650 = tpu.vector_load %arg6[%get3A_648, %get3A_649] {strides = array<i32>} : memref<256x64xf32, #tpu.memory_space<vmem>>, vector<1x16xf32>,
        %get3A_651 = vector.shape_cast %get3A_650 : vector<1x16xf32> to vector<16xf32>
        %add3A_652 = arith.constant 8.000000e+00 : f32
        %add3A_653 = vector.broadcast %add3A_652 : f32 to vector<16xf32>
        %add3A_654 = arith.addf %get3A_651, %add3A_653 : vector<16xf32>
        %swap3A_655 = arith.index_cast %add3A_647 : i32 to index
        %swap3A_656 = arith.constant 16 : index
        %swap3A_657 = tpu.vector_load %arg6[%swap3A_655, %swap3A_656] {strides = array<i32>} : memref<256x64xf32, #tpu.memory_space<vmem>>, vector<1x16xf32>,
        %swap3A_658 = vector.shape_cast %swap3A_657 : vector<1x16xf32> to vector<16xf32>
        %swap3A_659 = vector.shape_cast %add3A_654 : vector<16xf32> to vector<1x16xf32>
        tpu.vector_store %arg6[%swap3A_655, %swap3A_656], %swap3A_659 {strides = array<i32>} : memref<256x64xf32, #tpu.memory_space<vmem>>, vector<1x16xf32>,
        %mul3A_660 = arith.constant 8 : i32
        %mul3A_661 = arith.muli %scan3A_245, %mul3A_660 : i32
        %add3A_662 = arith.constant 6 : i32
        %add3A_663 = arith.addi %mul3A_661, %add3A_662 : i32
        %get3A_664 = arith.index_cast %add3A_663 : i32 to index
        %get3A_665 = arith.constant 32 : index
        %get3A_666 = tpu.vector_load %arg6[%get3A_664, %get3A_665] {strides = array<i32>} : memref<256x64xf32, #tpu.memory_space<vmem>>, vector<1x16xf32>,
        %get3A_667 = vector.shape_cast %get3A_666 : vector<1x16xf32> to vector<16xf32>
        %add3A_668 = arith.constant 8.000000e+00 : f32
        %add3A_669 = vector.broadcast %add3A_668 : f32 to vector<16xf32>
        %add3A_670 = arith.addf %get3A_667, %add3A_669 : vector<16xf32>
        %swap3A_671 = arith.index_cast %add3A_663 : i32 to index
        %swap3A_672 = arith.constant 32 : index
        %swap3A_673 = tpu.vector_load %arg6[%swap3A_671, %swap3A_672] {strides = array<i32>} : memref<256x64xf32, #tpu.memory_space<vmem>>, vector<1x16xf32>,
        %swap3A_674 = vector.shape_cast %swap3A_673 : vector<1x16xf32> to vector<16xf32>
        %swap3A_675 = vector.shape_cast %add3A_670 : vector<16xf32> to vector<1x16xf32>
        tpu.vector_store %arg6[%swap3A_671, %swap3A_672], %swap3A_675 {strides = array<i32>} : memref<256x64xf32, #tpu.memory_space<vmem>>, vector<1x16xf32>,
        %mul3A_676 = arith.constant 8 : i32
        %mul3A_677 = arith.muli %scan3A_245, %mul3A_676 : i32
        %add3A_678 = arith.constant 6 : i32
        %add3A_679 = arith.addi %mul3A_677, %add3A_678 : i32
        %get3A_680 = arith.index_cast %add3A_679 : i32 to index
        %get3A_681 = arith.constant 48 : index
        %get3A_682 = tpu.vector_load %arg6[%get3A_680, %get3A_681] {strides = array<i32>} : memref<256x64xf32, #tpu.memory_space<vmem>>, vector<1x16xf32>,
        %get3A_683 = vector.shape_cast %get3A_682 : vector<1x16xf32> to vector<16xf32>
        %add3A_684 = arith.constant 8.000000e+00 : f32
        %add3A_685 = vector.broadcast %add3A_684 : f32 to vector<16xf32>
        %add3A_686 = arith.addf %get3A_683, %add3A_685 : vector<16xf32>
        %swap3A_687 = arith.index_cast %add3A_679 : i32 to index
        %swap3A_688 = arith.constant 48 : index
        %swap3A_689 = tpu.vector_load %arg6[%swap3A_687, %swap3A_688] {strides = array<i32>} : memref<256x64xf32, #tpu.memory_space<vmem>>, vector<1x16xf32>,
        %swap3A_690 = vector.shape_cast %swap3A_689 : vector<1x16xf32> to vector<16xf32>
        %swap3A_691 = vector.shape_cast %add3A_686 : vector<16xf32> to vector<1x16xf32>
        tpu.vector_store %arg6[%swap3A_687, %swap3A_688], %swap3A_691 {strides = array<i32>} : memref<256x64xf32, #tpu.memory_space<vmem>>, vector<1x16xf32>,
        %mul3A_692 = arith.constant 8 : i32
        %mul3A_693 = arith.muli %scan3A_245, %mul3A_692 : i32
        %add3A_694 = arith.constant 7 : i32
        %add3A_695 = arith.addi %mul3A_693, %add3A_694 : i32
        %get3A_696 = arith.index_cast %add3A_695 : i32 to index
        %get3A_697 = arith.constant 0 : index
        %get3A_698 = tpu.vector_load %arg6[%get3A_696, %get3A_697] {strides = array<i32>} : memref<256x64xf32, #tpu.memory_space<vmem>>, vector<1x16xf32>,
        %get3A_699 = vector.shape_cast %get3A_698 : vector<1x16xf32> to vector<16xf32>
        %add3A_700 = arith.constant 8.000000e+00 : f32
        %add3A_701 = vector.broadcast %add3A_700 : f32 to vector<16xf32>
        %add3A_702 = arith.addf %get3A_699, %add3A_701 : vector<16xf32>
        %swap3A_703 = arith.index_cast %add3A_695 : i32 to index
        %swap3A_704 = arith.constant 0 : index
        %swap3A_705 = tpu.vector_load %arg6[%swap3A_703, %swap3A_704] {strides = array<i32>} : memref<256x64xf32, #tpu.memory_space<vmem>>, vector<1x16xf32>,
        %swap3A_706 = vector.shape_cast %swap3A_705 : vector<1x16xf32> to vector<16xf32>
        %swap3A_707 = vector.shape_cast %add3A_702 : vector<16xf32> to vector<1x16xf32>
        tpu.vector_store %arg6[%swap3A_703, %swap3A_704], %swap3A_707 {strides = array<i32>} : memref<256x64xf32, #tpu.memory_space<vmem>>, vector<1x16xf32>,
        %mul3A_708 = arith.constant 8 : i32
        %mul3A_709 = arith.muli %scan3A_245, %mul3A_708 : i32
        %add3A_710 = arith.constant 7 : i32
        %add3A_711 = arith.addi %mul3A_709, %add3A_710 : i32
        %get3A_712 = arith.index_cast %add3A_711 : i32 to index
        %get3A_713 = arith.constant 16 : index
        %get3A_714 = tpu.vector_load %arg6[%get3A_712, %get3A_713] {strides = array<i32>} : memref<256x64xf32, #tpu.memory_space<vmem>>, vector<1x16xf32>,
        %get3A_715 = vector.shape_cast %get3A_714 : vector<1x16xf32> to vector<16xf32>
        %add3A_716 = arith.constant 8.000000e+00 : f32
        %add3A_717 = vector.broadcast %add3A_716 : f32 to vector<16xf32>
        %add3A_718 = arith.addf %get3A_715, %add3A_717 : vector<16xf32>
        %swap3A_719 = arith.index_cast %add3A_711 : i32 to index
        %swap3A_720 = arith.constant 16 : index
        %swap3A_721 = tpu.vector_load %arg6[%swap3A_719, %swap3A_720] {strides = array<i32>} : memref<256x64xf32, #tpu.memory_space<vmem>>, vector<1x16xf32>,
        %swap3A_722 = vector.shape_cast %swap3A_721 : vector<1x16xf32> to vector<16xf32>
        %swap3A_723 = vector.shape_cast %add3A_718 : vector<16xf32> to vector<1x16xf32>
        tpu.vector_store %arg6[%swap3A_719, %swap3A_720], %swap3A_723 {strides = array<i32>} : memref<256x64xf32, #tpu.memory_space<vmem>>, vector<1x16xf32>,
        %mul3A_724 = arith.constant 8 : i32
        %mul3A_725 = arith.muli %scan3A_245, %mul3A_724 : i32
        %add3A_726 = arith.constant 7 : i32
        %add3A_727 = arith.addi %mul3A_725, %add3A_726 : i32
        %get3A_728 = arith.index_cast %add3A_727 : i32 to index
        %get3A_729 = arith.constant 32 : index
        %get3A_730 = tpu.vector_load %arg6[%get3A_728, %get3A_729] {strides = array<i32>} : memref<256x64xf32, #tpu.memory_space<vmem>>, vector<1x16xf32>,
        %get3A_731 = vector.shape_cast %get3A_730 : vector<1x16xf32> to vector<16xf32>
        %add3A_732 = arith.constant 8.000000e+00 : f32
        %add3A_733 = vector.broadcast %add3A_732 : f32 to vector<16xf32>
        %add3A_734 = arith.addf %get3A_731, %add3A_733 : vector<16xf32>
        %swap3A_735 = arith.index_cast %add3A_727 : i32 to index
        %swap3A_736 = arith.constant 32 : index
        %swap3A_737 = tpu.vector_load %arg6[%swap3A_735, %swap3A_736] {strides = array<i32>} : memref<256x64xf32, #tpu.memory_space<vmem>>, vector<1x16xf32>,
        %swap3A_738 = vector.shape_cast %swap3A_737 : vector<1x16xf32> to vector<16xf32>
        %swap3A_739 = vector.shape_cast %add3A_734 : vector<16xf32> to vector<1x16xf32>
        tpu.vector_store %arg6[%swap3A_735, %swap3A_736], %swap3A_739 {strides = array<i32>} : memref<256x64xf32, #tpu.memory_space<vmem>>, vector<1x16xf32>,
        %mul3A_740 = arith.constant 8 : i32
        %mul3A_741 = arith.muli %scan3A_245, %mul3A_740 : i32
        %add3A_742 = arith.constant 7 : i32
        %add3A_743 = arith.addi %mul3A_741, %add3A_742 : i32
        %get3A_744 = arith.index_cast %add3A_743 : i32 to index
        %get3A_745 = arith.constant 48 : index
        %get3A_746 = tpu.vector_load %arg6[%get3A_744, %get3A_745] {strides = array<i32>} : memref<256x64xf32, #tpu.memory_space<vmem>>, vector<1x16xf32>,
        %get3A_747 = vector.shape_cast %get3A_746 : vector<1x16xf32> to vector<16xf32>
        %add3A_748 = arith.constant 8.000000e+00 : f32
        %add3A_749 = vector.broadcast %add3A_748 : f32 to vector<16xf32>
        %add3A_750 = arith.addf %get3A_747, %add3A_749 : vector<16xf32>
        %swap3A_751 = arith.index_cast %add3A_743 : i32 to index
        %swap3A_752 = arith.constant 48 : index
        %swap3A_753 = tpu.vector_load %arg6[%swap3A_751, %swap3A_752] {strides = array<i32>} : memref<256x64xf32, #tpu.memory_space<vmem>>, vector<1x16xf32>,
        %swap3A_754 = vector.shape_cast %swap3A_753 : vector<1x16xf32> to vector<16xf32>
        %swap3A_755 = vector.shape_cast %add3A_750 : vector<16xf32> to vector<1x16xf32>
        tpu.vector_store %arg6[%swap3A_751, %swap3A_752], %swap3A_755 {strides = array<i32>} : memref<256x64xf32, #tpu.memory_space<vmem>>, vector<1x16xf32>,
      }
      %scan3A_92 = arith.constant 32 : i32
      %mul3A_93 = arith.constant 256 : i32
      %mul3A_94 = arith.muli %add3A_50, %mul3A_93 : i32
      %add3A_95 = arith.addi %mul3A_2, %mul3A_94 : i32
      %dma_start3A_96 = arith.constant 0 : i32
      %dma_start3A_97 = tpu.memref_slice %arg4[%add3A_95, %dma_start3A_96] : memref<819200x64xf32, #tpu.memory_space<hbm>> -> memref<256x64xf32, #tpu.memory_space<hbm>>
      %dma_start3A_98 = arith.constant 0 : i32
      %dma_start3A_99 = tpu.memref_slice %arg4[%add3A_95, %dma_start3A_98] : memref<819200x64xf32, #tpu.memory_space<hbm>> -> memref<256x64xf32, #tpu.memory_space<hbm>>
      tpu.enqueue_dma source(%arg6 : memref<256x64xf32, #tpu.memory_space<vmem>>) target(%dma_start3A_99 : memref<256x64xf32, #tpu.memory_space<hbm>>) target_semaphore(%arg14 : memref<!tpu.dma_semaphore, #tpu.memory_space<semaphore_mem>>)
      %mul3A_100 = arith.constant 4 : i32
      %mul3A_101 = arith.muli %mul3A_100, %scan3A_46 : i32
      %add3A_102 = arith.constant 1 : i32
      %add3A_103 = arith.addi %mul3A_101, %add3A_102 : i32
      %gt3A_104 = arith.constant 0 : i32
      %gt3A_105 = arith.cmpi sgt, %scan3A_46, %gt3A_104 : i32
      %convert_element_type3A_106 = arith.extui %gt3A_105 : i1 to i32
      %cond3A_107 = arith.constant 0 : i32
      %cond3A_108 = arith.cmpi ne, %convert_element_type3A_106, %cond3A_107 : i32
      scf.if %cond3A_108 {
        %dma_wait3A_245 = arith.constant 0 : i32
        %dma_wait3A_246 = arith.constant 0 : i32
        %dma_wait3A_247 = tpu.memref_slice %arg4[%dma_wait3A_245, %dma_wait3A_246] : memref<819200x64xf32, #tpu.memory_space<hbm>> -> memref<256x64xf32, #tpu.memory_space<hbm>>
        %dma_wait3A_248 = arith.constant 0 : i32
        %dma_wait3A_249 = arith.constant 0 : i32
        %dma_wait3A_250 = tpu.memref_slice %arg4[%dma_wait3A_248, %dma_wait3A_249] : memref<819200x64xf32, #tpu.memory_space<hbm>> -> memref<256x64xf32, #tpu.memory_space<hbm>>
        tpu.wait_dma2 semaphore(%arg16 : memref<!tpu.dma_semaphore, #tpu.memory_space<semaphore_mem>>) src(%arg8 : memref<256x64xf32, #tpu.memory_space<vmem>>) dst(%dma_wait3A_250 : memref<256x64xf32, #tpu.memory_space<hbm>>)
      } else {
      }
      %add3A_109 = arith.constant 1 : i32
      %add3A_110 = arith.addi %add3A_103, %add3A_109 : i32
      %mul3A_111 = arith.constant 2 : i32
      %mul3A_112 = arith.muli %mul3A_111, %add3A_110 : i32
      %add3A_113 = arith.constant 0 : i32
      %add3A_114 = arith.addi %mul3A_112, %add3A_113 : i32
      %dma_start3A_115 = arith.constant 0 : i32
      %dma_start3A_116 = arith.constant 0 : i32
      %dma_start3A_117 = tpu.memref_slice %arg8[%dma_start3A_115, %dma_start3A_116] : memref<256x64xf32, #tpu.memory_space<vmem>> -> memref<128x64xf32, #tpu.memory_space<vmem>>
      %dma_start3A_118 = arith.constant 0 : i32
      %dma_start3A_119 = tpu.memref_slice %arg5[%add3A_114, %dma_start3A_118] : memref<200x128xi32, #tpu.memory_space<vmem>> -> memref<1x128xi32, #tpu.memory_space<vmem>>
      %dma_start3A_120 = tpu.memref_squeeze %dma_start3A_119 : memref<1x128xi32, #tpu.memory_space<vmem>> -> memref<128xi32, #tpu.memory_space<vmem>>
      %dma_start3A_121 = arith.constant 0 : i32
      %dma_start3A_122 = arith.constant 0 : i32
      %dma_start3A_123 = tpu.memref_slice %arg3[%dma_start3A_121, %dma_start3A_122] : memref<1000000x64xf32, #tpu.memory_space<hbm>> -> memref<1000000x64xf32, #tpu.memory_space<hbm>>
      tpu.enqueue_indirect_dma source(%dma_start3A_123 : memref<1000000x64xf32, #tpu.memory_space<hbm>>) target(%dma_start3A_117 : memref<128x64xf32, #tpu.memory_space<vmem>>) offsets(%dma_start3A_120 : memref<128xi32, #tpu.memory_space<vmem>>) semaphore(%arg12 : memref<!tpu.dma_semaphore, #tpu.memory_space<semaphore_mem>>)
      %mul3A_124 = arith.constant 2 : i32
      %mul3A_125 = arith.muli %mul3A_124, %add3A_110 : i32
      %add3A_126 = arith.constant 1 : i32
      %add3A_127 = arith.addi %mul3A_125, %add3A_126 : i32
      %dma_start3A_128 = arith.constant 128 : i32
      %dma_start3A_129 = arith.constant 0 : i32
      %dma_start3A_130 = tpu.memref_slice %arg8[%dma_start3A_128, %dma_start3A_129] : memref<256x64xf32, #tpu.memory_space<vmem>> -> memref<128x64xf32, #tpu.memory_space<vmem>>
      %dma_start3A_131 = arith.constant 0 : i32
      %dma_start3A_132 = tpu.memref_slice %arg5[%add3A_127, %dma_start3A_131] : memref<200x128xi32, #tpu.memory_space<vmem>> -> memref<1x128xi32, #tpu.memory_space<vmem>>
      %dma_start3A_133 = tpu.memref_squeeze %dma_start3A_132 : memref<1x128xi32, #tpu.memory_space<vmem>> -> memref<128xi32, #tpu.memory_space<vmem>>
      %dma_start3A_134 = arith.constant 0 : i32
      %dma_start3A_135 = arith.constant 0 : i32
      %dma_start3A_136 = tpu.memref_slice %arg3[%dma_start3A_134, %dma_start3A_135] : memref<1000000x64xf32, #tpu.memory_space<hbm>> -> memref<1000000x64xf32, #tpu.memory_space<hbm>>
      tpu.enqueue_indirect_dma source(%dma_start3A_136 : memref<1000000x64xf32, #tpu.memory_space<hbm>>) target(%dma_start3A_130 : memref<128x64xf32, #tpu.memory_space<vmem>>) offsets(%dma_start3A_133 : memref<128xi32, #tpu.memory_space<vmem>>) semaphore(%arg12 : memref<!tpu.dma_semaphore, #tpu.memory_space<semaphore_mem>>)
      %dma_wait3A_137 = arith.constant 0 : i32
      %dma_wait3A_138 = arith.constant 0 : i32
      %dma_wait3A_139 = tpu.memref_slice %arg4[%dma_wait3A_137, %dma_wait3A_138] : memref<819200x64xf32, #tpu.memory_space<hbm>> -> memref<256x64xf32, #tpu.memory_space<hbm>>
      %dma_wait3A_140 = arith.constant 0 : i32
      %dma_wait3A_141 = arith.constant 0 : i32
      %dma_wait3A_142 = tpu.memref_slice %arg4[%dma_wait3A_140, %dma_wait3A_141] : memref<819200x64xf32, #tpu.memory_space<hbm>> -> memref<256x64xf32, #tpu.memory_space<hbm>>
      tpu.wait_dma2 semaphore(%arg11 : memref<!tpu.dma_semaphore, #tpu.memory_space<semaphore_mem>>) src(%dma_wait3A_142 : memref<256x64xf32, #tpu.memory_space<hbm>>) dst(%arg7 : memref<256x64xf32, #tpu.memory_space<vmem>>)
      %scan3A_143 = arith.constant 0 : i32
      %scan3A_144 = arith.constant 0 : i32
      %scan3A_145 = arith.constant 32 : i32
      %scan3A_146 = arith.addi %scan3A_144, %scan3A_145 : i32
      %scan3A_147 = arith.constant 1 : i32
      scf.for %scan3A_245 = %scan3A_144 to %scan3A_146 step %scan3A_147  : i32 {
        %mul3A_246 = arith.constant 8 : i32
        %mul3A_247 = arith.muli %scan3A_245, %mul3A_246 : i32
        %add3A_248 = arith.constant 0 : i32
        %add3A_249 = arith.addi %mul3A_247, %add3A_248 : i32
        %get3A = arith.index_cast %add3A_249 : i32 to index
        %get3A_250 = arith.constant 0 : index
        %get3A_251 = tpu.vector_load %arg7[%get3A, %get3A_250] {strides = array<i32>} : memref<256x64xf32, #tpu.memory_space<vmem>>, vector<1x16xf32>,
        %get3A_252 = vector.shape_cast %get3A_251 : vector<1x16xf32> to vector<16xf32>
        %add3A_253 = arith.constant 8.000000e+00 : f32
        %add3A_254 = vector.broadcast %add3A_253 : f32 to vector<16xf32>
        %add3A_255 = arith.addf %get3A_252, %add3A_254 : vector<16xf32>
        %swap3A = arith.index_cast %add3A_249 : i32 to index
        %swap3A_256 = arith.constant 0 : index
        %swap3A_257 = tpu.vector_load %arg7[%swap3A, %swap3A_256] {strides = array<i32>} : memref<256x64xf32, #tpu.memory_space<vmem>>, vector<1x16xf32>,
        %swap3A_258 = vector.shape_cast %swap3A_257 : vector<1x16xf32> to vector<16xf32>
        %swap3A_259 = vector.shape_cast %add3A_255 : vector<16xf32> to vector<1x16xf32>
        tpu.vector_store %arg7[%swap3A, %swap3A_256], %swap3A_259 {strides = array<i32>} : memref<256x64xf32, #tpu.memory_space<vmem>>, vector<1x16xf32>,
        %mul3A_260 = arith.constant 8 : i32
        %mul3A_261 = arith.muli %scan3A_245, %mul3A_260 : i32
        %add3A_262 = arith.constant 0 : i32
        %add3A_263 = arith.addi %mul3A_261, %add3A_262 : i32
        %get3A_264 = arith.index_cast %add3A_263 : i32 to index
        %get3A_265 = arith.constant 16 : index
        %get3A_266 = tpu.vector_load %arg7[%get3A_264, %get3A_265] {strides = array<i32>} : memref<256x64xf32, #tpu.memory_space<vmem>>, vector<1x16xf32>,
        %get3A_267 = vector.shape_cast %get3A_266 : vector<1x16xf32> to vector<16xf32>
        %add3A_268 = arith.constant 8.000000e+00 : f32
        %add3A_269 = vector.broadcast %add3A_268 : f32 to vector<16xf32>
        %add3A_270 = arith.addf %get3A_267, %add3A_269 : vector<16xf32>
        %swap3A_271 = arith.index_cast %add3A_263 : i32 to index
        %swap3A_272 = arith.constant 16 : index
        %swap3A_273 = tpu.vector_load %arg7[%swap3A_271, %swap3A_272] {strides = array<i32>} : memref<256x64xf32, #tpu.memory_space<vmem>>, vector<1x16xf32>,
        %swap3A_274 = vector.shape_cast %swap3A_273 : vector<1x16xf32> to vector<16xf32>
        %swap3A_275 = vector.shape_cast %add3A_270 : vector<16xf32> to vector<1x16xf32>
        tpu.vector_store %arg7[%swap3A_271, %swap3A_272], %swap3A_275 {strides = array<i32>} : memref<256x64xf32, #tpu.memory_space<vmem>>, vector<1x16xf32>,
        %mul3A_276 = arith.constant 8 : i32
        %mul3A_277 = arith.muli %scan3A_245, %mul3A_276 : i32
        %add3A_278 = arith.constant 0 : i32
        %add3A_279 = arith.addi %mul3A_277, %add3A_278 : i32
        %get3A_280 = arith.index_cast %add3A_279 : i32 to index
        %get3A_281 = arith.constant 32 : index
        %get3A_282 = tpu.vector_load %arg7[%get3A_280, %get3A_281] {strides = array<i32>} : memref<256x64xf32, #tpu.memory_space<vmem>>, vector<1x16xf32>,
        %get3A_283 = vector.shape_cast %get3A_282 : vector<1x16xf32> to vector<16xf32>
        %add3A_284 = arith.constant 8.000000e+00 : f32
        %add3A_285 = vector.broadcast %add3A_284 : f32 to vector<16xf32>
        %add3A_286 = arith.addf %get3A_283, %add3A_285 : vector<16xf32>
        %swap3A_287 = arith.index_cast %add3A_279 : i32 to index
        %swap3A_288 = arith.constant 32 : index
        %swap3A_289 = tpu.vector_load %arg7[%swap3A_287, %swap3A_288] {strides = array<i32>} : memref<256x64xf32, #tpu.memory_space<vmem>>, vector<1x16xf32>,
        %swap3A_290 = vector.shape_cast %swap3A_289 : vector<1x16xf32> to vector<16xf32>
        %swap3A_291 = vector.shape_cast %add3A_286 : vector<16xf32> to vector<1x16xf32>
        tpu.vector_store %arg7[%swap3A_287, %swap3A_288], %swap3A_291 {strides = array<i32>} : memref<256x64xf32, #tpu.memory_space<vmem>>, vector<1x16xf32>,
        %mul3A_292 = arith.constant 8 : i32
        %mul3A_293 = arith.muli %scan3A_245, %mul3A_292 : i32
        %add3A_294 = arith.constant 0 : i32
        %add3A_295 = arith.addi %mul3A_293, %add3A_294 : i32
        %get3A_296 = arith.index_cast %add3A_295 : i32 to index
        %get3A_297 = arith.constant 48 : index
        %get3A_298 = tpu.vector_load %arg7[%get3A_296, %get3A_297] {strides = array<i32>} : memref<256x64xf32, #tpu.memory_space<vmem>>, vector<1x16xf32>,
        %get3A_299 = vector.shape_cast %get3A_298 : vector<1x16xf32> to vector<16xf32>
        %add3A_300 = arith.constant 8.000000e+00 : f32
        %add3A_301 = vector.broadcast %add3A_300 : f32 to vector<16xf32>
        %add3A_302 = arith.addf %get3A_299, %add3A_301 : vector<16xf32>
        %swap3A_303 = arith.index_cast %add3A_295 : i32 to index
        %swap3A_304 = arith.constant 48 : index
        %swap3A_305 = tpu.vector_load %arg7[%swap3A_303, %swap3A_304] {strides = array<i32>} : memref<256x64xf32, #tpu.memory_space<vmem>>, vector<1x16xf32>,
        %swap3A_306 = vector.shape_cast %swap3A_305 : vector<1x16xf32> to vector<16xf32>
        %swap3A_307 = vector.shape_cast %add3A_302 : vector<16xf32> to vector<1x16xf32>
        tpu.vector_store %arg7[%swap3A_303, %swap3A_304], %swap3A_307 {strides = array<i32>} : memref<256x64xf32, #tpu.memory_space<vmem>>, vector<1x16xf32>,
        %mul3A_308 = arith.constant 8 : i32
        %mul3A_309 = arith.muli %scan3A_245, %mul3A_308 : i32
        %add3A_310 = arith.constant 1 : i32
        %add3A_311 = arith.addi %mul3A_309, %add3A_310 : i32
        %get3A_312 = arith.index_cast %add3A_311 : i32 to index
        %get3A_313 = arith.constant 0 : index
        %get3A_314 = tpu.vector_load %arg7[%get3A_312, %get3A_313] {strides = array<i32>} : memref<256x64xf32, #tpu.memory_space<vmem>>, vector<1x16xf32>,
        %get3A_315 = vector.shape_cast %get3A_314 : vector<1x16xf32> to vector<16xf32>
        %add3A_316 = arith.constant 8.000000e+00 : f32
        %add3A_317 = vector.broadcast %add3A_316 : f32 to vector<16xf32>
        %add3A_318 = arith.addf %get3A_315, %add3A_317 : vector<16xf32>
        %swap3A_319 = arith.index_cast %add3A_311 : i32 to index
        %swap3A_320 = arith.constant 0 : index
        %swap3A_321 = tpu.vector_load %arg7[%swap3A_319, %swap3A_320] {strides = array<i32>} : memref<256x64xf32, #tpu.memory_space<vmem>>, vector<1x16xf32>,
        %swap3A_322 = vector.shape_cast %swap3A_321 : vector<1x16xf32> to vector<16xf32>
        %swap3A_323 = vector.shape_cast %add3A_318 : vector<16xf32> to vector<1x16xf32>
        tpu.vector_store %arg7[%swap3A_319, %swap3A_320], %swap3A_323 {strides = array<i32>} : memref<256x64xf32, #tpu.memory_space<vmem>>, vector<1x16xf32>,
        %mul3A_324 = arith.constant 8 : i32
        %mul3A_325 = arith.muli %scan3A_245, %mul3A_324 : i32
        %add3A_326 = arith.constant 1 : i32
        %add3A_327 = arith.addi %mul3A_325, %add3A_326 : i32
        %get3A_328 = arith.index_cast %add3A_327 : i32 to index
        %get3A_329 = arith.constant 16 : index
        %get3A_330 = tpu.vector_load %arg7[%get3A_328, %get3A_329] {strides = array<i32>} : memref<256x64xf32, #tpu.memory_space<vmem>>, vector<1x16xf32>,
        %get3A_331 = vector.shape_cast %get3A_330 : vector<1x16xf32> to vector<16xf32>
        %add3A_332 = arith.constant 8.000000e+00 : f32
        %add3A_333 = vector.broadcast %add3A_332 : f32 to vector<16xf32>
        %add3A_334 = arith.addf %get3A_331, %add3A_333 : vector<16xf32>
        %swap3A_335 = arith.index_cast %add3A_327 : i32 to index
        %swap3A_336 = arith.constant 16 : index
        %swap3A_337 = tpu.vector_load %arg7[%swap3A_335, %swap3A_336] {strides = array<i32>} : memref<256x64xf32, #tpu.memory_space<vmem>>, vector<1x16xf32>,
        %swap3A_338 = vector.shape_cast %swap3A_337 : vector<1x16xf32> to vector<16xf32>
        %swap3A_339 = vector.shape_cast %add3A_334 : vector<16xf32> to vector<1x16xf32>
        tpu.vector_store %arg7[%swap3A_335, %swap3A_336], %swap3A_339 {strides = array<i32>} : memref<256x64xf32, #tpu.memory_space<vmem>>, vector<1x16xf32>,
        %mul3A_340 = arith.constant 8 : i32
        %mul3A_341 = arith.muli %scan3A_245, %mul3A_340 : i32
        %add3A_342 = arith.constant 1 : i32
        %add3A_343 = arith.addi %mul3A_341, %add3A_342 : i32
        %get3A_344 = arith.index_cast %add3A_343 : i32 to index
        %get3A_345 = arith.constant 32 : index
        %get3A_346 = tpu.vector_load %arg7[%get3A_344, %get3A_345] {strides = array<i32>} : memref<256x64xf32, #tpu.memory_space<vmem>>, vector<1x16xf32>,
        %get3A_347 = vector.shape_cast %get3A_346 : vector<1x16xf32> to vector<16xf32>
        %add3A_348 = arith.constant 8.000000e+00 : f32
        %add3A_349 = vector.broadcast %add3A_348 : f32 to vector<16xf32>
        %add3A_350 = arith.addf %get3A_347, %add3A_349 : vector<16xf32>
        %swap3A_351 = arith.index_cast %add3A_343 : i32 to index
        %swap3A_352 = arith.constant 32 : index
        %swap3A_353 = tpu.vector_load %arg7[%swap3A_351, %swap3A_352] {strides = array<i32>} : memref<256x64xf32, #tpu.memory_space<vmem>>, vector<1x16xf32>,
        %swap3A_354 = vector.shape_cast %swap3A_353 : vector<1x16xf32> to vector<16xf32>
        %swap3A_355 = vector.shape_cast %add3A_350 : vector<16xf32> to vector<1x16xf32>
        tpu.vector_store %arg7[%swap3A_351, %swap3A_352], %swap3A_355 {strides = array<i32>} : memref<256x64xf32, #tpu.memory_space<vmem>>, vector<1x16xf32>,
        %mul3A_356 = arith.constant 8 : i32
        %mul3A_357 = arith.muli %scan3A_245, %mul3A_356 : i32
        %add3A_358 = arith.constant 1 : i32
        %add3A_359 = arith.addi %mul3A_357, %add3A_358 : i32
        %get3A_360 = arith.index_cast %add3A_359 : i32 to index
        %get3A_361 = arith.constant 48 : index
        %get3A_362 = tpu.vector_load %arg7[%get3A_360, %get3A_361] {strides = array<i32>} : memref<256x64xf32, #tpu.memory_space<vmem>>, vector<1x16xf32>,
        %get3A_363 = vector.shape_cast %get3A_362 : vector<1x16xf32> to vector<16xf32>
        %add3A_364 = arith.constant 8.000000e+00 : f32
        %add3A_365 = vector.broadcast %add3A_364 : f32 to vector<16xf32>
        %add3A_366 = arith.addf %get3A_363, %add3A_365 : vector<16xf32>
        %swap3A_367 = arith.index_cast %add3A_359 : i32 to index
        %swap3A_368 = arith.constant 48 : index
        %swap3A_369 = tpu.vector_load %arg7[%swap3A_367, %swap3A_368] {strides = array<i32>} : memref<256x64xf32, #tpu.memory_space<vmem>>, vector<1x16xf32>,
        %swap3A_370 = vector.shape_cast %swap3A_369 : vector<1x16xf32> to vector<16xf32>
        %swap3A_371 = vector.shape_cast %add3A_366 : vector<16xf32> to vector<1x16xf32>
        tpu.vector_store %arg7[%swap3A_367, %swap3A_368], %swap3A_371 {strides = array<i32>} : memref<256x64xf32, #tpu.memory_space<vmem>>, vector<1x16xf32>,
        %mul3A_372 = arith.constant 8 : i32
        %mul3A_373 = arith.muli %scan3A_245, %mul3A_372 : i32
        %add3A_374 = arith.constant 2 : i32
        %add3A_375 = arith.addi %mul3A_373, %add3A_374 : i32
        %get3A_376 = arith.index_cast %add3A_375 : i32 to index
        %get3A_377 = arith.constant 0 : index
        %get3A_378 = tpu.vector_load %arg7[%get3A_376, %get3A_377] {strides = array<i32>} : memref<256x64xf32, #tpu.memory_space<vmem>>, vector<1x16xf32>,
        %get3A_379 = vector.shape_cast %get3A_378 : vector<1x16xf32> to vector<16xf32>
        %add3A_380 = arith.constant 8.000000e+00 : f32
        %add3A_381 = vector.broadcast %add3A_380 : f32 to vector<16xf32>
        %add3A_382 = arith.addf %get3A_379, %add3A_381 : vector<16xf32>
        %swap3A_383 = arith.index_cast %add3A_375 : i32 to index
        %swap3A_384 = arith.constant 0 : index
        %swap3A_385 = tpu.vector_load %arg7[%swap3A_383, %swap3A_384] {strides = array<i32>} : memref<256x64xf32, #tpu.memory_space<vmem>>, vector<1x16xf32>,
        %swap3A_386 = vector.shape_cast %swap3A_385 : vector<1x16xf32> to vector<16xf32>
        %swap3A_387 = vector.shape_cast %add3A_382 : vector<16xf32> to vector<1x16xf32>
        tpu.vector_store %arg7[%swap3A_383, %swap3A_384], %swap3A_387 {strides = array<i32>} : memref<256x64xf32, #tpu.memory_space<vmem>>, vector<1x16xf32>,
        %mul3A_388 = arith.constant 8 : i32
        %mul3A_389 = arith.muli %scan3A_245, %mul3A_388 : i32
        %add3A_390 = arith.constant 2 : i32
        %add3A_391 = arith.addi %mul3A_389, %add3A_390 : i32
        %get3A_392 = arith.index_cast %add3A_391 : i32 to index
        %get3A_393 = arith.constant 16 : index
        %get3A_394 = tpu.vector_load %arg7[%get3A_392, %get3A_393] {strides = array<i32>} : memref<256x64xf32, #tpu.memory_space<vmem>>, vector<1x16xf32>,
        %get3A_395 = vector.shape_cast %get3A_394 : vector<1x16xf32> to vector<16xf32>
        %add3A_396 = arith.constant 8.000000e+00 : f32
        %add3A_397 = vector.broadcast %add3A_396 : f32 to vector<16xf32>
        %add3A_398 = arith.addf %get3A_395, %add3A_397 : vector<16xf32>
        %swap3A_399 = arith.index_cast %add3A_391 : i32 to index
        %swap3A_400 = arith.constant 16 : index
        %swap3A_401 = tpu.vector_load %arg7[%swap3A_399, %swap3A_400] {strides = array<i32>} : memref<256x64xf32, #tpu.memory_space<vmem>>, vector<1x16xf32>,
        %swap3A_402 = vector.shape_cast %swap3A_401 : vector<1x16xf32> to vector<16xf32>
        %swap3A_403 = vector.shape_cast %add3A_398 : vector<16xf32> to vector<1x16xf32>
        tpu.vector_store %arg7[%swap3A_399, %swap3A_400], %swap3A_403 {strides = array<i32>} : memref<256x64xf32, #tpu.memory_space<vmem>>, vector<1x16xf32>,
        %mul3A_404 = arith.constant 8 : i32
        %mul3A_405 = arith.muli %scan3A_245, %mul3A_404 : i32
        %add3A_406 = arith.constant 2 : i32
        %add3A_407 = arith.addi %mul3A_405, %add3A_406 : i32
        %get3A_408 = arith.index_cast %add3A_407 : i32 to index
        %get3A_409 = arith.constant 32 : index
        %get3A_410 = tpu.vector_load %arg7[%get3A_408, %get3A_409] {strides = array<i32>} : memref<256x64xf32, #tpu.memory_space<vmem>>, vector<1x16xf32>,
        %get3A_411 = vector.shape_cast %get3A_410 : vector<1x16xf32> to vector<16xf32>
        %add3A_412 = arith.constant 8.000000e+00 : f32
        %add3A_413 = vector.broadcast %add3A_412 : f32 to vector<16xf32>
        %add3A_414 = arith.addf %get3A_411, %add3A_413 : vector<16xf32>
        %swap3A_415 = arith.index_cast %add3A_407 : i32 to index
        %swap3A_416 = arith.constant 32 : index
        %swap3A_417 = tpu.vector_load %arg7[%swap3A_415, %swap3A_416] {strides = array<i32>} : memref<256x64xf32, #tpu.memory_space<vmem>>, vector<1x16xf32>,
        %swap3A_418 = vector.shape_cast %swap3A_417 : vector<1x16xf32> to vector<16xf32>
        %swap3A_419 = vector.shape_cast %add3A_414 : vector<16xf32> to vector<1x16xf32>
        tpu.vector_store %arg7[%swap3A_415, %swap3A_416], %swap3A_419 {strides = array<i32>} : memref<256x64xf32, #tpu.memory_space<vmem>>, vector<1x16xf32>,
        %mul3A_420 = arith.constant 8 : i32
        %mul3A_421 = arith.muli %scan3A_245, %mul3A_420 : i32
        %add3A_422 = arith.constant 2 : i32
        %add3A_423 = arith.addi %mul3A_421, %add3A_422 : i32
        %get3A_424 = arith.index_cast %add3A_423 : i32 to index
        %get3A_425 = arith.constant 48 : index
        %get3A_426 = tpu.vector_load %arg7[%get3A_424, %get3A_425] {strides = array<i32>} : memref<256x64xf32, #tpu.memory_space<vmem>>, vector<1x16xf32>,
        %get3A_427 = vector.shape_cast %get3A_426 : vector<1x16xf32> to vector<16xf32>
        %add3A_428 = arith.constant 8.000000e+00 : f32
        %add3A_429 = vector.broadcast %add3A_428 : f32 to vector<16xf32>
        %add3A_430 = arith.addf %get3A_427, %add3A_429 : vector<16xf32>
        %swap3A_431 = arith.index_cast %add3A_423 : i32 to index
        %swap3A_432 = arith.constant 48 : index
        %swap3A_433 = tpu.vector_load %arg7[%swap3A_431, %swap3A_432] {strides = array<i32>} : memref<256x64xf32, #tpu.memory_space<vmem>>, vector<1x16xf32>,
        %swap3A_434 = vector.shape_cast %swap3A_433 : vector<1x16xf32> to vector<16xf32>
        %swap3A_435 = vector.shape_cast %add3A_430 : vector<16xf32> to vector<1x16xf32>
        tpu.vector_store %arg7[%swap3A_431, %swap3A_432], %swap3A_435 {strides = array<i32>} : memref<256x64xf32, #tpu.memory_space<vmem>>, vector<1x16xf32>,
        %mul3A_436 = arith.constant 8 : i32
        %mul3A_437 = arith.muli %scan3A_245, %mul3A_436 : i32
        %add3A_438 = arith.constant 3 : i32
        %add3A_439 = arith.addi %mul3A_437, %add3A_438 : i32
        %get3A_440 = arith.index_cast %add3A_439 : i32 to index
        %get3A_441 = arith.constant 0 : index
        %get3A_442 = tpu.vector_load %arg7[%get3A_440, %get3A_441] {strides = array<i32>} : memref<256x64xf32, #tpu.memory_space<vmem>>, vector<1x16xf32>,
        %get3A_443 = vector.shape_cast %get3A_442 : vector<1x16xf32> to vector<16xf32>
        %add3A_444 = arith.constant 8.000000e+00 : f32
        %add3A_445 = vector.broadcast %add3A_444 : f32 to vector<16xf32>
        %add3A_446 = arith.addf %get3A_443, %add3A_445 : vector<16xf32>
        %swap3A_447 = arith.index_cast %add3A_439 : i32 to index
        %swap3A_448 = arith.constant 0 : index
        %swap3A_449 = tpu.vector_load %arg7[%swap3A_447, %swap3A_448] {strides = array<i32>} : memref<256x64xf32, #tpu.memory_space<vmem>>, vector<1x16xf32>,
        %swap3A_450 = vector.shape_cast %swap3A_449 : vector<1x16xf32> to vector<16xf32>
        %swap3A_451 = vector.shape_cast %add3A_446 : vector<16xf32> to vector<1x16xf32>
        tpu.vector_store %arg7[%swap3A_447, %swap3A_448], %swap3A_451 {strides = array<i32>} : memref<256x64xf32, #tpu.memory_space<vmem>>, vector<1x16xf32>,
        %mul3A_452 = arith.constant 8 : i32
        %mul3A_453 = arith.muli %scan3A_245, %mul3A_452 : i32
        %add3A_454 = arith.constant 3 : i32
        %add3A_455 = arith.addi %mul3A_453, %add3A_454 : i32
        %get3A_456 = arith.index_cast %add3A_455 : i32 to index
        %get3A_457 = arith.constant 16 : index
        %get3A_458 = tpu.vector_load %arg7[%get3A_456, %get3A_457] {strides = array<i32>} : memref<256x64xf32, #tpu.memory_space<vmem>>, vector<1x16xf32>,
        %get3A_459 = vector.shape_cast %get3A_458 : vector<1x16xf32> to vector<16xf32>
        %add3A_460 = arith.constant 8.000000e+00 : f32
        %add3A_461 = vector.broadcast %add3A_460 : f32 to vector<16xf32>
        %add3A_462 = arith.addf %get3A_459, %add3A_461 : vector<16xf32>
        %swap3A_463 = arith.index_cast %add3A_455 : i32 to index
        %swap3A_464 = arith.constant 16 : index
        %swap3A_465 = tpu.vector_load %arg7[%swap3A_463, %swap3A_464] {strides = array<i32>} : memref<256x64xf32, #tpu.memory_space<vmem>>, vector<1x16xf32>,
        %swap3A_466 = vector.shape_cast %swap3A_465 : vector<1x16xf32> to vector<16xf32>
        %swap3A_467 = vector.shape_cast %add3A_462 : vector<16xf32> to vector<1x16xf32>
        tpu.vector_store %arg7[%swap3A_463, %swap3A_464], %swap3A_467 {strides = array<i32>} : memref<256x64xf32, #tpu.memory_space<vmem>>, vector<1x16xf32>,
        %mul3A_468 = arith.constant 8 : i32
        %mul3A_469 = arith.muli %scan3A_245, %mul3A_468 : i32
        %add3A_470 = arith.constant 3 : i32
        %add3A_471 = arith.addi %mul3A_469, %add3A_470 : i32
        %get3A_472 = arith.index_cast %add3A_471 : i32 to index
        %get3A_473 = arith.constant 32 : index
        %get3A_474 = tpu.vector_load %arg7[%get3A_472, %get3A_473] {strides = array<i32>} : memref<256x64xf32, #tpu.memory_space<vmem>>, vector<1x16xf32>,
        %get3A_475 = vector.shape_cast %get3A_474 : vector<1x16xf32> to vector<16xf32>
        %add3A_476 = arith.constant 8.000000e+00 : f32
        %add3A_477 = vector.broadcast %add3A_476 : f32 to vector<16xf32>
        %add3A_478 = arith.addf %get3A_475, %add3A_477 : vector<16xf32>
        %swap3A_479 = arith.index_cast %add3A_471 : i32 to index
        %swap3A_480 = arith.constant 32 : index
        %swap3A_481 = tpu.vector_load %arg7[%swap3A_479, %swap3A_480] {strides = array<i32>} : memref<256x64xf32, #tpu.memory_space<vmem>>, vector<1x16xf32>,
        %swap3A_482 = vector.shape_cast %swap3A_481 : vector<1x16xf32> to vector<16xf32>
        %swap3A_483 = vector.shape_cast %add3A_478 : vector<16xf32> to vector<1x16xf32>
        tpu.vector_store %arg7[%swap3A_479, %swap3A_480], %swap3A_483 {strides = array<i32>} : memref<256x64xf32, #tpu.memory_space<vmem>>, vector<1x16xf32>,
        %mul3A_484 = arith.constant 8 : i32
        %mul3A_485 = arith.muli %scan3A_245, %mul3A_484 : i32
        %add3A_486 = arith.constant 3 : i32
        %add3A_487 = arith.addi %mul3A_485, %add3A_486 : i32
        %get3A_488 = arith.index_cast %add3A_487 : i32 to index
        %get3A_489 = arith.constant 48 : index
        %get3A_490 = tpu.vector_load %arg7[%get3A_488, %get3A_489] {strides = array<i32>} : memref<256x64xf32, #tpu.memory_space<vmem>>, vector<1x16xf32>,
        %get3A_491 = vector.shape_cast %get3A_490 : vector<1x16xf32> to vector<16xf32>
        %add3A_492 = arith.constant 8.000000e+00 : f32
        %add3A_493 = vector.broadcast %add3A_492 : f32 to vector<16xf32>
        %add3A_494 = arith.addf %get3A_491, %add3A_493 : vector<16xf32>
        %swap3A_495 = arith.index_cast %add3A_487 : i32 to index
        %swap3A_496 = arith.constant 48 : index
        %swap3A_497 = tpu.vector_load %arg7[%swap3A_495, %swap3A_496] {strides = array<i32>} : memref<256x64xf32, #tpu.memory_space<vmem>>, vector<1x16xf32>,
        %swap3A_498 = vector.shape_cast %swap3A_497 : vector<1x16xf32> to vector<16xf32>
        %swap3A_499 = vector.shape_cast %add3A_494 : vector<16xf32> to vector<1x16xf32>
        tpu.vector_store %arg7[%swap3A_495, %swap3A_496], %swap3A_499 {strides = array<i32>} : memref<256x64xf32, #tpu.memory_space<vmem>>, vector<1x16xf32>,
        %mul3A_500 = arith.constant 8 : i32
        %mul3A_501 = arith.muli %scan3A_245, %mul3A_500 : i32
        %add3A_502 = arith.constant 4 : i32
        %add3A_503 = arith.addi %mul3A_501, %add3A_502 : i32
        %get3A_504 = arith.index_cast %add3A_503 : i32 to index
        %get3A_505 = arith.constant 0 : index
        %get3A_506 = tpu.vector_load %arg7[%get3A_504, %get3A_505] {strides = array<i32>} : memref<256x64xf32, #tpu.memory_space<vmem>>, vector<1x16xf32>,
        %get3A_507 = vector.shape_cast %get3A_506 : vector<1x16xf32> to vector<16xf32>
        %add3A_508 = arith.constant 8.000000e+00 : f32
        %add3A_509 = vector.broadcast %add3A_508 : f32 to vector<16xf32>
        %add3A_510 = arith.addf %get3A_507, %add3A_509 : vector<16xf32>
        %swap3A_511 = arith.index_cast %add3A_503 : i32 to index
        %swap3A_512 = arith.constant 0 : index
        %swap3A_513 = tpu.vector_load %arg7[%swap3A_511, %swap3A_512] {strides = array<i32>} : memref<256x64xf32, #tpu.memory_space<vmem>>, vector<1x16xf32>,
        %swap3A_514 = vector.shape_cast %swap3A_513 : vector<1x16xf32> to vector<16xf32>
        %swap3A_515 = vector.shape_cast %add3A_510 : vector<16xf32> to vector<1x16xf32>
        tpu.vector_store %arg7[%swap3A_511, %swap3A_512], %swap3A_515 {strides = array<i32>} : memref<256x64xf32, #tpu.memory_space<vmem>>, vector<1x16xf32>,
        %mul3A_516 = arith.constant 8 : i32
        %mul3A_517 = arith.muli %scan3A_245, %mul3A_516 : i32
        %add3A_518 = arith.constant 4 : i32
        %add3A_519 = arith.addi %mul3A_517, %add3A_518 : i32
        %get3A_520 = arith.index_cast %add3A_519 : i32 to index
        %get3A_521 = arith.constant 16 : index
        %get3A_522 = tpu.vector_load %arg7[%get3A_520, %get3A_521] {strides = array<i32>} : memref<256x64xf32, #tpu.memory_space<vmem>>, vector<1x16xf32>,
        %get3A_523 = vector.shape_cast %get3A_522 : vector<1x16xf32> to vector<16xf32>
        %add3A_524 = arith.constant 8.000000e+00 : f32
        %add3A_525 = vector.broadcast %add3A_524 : f32 to vector<16xf32>
        %add3A_526 = arith.addf %get3A_523, %add3A_525 : vector<16xf32>
        %swap3A_527 = arith.index_cast %add3A_519 : i32 to index
        %swap3A_528 = arith.constant 16 : index
        %swap3A_529 = tpu.vector_load %arg7[%swap3A_527, %swap3A_528] {strides = array<i32>} : memref<256x64xf32, #tpu.memory_space<vmem>>, vector<1x16xf32>,
        %swap3A_530 = vector.shape_cast %swap3A_529 : vector<1x16xf32> to vector<16xf32>
        %swap3A_531 = vector.shape_cast %add3A_526 : vector<16xf32> to vector<1x16xf32>
        tpu.vector_store %arg7[%swap3A_527, %swap3A_528], %swap3A_531 {strides = array<i32>} : memref<256x64xf32, #tpu.memory_space<vmem>>, vector<1x16xf32>,
        %mul3A_532 = arith.constant 8 : i32
        %mul3A_533 = arith.muli %scan3A_245, %mul3A_532 : i32
        %add3A_534 = arith.constant 4 : i32
        %add3A_535 = arith.addi %mul3A_533, %add3A_534 : i32
        %get3A_536 = arith.index_cast %add3A_535 : i32 to index
        %get3A_537 = arith.constant 32 : index
        %get3A_538 = tpu.vector_load %arg7[%get3A_536, %get3A_537] {strides = array<i32>} : memref<256x64xf32, #tpu.memory_space<vmem>>, vector<1x16xf32>,
        %get3A_539 = vector.shape_cast %get3A_538 : vector<1x16xf32> to vector<16xf32>
        %add3A_540 = arith.constant 8.000000e+00 : f32
        %add3A_541 = vector.broadcast %add3A_540 : f32 to vector<16xf32>
        %add3A_542 = arith.addf %get3A_539, %add3A_541 : vector<16xf32>
        %swap3A_543 = arith.index_cast %add3A_535 : i32 to index
        %swap3A_544 = arith.constant 32 : index
        %swap3A_545 = tpu.vector_load %arg7[%swap3A_543, %swap3A_544] {strides = array<i32>} : memref<256x64xf32, #tpu.memory_space<vmem>>, vector<1x16xf32>,
        %swap3A_546 = vector.shape_cast %swap3A_545 : vector<1x16xf32> to vector<16xf32>
        %swap3A_547 = vector.shape_cast %add3A_542 : vector<16xf32> to vector<1x16xf32>
        tpu.vector_store %arg7[%swap3A_543, %swap3A_544], %swap3A_547 {strides = array<i32>} : memref<256x64xf32, #tpu.memory_space<vmem>>, vector<1x16xf32>,
        %mul3A_548 = arith.constant 8 : i32
        %mul3A_549 = arith.muli %scan3A_245, %mul3A_548 : i32
        %add3A_550 = arith.constant 4 : i32
        %add3A_551 = arith.addi %mul3A_549, %add3A_550 : i32
        %get3A_552 = arith.index_cast %add3A_551 : i32 to index
        %get3A_553 = arith.constant 48 : index
        %get3A_554 = tpu.vector_load %arg7[%get3A_552, %get3A_553] {strides = array<i32>} : memref<256x64xf32, #tpu.memory_space<vmem>>, vector<1x16xf32>,
        %get3A_555 = vector.shape_cast %get3A_554 : vector<1x16xf32> to vector<16xf32>
        %add3A_556 = arith.constant 8.000000e+00 : f32
        %add3A_557 = vector.broadcast %add3A_556 : f32 to vector<16xf32>
        %add3A_558 = arith.addf %get3A_555, %add3A_557 : vector<16xf32>
        %swap3A_559 = arith.index_cast %add3A_551 : i32 to index
        %swap3A_560 = arith.constant 48 : index
        %swap3A_561 = tpu.vector_load %arg7[%swap3A_559, %swap3A_560] {strides = array<i32>} : memref<256x64xf32, #tpu.memory_space<vmem>>, vector<1x16xf32>,
        %swap3A_562 = vector.shape_cast %swap3A_561 : vector<1x16xf32> to vector<16xf32>
        %swap3A_563 = vector.shape_cast %add3A_558 : vector<16xf32> to vector<1x16xf32>
        tpu.vector_store %arg7[%swap3A_559, %swap3A_560], %swap3A_563 {strides = array<i32>} : memref<256x64xf32, #tpu.memory_space<vmem>>, vector<1x16xf32>,
        %mul3A_564 = arith.constant 8 : i32
        %mul3A_565 = arith.muli %scan3A_245, %mul3A_564 : i32
        %add3A_566 = arith.constant 5 : i32
        %add3A_567 = arith.addi %mul3A_565, %add3A_566 : i32
        %get3A_568 = arith.index_cast %add3A_567 : i32 to index
        %get3A_569 = arith.constant 0 : index
        %get3A_570 = tpu.vector_load %arg7[%get3A_568, %get3A_569] {strides = array<i32>} : memref<256x64xf32, #tpu.memory_space<vmem>>, vector<1x16xf32>,
        %get3A_571 = vector.shape_cast %get3A_570 : vector<1x16xf32> to vector<16xf32>
        %add3A_572 = arith.constant 8.000000e+00 : f32
        %add3A_573 = vector.broadcast %add3A_572 : f32 to vector<16xf32>
        %add3A_574 = arith.addf %get3A_571, %add3A_573 : vector<16xf32>
        %swap3A_575 = arith.index_cast %add3A_567 : i32 to index
        %swap3A_576 = arith.constant 0 : index
        %swap3A_577 = tpu.vector_load %arg7[%swap3A_575, %swap3A_576] {strides = array<i32>} : memref<256x64xf32, #tpu.memory_space<vmem>>, vector<1x16xf32>,
        %swap3A_578 = vector.shape_cast %swap3A_577 : vector<1x16xf32> to vector<16xf32>
        %swap3A_579 = vector.shape_cast %add3A_574 : vector<16xf32> to vector<1x16xf32>
        tpu.vector_store %arg7[%swap3A_575, %swap3A_576], %swap3A_579 {strides = array<i32>} : memref<256x64xf32, #tpu.memory_space<vmem>>, vector<1x16xf32>,
        %mul3A_580 = arith.constant 8 : i32
        %mul3A_581 = arith.muli %scan3A_245, %mul3A_580 : i32
        %add3A_582 = arith.constant 5 : i32
        %add3A_583 = arith.addi %mul3A_581, %add3A_582 : i32
        %get3A_584 = arith.index_cast %add3A_583 : i32 to index
        %get3A_585 = arith.constant 16 : index
        %get3A_586 = tpu.vector_load %arg7[%get3A_584, %get3A_585] {strides = array<i32>} : memref<256x64xf32, #tpu.memory_space<vmem>>, vector<1x16xf32>,
        %get3A_587 = vector.shape_cast %get3A_586 : vector<1x16xf32> to vector<16xf32>
        %add3A_588 = arith.constant 8.000000e+00 : f32
        %add3A_589 = vector.broadcast %add3A_588 : f32 to vector<16xf32>
        %add3A_590 = arith.addf %get3A_587, %add3A_589 : vector<16xf32>
        %swap3A_591 = arith.index_cast %add3A_583 : i32 to index
        %swap3A_592 = arith.constant 16 : index
        %swap3A_593 = tpu.vector_load %arg7[%swap3A_591, %swap3A_592] {strides = array<i32>} : memref<256x64xf32, #tpu.memory_space<vmem>>, vector<1x16xf32>,
        %swap3A_594 = vector.shape_cast %swap3A_593 : vector<1x16xf32> to vector<16xf32>
        %swap3A_595 = vector.shape_cast %add3A_590 : vector<16xf32> to vector<1x16xf32>
        tpu.vector_store %arg7[%swap3A_591, %swap3A_592], %swap3A_595 {strides = array<i32>} : memref<256x64xf32, #tpu.memory_space<vmem>>, vector<1x16xf32>,
        %mul3A_596 = arith.constant 8 : i32
        %mul3A_597 = arith.muli %scan3A_245, %mul3A_596 : i32
        %add3A_598 = arith.constant 5 : i32
        %add3A_599 = arith.addi %mul3A_597, %add3A_598 : i32
        %get3A_600 = arith.index_cast %add3A_599 : i32 to index
        %get3A_601 = arith.constant 32 : index
        %get3A_602 = tpu.vector_load %arg7[%get3A_600, %get3A_601] {strides = array<i32>} : memref<256x64xf32, #tpu.memory_space<vmem>>, vector<1x16xf32>,
        %get3A_603 = vector.shape_cast %get3A_602 : vector<1x16xf32> to vector<16xf32>
        %add3A_604 = arith.constant 8.000000e+00 : f32
        %add3A_605 = vector.broadcast %add3A_604 : f32 to vector<16xf32>
        %add3A_606 = arith.addf %get3A_603, %add3A_605 : vector<16xf32>
        %swap3A_607 = arith.index_cast %add3A_599 : i32 to index
        %swap3A_608 = arith.constant 32 : index
        %swap3A_609 = tpu.vector_load %arg7[%swap3A_607, %swap3A_608] {strides = array<i32>} : memref<256x64xf32, #tpu.memory_space<vmem>>, vector<1x16xf32>,
        %swap3A_610 = vector.shape_cast %swap3A_609 : vector<1x16xf32> to vector<16xf32>
        %swap3A_611 = vector.shape_cast %add3A_606 : vector<16xf32> to vector<1x16xf32>
        tpu.vector_store %arg7[%swap3A_607, %swap3A_608], %swap3A_611 {strides = array<i32>} : memref<256x64xf32, #tpu.memory_space<vmem>>, vector<1x16xf32>,
        %mul3A_612 = arith.constant 8 : i32
        %mul3A_613 = arith.muli %scan3A_245, %mul3A_612 : i32
        %add3A_614 = arith.constant 5 : i32
        %add3A_615 = arith.addi %mul3A_613, %add3A_614 : i32
        %get3A_616 = arith.index_cast %add3A_615 : i32 to index
        %get3A_617 = arith.constant 48 : index
        %get3A_618 = tpu.vector_load %arg7[%get3A_616, %get3A_617] {strides = array<i32>} : memref<256x64xf32, #tpu.memory_space<vmem>>, vector<1x16xf32>,
        %get3A_619 = vector.shape_cast %get3A_618 : vector<1x16xf32> to vector<16xf32>
        %add3A_620 = arith.constant 8.000000e+00 : f32
        %add3A_621 = vector.broadcast %add3A_620 : f32 to vector<16xf32>
        %add3A_622 = arith.addf %get3A_619, %add3A_621 : vector<16xf32>
        %swap3A_623 = arith.index_cast %add3A_615 : i32 to index
        %swap3A_624 = arith.constant 48 : index
        %swap3A_625 = tpu.vector_load %arg7[%swap3A_623, %swap3A_624] {strides = array<i32>} : memref<256x64xf32, #tpu.memory_space<vmem>>, vector<1x16xf32>,
        %swap3A_626 = vector.shape_cast %swap3A_625 : vector<1x16xf32> to vector<16xf32>
        %swap3A_627 = vector.shape_cast %add3A_622 : vector<16xf32> to vector<1x16xf32>
        tpu.vector_store %arg7[%swap3A_623, %swap3A_624], %swap3A_627 {strides = array<i32>} : memref<256x64xf32, #tpu.memory_space<vmem>>, vector<1x16xf32>,
        %mul3A_628 = arith.constant 8 : i32
        %mul3A_629 = arith.muli %scan3A_245, %mul3A_628 : i32
        %add3A_630 = arith.constant 6 : i32
        %add3A_631 = arith.addi %mul3A_629, %add3A_630 : i32
        %get3A_632 = arith.index_cast %add3A_631 : i32 to index
        %get3A_633 = arith.constant 0 : index
        %get3A_634 = tpu.vector_load %arg7[%get3A_632, %get3A_633] {strides = array<i32>} : memref<256x64xf32, #tpu.memory_space<vmem>>, vector<1x16xf32>,
        %get3A_635 = vector.shape_cast %get3A_634 : vector<1x16xf32> to vector<16xf32>
        %add3A_636 = arith.constant 8.000000e+00 : f32
        %add3A_637 = vector.broadcast %add3A_636 : f32 to vector<16xf32>
        %add3A_638 = arith.addf %get3A_635, %add3A_637 : vector<16xf32>
        %swap3A_639 = arith.index_cast %add3A_631 : i32 to index
        %swap3A_640 = arith.constant 0 : index
        %swap3A_641 = tpu.vector_load %arg7[%swap3A_639, %swap3A_640] {strides = array<i32>} : memref<256x64xf32, #tpu.memory_space<vmem>>, vector<1x16xf32>,
        %swap3A_642 = vector.shape_cast %swap3A_641 : vector<1x16xf32> to vector<16xf32>
        %swap3A_643 = vector.shape_cast %add3A_638 : vector<16xf32> to vector<1x16xf32>
        tpu.vector_store %arg7[%swap3A_639, %swap3A_640], %swap3A_643 {strides = array<i32>} : memref<256x64xf32, #tpu.memory_space<vmem>>, vector<1x16xf32>,
        %mul3A_644 = arith.constant 8 : i32
        %mul3A_645 = arith.muli %scan3A_245, %mul3A_644 : i32
        %add3A_646 = arith.constant 6 : i32
        %add3A_647 = arith.addi %mul3A_645, %add3A_646 : i32
        %get3A_648 = arith.index_cast %add3A_647 : i32 to index
        %get3A_649 = arith.constant 16 : index
        %get3A_650 = tpu.vector_load %arg7[%get3A_648, %get3A_649] {strides = array<i32>} : memref<256x64xf32, #tpu.memory_space<vmem>>, vector<1x16xf32>,
        %get3A_651 = vector.shape_cast %get3A_650 : vector<1x16xf32> to vector<16xf32>
        %add3A_652 = arith.constant 8.000000e+00 : f32
        %add3A_653 = vector.broadcast %add3A_652 : f32 to vector<16xf32>
        %add3A_654 = arith.addf %get3A_651, %add3A_653 : vector<16xf32>
        %swap3A_655 = arith.index_cast %add3A_647 : i32 to index
        %swap3A_656 = arith.constant 16 : index
        %swap3A_657 = tpu.vector_load %arg7[%swap3A_655, %swap3A_656] {strides = array<i32>} : memref<256x64xf32, #tpu.memory_space<vmem>>, vector<1x16xf32>,
        %swap3A_658 = vector.shape_cast %swap3A_657 : vector<1x16xf32> to vector<16xf32>
        %swap3A_659 = vector.shape_cast %add3A_654 : vector<16xf32> to vector<1x16xf32>
        tpu.vector_store %arg7[%swap3A_655, %swap3A_656], %swap3A_659 {strides = array<i32>} : memref<256x64xf32, #tpu.memory_space<vmem>>, vector<1x16xf32>,
        %mul3A_660 = arith.constant 8 : i32
        %mul3A_661 = arith.muli %scan3A_245, %mul3A_660 : i32
        %add3A_662 = arith.constant 6 : i32
        %add3A_663 = arith.addi %mul3A_661, %add3A_662 : i32
        %get3A_664 = arith.index_cast %add3A_663 : i32 to index
        %get3A_665 = arith.constant 32 : index
        %get3A_666 = tpu.vector_load %arg7[%get3A_664, %get3A_665] {strides = array<i32>} : memref<256x64xf32, #tpu.memory_space<vmem>>, vector<1x16xf32>,
        %get3A_667 = vector.shape_cast %get3A_666 : vector<1x16xf32> to vector<16xf32>
        %add3A_668 = arith.constant 8.000000e+00 : f32
        %add3A_669 = vector.broadcast %add3A_668 : f32 to vector<16xf32>
        %add3A_670 = arith.addf %get3A_667, %add3A_669 : vector<16xf32>
        %swap3A_671 = arith.index_cast %add3A_663 : i32 to index
        %swap3A_672 = arith.constant 32 : index
        %swap3A_673 = tpu.vector_load %arg7[%swap3A_671, %swap3A_672] {strides = array<i32>} : memref<256x64xf32, #tpu.memory_space<vmem>>, vector<1x16xf32>,
        %swap3A_674 = vector.shape_cast %swap3A_673 : vector<1x16xf32> to vector<16xf32>
        %swap3A_675 = vector.shape_cast %add3A_670 : vector<16xf32> to vector<1x16xf32>
        tpu.vector_store %arg7[%swap3A_671, %swap3A_672], %swap3A_675 {strides = array<i32>} : memref<256x64xf32, #tpu.memory_space<vmem>>, vector<1x16xf32>,
        %mul3A_676 = arith.constant 8 : i32
        %mul3A_677 = arith.muli %scan3A_245, %mul3A_676 : i32
        %add3A_678 = arith.constant 6 : i32
        %add3A_679 = arith.addi %mul3A_677, %add3A_678 : i32
        %get3A_680 = arith.index_cast %add3A_679 : i32 to index
        %get3A_681 = arith.constant 48 : index
        %get3A_682 = tpu.vector_load %arg7[%get3A_680, %get3A_681] {strides = array<i32>} : memref<256x64xf32, #tpu.memory_space<vmem>>, vector<1x16xf32>,
        %get3A_683 = vector.shape_cast %get3A_682 : vector<1x16xf32> to vector<16xf32>
        %add3A_684 = arith.constant 8.000000e+00 : f32
        %add3A_685 = vector.broadcast %add3A_684 : f32 to vector<16xf32>
        %add3A_686 = arith.addf %get3A_683, %add3A_685 : vector<16xf32>
        %swap3A_687 = arith.index_cast %add3A_679 : i32 to index
        %swap3A_688 = arith.constant 48 : index
        %swap3A_689 = tpu.vector_load %arg7[%swap3A_687, %swap3A_688] {strides = array<i32>} : memref<256x64xf32, #tpu.memory_space<vmem>>, vector<1x16xf32>,
        %swap3A_690 = vector.shape_cast %swap3A_689 : vector<1x16xf32> to vector<16xf32>
        %swap3A_691 = vector.shape_cast %add3A_686 : vector<16xf32> to vector<1x16xf32>
        tpu.vector_store %arg7[%swap3A_687, %swap3A_688], %swap3A_691 {strides = array<i32>} : memref<256x64xf32, #tpu.memory_space<vmem>>, vector<1x16xf32>,
        %mul3A_692 = arith.constant 8 : i32
        %mul3A_693 = arith.muli %scan3A_245, %mul3A_692 : i32
        %add3A_694 = arith.constant 7 : i32
        %add3A_695 = arith.addi %mul3A_693, %add3A_694 : i32
        %get3A_696 = arith.index_cast %add3A_695 : i32 to index
        %get3A_697 = arith.constant 0 : index
        %get3A_698 = tpu.vector_load %arg7[%get3A_696, %get3A_697] {strides = array<i32>} : memref<256x64xf32, #tpu.memory_space<vmem>>, vector<1x16xf32>,
        %get3A_699 = vector.shape_cast %get3A_698 : vector<1x16xf32> to vector<16xf32>
        %add3A_700 = arith.constant 8.000000e+00 : f32
        %add3A_701 = vector.broadcast %add3A_700 : f32 to vector<16xf32>
        %add3A_702 = arith.addf %get3A_699, %add3A_701 : vector<16xf32>
        %swap3A_703 = arith.index_cast %add3A_695 : i32 to index
        %swap3A_704 = arith.constant 0 : index
        %swap3A_705 = tpu.vector_load %arg7[%swap3A_703, %swap3A_704] {strides = array<i32>} : memref<256x64xf32, #tpu.memory_space<vmem>>, vector<1x16xf32>,
        %swap3A_706 = vector.shape_cast %swap3A_705 : vector<1x16xf32> to vector<16xf32>
        %swap3A_707 = vector.shape_cast %add3A_702 : vector<16xf32> to vector<1x16xf32>
        tpu.vector_store %arg7[%swap3A_703, %swap3A_704], %swap3A_707 {strides = array<i32>} : memref<256x64xf32, #tpu.memory_space<vmem>>, vector<1x16xf32>,
        %mul3A_708 = arith.constant 8 : i32
        %mul3A_709 = arith.muli %scan3A_245, %mul3A_708 : i32
        %add3A_710 = arith.constant 7 : i32
        %add3A_711 = arith.addi %mul3A_709, %add3A_710 : i32
        %get3A_712 = arith.index_cast %add3A_711 : i32 to index
        %get3A_713 = arith.constant 16 : index
        %get3A_714 = tpu.vector_load %arg7[%get3A_712, %get3A_713] {strides = array<i32>} : memref<256x64xf32, #tpu.memory_space<vmem>>, vector<1x16xf32>,
        %get3A_715 = vector.shape_cast %get3A_714 : vector<1x16xf32> to vector<16xf32>
        %add3A_716 = arith.constant 8.000000e+00 : f32
        %add3A_717 = vector.broadcast %add3A_716 : f32 to vector<16xf32>
        %add3A_718 = arith.addf %get3A_715, %add3A_717 : vector<16xf32>
        %swap3A_719 = arith.index_cast %add3A_711 : i32 to index
        %swap3A_720 = arith.constant 16 : index
        %swap3A_721 = tpu.vector_load %arg7[%swap3A_719, %swap3A_720] {strides = array<i32>} : memref<256x64xf32, #tpu.memory_space<vmem>>, vector<1x16xf32>,
        %swap3A_722 = vector.shape_cast %swap3A_721 : vector<1x16xf32> to vector<16xf32>
        %swap3A_723 = vector.shape_cast %add3A_718 : vector<16xf32> to vector<1x16xf32>
        tpu.vector_store %arg7[%swap3A_719, %swap3A_720], %swap3A_723 {strides = array<i32>} : memref<256x64xf32, #tpu.memory_space<vmem>>, vector<1x16xf32>,
        %mul3A_724 = arith.constant 8 : i32
        %mul3A_725 = arith.muli %scan3A_245, %mul3A_724 : i32
        %add3A_726 = arith.constant 7 : i32
        %add3A_727 = arith.addi %mul3A_725, %add3A_726 : i32
        %get3A_728 = arith.index_cast %add3A_727 : i32 to index
        %get3A_729 = arith.constant 32 : index
        %get3A_730 = tpu.vector_load %arg7[%get3A_728, %get3A_729] {strides = array<i32>} : memref<256x64xf32, #tpu.memory_space<vmem>>, vector<1x16xf32>,
        %get3A_731 = vector.shape_cast %get3A_730 : vector<1x16xf32> to vector<16xf32>
        %add3A_732 = arith.constant 8.000000e+00 : f32
        %add3A_733 = vector.broadcast %add3A_732 : f32 to vector<16xf32>
        %add3A_734 = arith.addf %get3A_731, %add3A_733 : vector<16xf32>
        %swap3A_735 = arith.index_cast %add3A_727 : i32 to index
        %swap3A_736 = arith.constant 32 : index
        %swap3A_737 = tpu.vector_load %arg7[%swap3A_735, %swap3A_736] {strides = array<i32>} : memref<256x64xf32, #tpu.memory_space<vmem>>, vector<1x16xf32>,
        %swap3A_738 = vector.shape_cast %swap3A_737 : vector<1x16xf32> to vector<16xf32>
        %swap3A_739 = vector.shape_cast %add3A_734 : vector<16xf32> to vector<1x16xf32>
        tpu.vector_store %arg7[%swap3A_735, %swap3A_736], %swap3A_739 {strides = array<i32>} : memref<256x64xf32, #tpu.memory_space<vmem>>, vector<1x16xf32>,
        %mul3A_740 = arith.constant 8 : i32
        %mul3A_741 = arith.muli %scan3A_245, %mul3A_740 : i32
        %add3A_742 = arith.constant 7 : i32
        %add3A_743 = arith.addi %mul3A_741, %add3A_742 : i32
        %get3A_744 = arith.index_cast %add3A_743 : i32 to index
        %get3A_745 = arith.constant 48 : index
        %get3A_746 = tpu.vector_load %arg7[%get3A_744, %get3A_745] {strides = array<i32>} : memref<256x64xf32, #tpu.memory_space<vmem>>, vector<1x16xf32>,
        %get3A_747 = vector.shape_cast %get3A_746 : vector<1x16xf32> to vector<16xf32>
        %add3A_748 = arith.constant 8.000000e+00 : f32
        %add3A_749 = vector.broadcast %add3A_748 : f32 to vector<16xf32>
        %add3A_750 = arith.addf %get3A_747, %add3A_749 : vector<16xf32>
        %swap3A_751 = arith.index_cast %add3A_743 : i32 to index
        %swap3A_752 = arith.constant 48 : index
        %swap3A_753 = tpu.vector_load %arg7[%swap3A_751, %swap3A_752] {strides = array<i32>} : memref<256x64xf32, #tpu.memory_space<vmem>>, vector<1x16xf32>,
        %swap3A_754 = vector.shape_cast %swap3A_753 : vector<1x16xf32> to vector<16xf32>
        %swap3A_755 = vector.shape_cast %add3A_750 : vector<16xf32> to vector<1x16xf32>
        tpu.vector_store %arg7[%swap3A_751, %swap3A_752], %swap3A_755 {strides = array<i32>} : memref<256x64xf32, #tpu.memory_space<vmem>>, vector<1x16xf32>,
      }
      %scan3A_148 = arith.constant 32 : i32
      %mul3A_149 = arith.constant 256 : i32
      %mul3A_150 = arith.muli %add3A_103, %mul3A_149 : i32
      %add3A_151 = arith.addi %mul3A_2, %mul3A_150 : i32
      %dma_start3A_152 = arith.constant 0 : i32
      %dma_start3A_153 = tpu.memref_slice %arg4[%add3A_151, %dma_start3A_152] : memref<819200x64xf32, #tpu.memory_space<hbm>> -> memref<256x64xf32, #tpu.memory_space<hbm>>
      %dma_start3A_154 = arith.constant 0 : i32
      %dma_start3A_155 = tpu.memref_slice %arg4[%add3A_151, %dma_start3A_154] : memref<819200x64xf32, #tpu.memory_space<hbm>> -> memref<256x64xf32, #tpu.memory_space<hbm>>
      tpu.enqueue_dma source(%arg7 : memref<256x64xf32, #tpu.memory_space<vmem>>) target(%dma_start3A_155 : memref<256x64xf32, #tpu.memory_space<hbm>>) target_semaphore(%arg15 : memref<!tpu.dma_semaphore, #tpu.memory_space<semaphore_mem>>)
      %mul3A_156 = arith.constant 4 : i32
      %mul3A_157 = arith.muli %mul3A_156, %scan3A_46 : i32
      %add3A_158 = arith.constant 2 : i32
      %add3A_159 = arith.addi %mul3A_157, %add3A_158 : i32
      %gt3A_160 = arith.constant 0 : i32
      %gt3A_161 = arith.cmpi sgt, %scan3A_46, %gt3A_160 : i32
      %convert_element_type3A_162 = arith.extui %gt3A_161 : i1 to i32
      %cond3A_163 = arith.constant 0 : i32
      %cond3A_164 = arith.cmpi ne, %convert_element_type3A_162, %cond3A_163 : i32
      scf.if %cond3A_164 {
        %dma_wait3A_245 = arith.constant 0 : i32
        %dma_wait3A_246 = arith.constant 0 : i32
        %dma_wait3A_247 = tpu.memref_slice %arg4[%dma_wait3A_245, %dma_wait3A_246] : memref<819200x64xf32, #tpu.memory_space<hbm>> -> memref<256x64xf32, #tpu.memory_space<hbm>>
        %dma_wait3A_248 = arith.constant 0 : i32
        %dma_wait3A_249 = arith.constant 0 : i32
        %dma_wait3A_250 = tpu.memref_slice %arg4[%dma_wait3A_248, %dma_wait3A_249] : memref<819200x64xf32, #tpu.memory_space<hbm>> -> memref<256x64xf32, #tpu.memory_space<hbm>>
        tpu.wait_dma2 semaphore(%arg17 : memref<!tpu.dma_semaphore, #tpu.memory_space<semaphore_mem>>) src(%arg9 : memref<256x64xf32, #tpu.memory_space<vmem>>) dst(%dma_wait3A_250 : memref<256x64xf32, #tpu.memory_space<hbm>>)
      } else {
      }
      %add3A_165 = arith.constant 1 : i32
      %add3A_166 = arith.addi %add3A_159, %add3A_165 : i32
      %mul3A_167 = arith.constant 2 : i32
      %mul3A_168 = arith.muli %mul3A_167, %add3A_166 : i32
      %add3A_169 = arith.constant 0 : i32
      %add3A_170 = arith.addi %mul3A_168, %add3A_169 : i32
      %dma_start3A_171 = arith.constant 0 : i32
      %dma_start3A_172 = arith.constant 0 : i32
      %dma_start3A_173 = tpu.memref_slice %arg9[%dma_start3A_171, %dma_start3A_172] : memref<256x64xf32, #tpu.memory_space<vmem>> -> memref<128x64xf32, #tpu.memory_space<vmem>>
      %dma_start3A_174 = arith.constant 0 : i32
      %dma_start3A_175 = tpu.memref_slice %arg5[%add3A_170, %dma_start3A_174] : memref<200x128xi32, #tpu.memory_space<vmem>> -> memref<1x128xi32, #tpu.memory_space<vmem>>
      %dma_start3A_176 = tpu.memref_squeeze %dma_start3A_175 : memref<1x128xi32, #tpu.memory_space<vmem>> -> memref<128xi32, #tpu.memory_space<vmem>>
      %dma_start3A_177 = arith.constant 0 : i32
      %dma_start3A_178 = arith.constant 0 : i32
      %dma_start3A_179 = tpu.memref_slice %arg3[%dma_start3A_177, %dma_start3A_178] : memref<1000000x64xf32, #tpu.memory_space<hbm>> -> memref<1000000x64xf32, #tpu.memory_space<hbm>>
      tpu.enqueue_indirect_dma source(%dma_start3A_179 : memref<1000000x64xf32, #tpu.memory_space<hbm>>) target(%dma_start3A_173 : memref<128x64xf32, #tpu.memory_space<vmem>>) offsets(%dma_start3A_176 : memref<128xi32, #tpu.memory_space<vmem>>) semaphore(%arg13 : memref<!tpu.dma_semaphore, #tpu.memory_space<semaphore_mem>>)
      %mul3A_180 = arith.constant 2 : i32
      %mul3A_181 = arith.muli %mul3A_180, %add3A_166 : i32
      %add3A_182 = arith.constant 1 : i32
      %add3A_183 = arith.addi %mul3A_181, %add3A_182 : i32
      %dma_start3A_184 = arith.constant 128 : i32
      %dma_start3A_185 = arith.constant 0 : i32
      %dma_start3A_186 = tpu.memref_slice %arg9[%dma_start3A_184, %dma_start3A_185] : memref<256x64xf32, #tpu.memory_space<vmem>> -> memref<128x64xf32, #tpu.memory_space<vmem>>
      %dma_start3A_187 = arith.constant 0 : i32
      %dma_start3A_188 = tpu.memref_slice %arg5[%add3A_183, %dma_start3A_187] : memref<200x128xi32, #tpu.memory_space<vmem>> -> memref<1x128xi32, #tpu.memory_space<vmem>>
      %dma_start3A_189 = tpu.memref_squeeze %dma_start3A_188 : memref<1x128xi32, #tpu.memory_space<vmem>> -> memref<128xi32, #tpu.memory_space<vmem>>
      %dma_start3A_190 = arith.constant 0 : i32
      %dma_start3A_191 = arith.constant 0 : i32
      %dma_start3A_192 = tpu.memref_slice %arg3[%dma_start3A_190, %dma_start3A_191] : memref<1000000x64xf32, #tpu.memory_space<hbm>> -> memref<1000000x64xf32, #tpu.memory_space<hbm>>
      tpu.enqueue_indirect_dma source(%dma_start3A_192 : memref<1000000x64xf32, #tpu.memory_space<hbm>>) target(%dma_start3A_186 : memref<128x64xf32, #tpu.memory_space<vmem>>) offsets(%dma_start3A_189 : memref<128xi32, #tpu.memory_space<vmem>>) semaphore(%arg13 : memref<!tpu.dma_semaphore, #tpu.memory_space<semaphore_mem>>)
      %dma_wait3A_193 = arith.constant 0 : i32
      %dma_wait3A_194 = arith.constant 0 : i32
      %dma_wait3A_195 = tpu.memref_slice %arg4[%dma_wait3A_193, %dma_wait3A_194] : memref<819200x64xf32, #tpu.memory_space<hbm>> -> memref<256x64xf32, #tpu.memory_space<hbm>>
      %dma_wait3A_196 = arith.constant 0 : i32
      %dma_wait3A_197 = arith.constant 0 : i32
      %dma_wait3A_198 = tpu.memref_slice %arg4[%dma_wait3A_196, %dma_wait3A_197] : memref<819200x64xf32, #tpu.memory_space<hbm>> -> memref<256x64xf32, #tpu.memory_space<hbm>>
      tpu.wait_dma2 semaphore(%arg12 : memref<!tpu.dma_semaphore, #tpu.memory_space<semaphore_mem>>) src(%dma_wait3A_198 : memref<256x64xf32, #tpu.memory_space<hbm>>) dst(%arg8 : memref<256x64xf32, #tpu.memory_space<vmem>>)
      %scan3A_199 = arith.constant 0 : i32
      %scan3A_200 = arith.constant 0 : i32
      %scan3A_201 = arith.constant 32 : i32
      %scan3A_202 = arith.addi %scan3A_200, %scan3A_201 : i32
      %scan3A_203 = arith.constant 1 : i32
      scf.for %scan3A_245 = %scan3A_200 to %scan3A_202 step %scan3A_203  : i32 {
        %mul3A_246 = arith.constant 8 : i32
        %mul3A_247 = arith.muli %scan3A_245, %mul3A_246 : i32
        %add3A_248 = arith.constant 0 : i32
        %add3A_249 = arith.addi %mul3A_247, %add3A_248 : i32
        %get3A = arith.index_cast %add3A_249 : i32 to index
        %get3A_250 = arith.constant 0 : index
        %get3A_251 = tpu.vector_load %arg8[%get3A, %get3A_250] {strides = array<i32>} : memref<256x64xf32, #tpu.memory_space<vmem>>, vector<1x16xf32>,
        %get3A_252 = vector.shape_cast %get3A_251 : vector<1x16xf32> to vector<16xf32>
        %add3A_253 = arith.constant 8.000000e+00 : f32
        %add3A_254 = vector.broadcast %add3A_253 : f32 to vector<16xf32>
        %add3A_255 = arith.addf %get3A_252, %add3A_254 : vector<16xf32>
        %swap3A = arith.index_cast %add3A_249 : i32 to index
        %swap3A_256 = arith.constant 0 : index
        %swap3A_257 = tpu.vector_load %arg8[%swap3A, %swap3A_256] {strides = array<i32>} : memref<256x64xf32, #tpu.memory_space<vmem>>, vector<1x16xf32>,
        %swap3A_258 = vector.shape_cast %swap3A_257 : vector<1x16xf32> to vector<16xf32>
        %swap3A_259 = vector.shape_cast %add3A_255 : vector<16xf32> to vector<1x16xf32>
        tpu.vector_store %arg8[%swap3A, %swap3A_256], %swap3A_259 {strides = array<i32>} : memref<256x64xf32, #tpu.memory_space<vmem>>, vector<1x16xf32>,
        %mul3A_260 = arith.constant 8 : i32
        %mul3A_261 = arith.muli %scan3A_245, %mul3A_260 : i32
        %add3A_262 = arith.constant 0 : i32
        %add3A_263 = arith.addi %mul3A_261, %add3A_262 : i32
        %get3A_264 = arith.index_cast %add3A_263 : i32 to index
        %get3A_265 = arith.constant 16 : index
        %get3A_266 = tpu.vector_load %arg8[%get3A_264, %get3A_265] {strides = array<i32>} : memref<256x64xf32, #tpu.memory_space<vmem>>, vector<1x16xf32>,
        %get3A_267 = vector.shape_cast %get3A_266 : vector<1x16xf32> to vector<16xf32>
        %add3A_268 = arith.constant 8.000000e+00 : f32
        %add3A_269 = vector.broadcast %add3A_268 : f32 to vector<16xf32>
        %add3A_270 = arith.addf %get3A_267, %add3A_269 : vector<16xf32>
        %swap3A_271 = arith.index_cast %add3A_263 : i32 to index
        %swap3A_272 = arith.constant 16 : index
        %swap3A_273 = tpu.vector_load %arg8[%swap3A_271, %swap3A_272] {strides = array<i32>} : memref<256x64xf32, #tpu.memory_space<vmem>>, vector<1x16xf32>,
        %swap3A_274 = vector.shape_cast %swap3A_273 : vector<1x16xf32> to vector<16xf32>
        %swap3A_275 = vector.shape_cast %add3A_270 : vector<16xf32> to vector<1x16xf32>
        tpu.vector_store %arg8[%swap3A_271, %swap3A_272], %swap3A_275 {strides = array<i32>} : memref<256x64xf32, #tpu.memory_space<vmem>>, vector<1x16xf32>,
        %mul3A_276 = arith.constant 8 : i32
        %mul3A_277 = arith.muli %scan3A_245, %mul3A_276 : i32
        %add3A_278 = arith.constant 0 : i32
        %add3A_279 = arith.addi %mul3A_277, %add3A_278 : i32
        %get3A_280 = arith.index_cast %add3A_279 : i32 to index
        %get3A_281 = arith.constant 32 : index
        %get3A_282 = tpu.vector_load %arg8[%get3A_280, %get3A_281] {strides = array<i32>} : memref<256x64xf32, #tpu.memory_space<vmem>>, vector<1x16xf32>,
        %get3A_283 = vector.shape_cast %get3A_282 : vector<1x16xf32> to vector<16xf32>
        %add3A_284 = arith.constant 8.000000e+00 : f32
        %add3A_285 = vector.broadcast %add3A_284 : f32 to vector<16xf32>
        %add3A_286 = arith.addf %get3A_283, %add3A_285 : vector<16xf32>
        %swap3A_287 = arith.index_cast %add3A_279 : i32 to index
        %swap3A_288 = arith.constant 32 : index
        %swap3A_289 = tpu.vector_load %arg8[%swap3A_287, %swap3A_288] {strides = array<i32>} : memref<256x64xf32, #tpu.memory_space<vmem>>, vector<1x16xf32>,
        %swap3A_290 = vector.shape_cast %swap3A_289 : vector<1x16xf32> to vector<16xf32>
        %swap3A_291 = vector.shape_cast %add3A_286 : vector<16xf32> to vector<1x16xf32>
        tpu.vector_store %arg8[%swap3A_287, %swap3A_288], %swap3A_291 {strides = array<i32>} : memref<256x64xf32, #tpu.memory_space<vmem>>, vector<1x16xf32>,
        %mul3A_292 = arith.constant 8 : i32
        %mul3A_293 = arith.muli %scan3A_245, %mul3A_292 : i32
        %add3A_294 = arith.constant 0 : i32
        %add3A_295 = arith.addi %mul3A_293, %add3A_294 : i32
        %get3A_296 = arith.index_cast %add3A_295 : i32 to index
        %get3A_297 = arith.constant 48 : index
        %get3A_298 = tpu.vector_load %arg8[%get3A_296, %get3A_297] {strides = array<i32>} : memref<256x64xf32, #tpu.memory_space<vmem>>, vector<1x16xf32>,
        %get3A_299 = vector.shape_cast %get3A_298 : vector<1x16xf32> to vector<16xf32>
        %add3A_300 = arith.constant 8.000000e+00 : f32
        %add3A_301 = vector.broadcast %add3A_300 : f32 to vector<16xf32>
        %add3A_302 = arith.addf %get3A_299, %add3A_301 : vector<16xf32>
        %swap3A_303 = arith.index_cast %add3A_295 : i32 to index
        %swap3A_304 = arith.constant 48 : index
        %swap3A_305 = tpu.vector_load %arg8[%swap3A_303, %swap3A_304] {strides = array<i32>} : memref<256x64xf32, #tpu.memory_space<vmem>>, vector<1x16xf32>,
        %swap3A_306 = vector.shape_cast %swap3A_305 : vector<1x16xf32> to vector<16xf32>
        %swap3A_307 = vector.shape_cast %add3A_302 : vector<16xf32> to vector<1x16xf32>
        tpu.vector_store %arg8[%swap3A_303, %swap3A_304], %swap3A_307 {strides = array<i32>} : memref<256x64xf32, #tpu.memory_space<vmem>>, vector<1x16xf32>,
        %mul3A_308 = arith.constant 8 : i32
        %mul3A_309 = arith.muli %scan3A_245, %mul3A_308 : i32
        %add3A_310 = arith.constant 1 : i32
        %add3A_311 = arith.addi %mul3A_309, %add3A_310 : i32
        %get3A_312 = arith.index_cast %add3A_311 : i32 to index
        %get3A_313 = arith.constant 0 : index
        %get3A_314 = tpu.vector_load %arg8[%get3A_312, %get3A_313] {strides = array<i32>} : memref<256x64xf32, #tpu.memory_space<vmem>>, vector<1x16xf32>,
        %get3A_315 = vector.shape_cast %get3A_314 : vector<1x16xf32> to vector<16xf32>
        %add3A_316 = arith.constant 8.000000e+00 : f32
        %add3A_317 = vector.broadcast %add3A_316 : f32 to vector<16xf32>
        %add3A_318 = arith.addf %get3A_315, %add3A_317 : vector<16xf32>
        %swap3A_319 = arith.index_cast %add3A_311 : i32 to index
        %swap3A_320 = arith.constant 0 : index
        %swap3A_321 = tpu.vector_load %arg8[%swap3A_319, %swap3A_320] {strides = array<i32>} : memref<256x64xf32, #tpu.memory_space<vmem>>, vector<1x16xf32>,
        %swap3A_322 = vector.shape_cast %swap3A_321 : vector<1x16xf32> to vector<16xf32>
        %swap3A_323 = vector.shape_cast %add3A_318 : vector<16xf32> to vector<1x16xf32>
        tpu.vector_store %arg8[%swap3A_319, %swap3A_320], %swap3A_323 {strides = array<i32>} : memref<256x64xf32, #tpu.memory_space<vmem>>, vector<1x16xf32>,
        %mul3A_324 = arith.constant 8 : i32
        %mul3A_325 = arith.muli %scan3A_245, %mul3A_324 : i32
        %add3A_326 = arith.constant 1 : i32
        %add3A_327 = arith.addi %mul3A_325, %add3A_326 : i32
        %get3A_328 = arith.index_cast %add3A_327 : i32 to index
        %get3A_329 = arith.constant 16 : index
        %get3A_330 = tpu.vector_load %arg8[%get3A_328, %get3A_329] {strides = array<i32>} : memref<256x64xf32, #tpu.memory_space<vmem>>, vector<1x16xf32>,
        %get3A_331 = vector.shape_cast %get3A_330 : vector<1x16xf32> to vector<16xf32>
        %add3A_332 = arith.constant 8.000000e+00 : f32
        %add3A_333 = vector.broadcast %add3A_332 : f32 to vector<16xf32>
        %add3A_334 = arith.addf %get3A_331, %add3A_333 : vector<16xf32>
        %swap3A_335 = arith.index_cast %add3A_327 : i32 to index
        %swap3A_336 = arith.constant 16 : index
        %swap3A_337 = tpu.vector_load %arg8[%swap3A_335, %swap3A_336] {strides = array<i32>} : memref<256x64xf32, #tpu.memory_space<vmem>>, vector<1x16xf32>,
        %swap3A_338 = vector.shape_cast %swap3A_337 : vector<1x16xf32> to vector<16xf32>
        %swap3A_339 = vector.shape_cast %add3A_334 : vector<16xf32> to vector<1x16xf32>
        tpu.vector_store %arg8[%swap3A_335, %swap3A_336], %swap3A_339 {strides = array<i32>} : memref<256x64xf32, #tpu.memory_space<vmem>>, vector<1x16xf32>,
        %mul3A_340 = arith.constant 8 : i32
        %mul3A_341 = arith.muli %scan3A_245, %mul3A_340 : i32
        %add3A_342 = arith.constant 1 : i32
        %add3A_343 = arith.addi %mul3A_341, %add3A_342 : i32
        %get3A_344 = arith.index_cast %add3A_343 : i32 to index
        %get3A_345 = arith.constant 32 : index
        %get3A_346 = tpu.vector_load %arg8[%get3A_344, %get3A_345] {strides = array<i32>} : memref<256x64xf32, #tpu.memory_space<vmem>>, vector<1x16xf32>,
        %get3A_347 = vector.shape_cast %get3A_346 : vector<1x16xf32> to vector<16xf32>
        %add3A_348 = arith.constant 8.000000e+00 : f32
        %add3A_349 = vector.broadcast %add3A_348 : f32 to vector<16xf32>
        %add3A_350 = arith.addf %get3A_347, %add3A_349 : vector<16xf32>
        %swap3A_351 = arith.index_cast %add3A_343 : i32 to index
        %swap3A_352 = arith.constant 32 : index
        %swap3A_353 = tpu.vector_load %arg8[%swap3A_351, %swap3A_352] {strides = array<i32>} : memref<256x64xf32, #tpu.memory_space<vmem>>, vector<1x16xf32>,
        %swap3A_354 = vector.shape_cast %swap3A_353 : vector<1x16xf32> to vector<16xf32>
        %swap3A_355 = vector.shape_cast %add3A_350 : vector<16xf32> to vector<1x16xf32>
        tpu.vector_store %arg8[%swap3A_351, %swap3A_352], %swap3A_355 {strides = array<i32>} : memref<256x64xf32, #tpu.memory_space<vmem>>, vector<1x16xf32>,
        %mul3A_356 = arith.constant 8 : i32
        %mul3A_357 = arith.muli %scan3A_245, %mul3A_356 : i32
        %add3A_358 = arith.constant 1 : i32
        %add3A_359 = arith.addi %mul3A_357, %add3A_358 : i32
        %get3A_360 = arith.index_cast %add3A_359 : i32 to index
        %get3A_361 = arith.constant 48 : index
        %get3A_362 = tpu.vector_load %arg8[%get3A_360, %get3A_361] {strides = array<i32>} : memref<256x64xf32, #tpu.memory_space<vmem>>, vector<1x16xf32>,
        %get3A_363 = vector.shape_cast %get3A_362 : vector<1x16xf32> to vector<16xf32>
        %add3A_364 = arith.constant 8.000000e+00 : f32
        %add3A_365 = vector.broadcast %add3A_364 : f32 to vector<16xf32>
        %add3A_366 = arith.addf %get3A_363, %add3A_365 : vector<16xf32>
        %swap3A_367 = arith.index_cast %add3A_359 : i32 to index
        %swap3A_368 = arith.constant 48 : index
        %swap3A_369 = tpu.vector_load %arg8[%swap3A_367, %swap3A_368] {strides = array<i32>} : memref<256x64xf32, #tpu.memory_space<vmem>>, vector<1x16xf32>,
        %swap3A_370 = vector.shape_cast %swap3A_369 : vector<1x16xf32> to vector<16xf32>
        %swap3A_371 = vector.shape_cast %add3A_366 : vector<16xf32> to vector<1x16xf32>
        tpu.vector_store %arg8[%swap3A_367, %swap3A_368], %swap3A_371 {strides = array<i32>} : memref<256x64xf32, #tpu.memory_space<vmem>>, vector<1x16xf32>,
        %mul3A_372 = arith.constant 8 : i32
        %mul3A_373 = arith.muli %scan3A_245, %mul3A_372 : i32
        %add3A_374 = arith.constant 2 : i32
        %add3A_375 = arith.addi %mul3A_373, %add3A_374 : i32
        %get3A_376 = arith.index_cast %add3A_375 : i32 to index
        %get3A_377 = arith.constant 0 : index
        %get3A_378 = tpu.vector_load %arg8[%get3A_376, %get3A_377] {strides = array<i32>} : memref<256x64xf32, #tpu.memory_space<vmem>>, vector<1x16xf32>,
        %get3A_379 = vector.shape_cast %get3A_378 : vector<1x16xf32> to vector<16xf32>
        %add3A_380 = arith.constant 8.000000e+00 : f32
        %add3A_381 = vector.broadcast %add3A_380 : f32 to vector<16xf32>
        %add3A_382 = arith.addf %get3A_379, %add3A_381 : vector<16xf32>
        %swap3A_383 = arith.index_cast %add3A_375 : i32 to index
        %swap3A_384 = arith.constant 0 : index
        %swap3A_385 = tpu.vector_load %arg8[%swap3A_383, %swap3A_384] {strides = array<i32>} : memref<256x64xf32, #tpu.memory_space<vmem>>, vector<1x16xf32>,
        %swap3A_386 = vector.shape_cast %swap3A_385 : vector<1x16xf32> to vector<16xf32>
        %swap3A_387 = vector.shape_cast %add3A_382 : vector<16xf32> to vector<1x16xf32>
        tpu.vector_store %arg8[%swap3A_383, %swap3A_384], %swap3A_387 {strides = array<i32>} : memref<256x64xf32, #tpu.memory_space<vmem>>, vector<1x16xf32>,
        %mul3A_388 = arith.constant 8 : i32
        %mul3A_389 = arith.muli %scan3A_245, %mul3A_388 : i32
        %add3A_390 = arith.constant 2 : i32
        %add3A_391 = arith.addi %mul3A_389, %add3A_390 : i32
        %get3A_392 = arith.index_cast %add3A_391 : i32 to index
        %get3A_393 = arith.constant 16 : index
        %get3A_394 = tpu.vector_load %arg8[%get3A_392, %get3A_393] {strides = array<i32>} : memref<256x64xf32, #tpu.memory_space<vmem>>, vector<1x16xf32>,
        %get3A_395 = vector.shape_cast %get3A_394 : vector<1x16xf32> to vector<16xf32>
        %add3A_396 = arith.constant 8.000000e+00 : f32
        %add3A_397 = vector.broadcast %add3A_396 : f32 to vector<16xf32>
        %add3A_398 = arith.addf %get3A_395, %add3A_397 : vector<16xf32>
        %swap3A_399 = arith.index_cast %add3A_391 : i32 to index
        %swap3A_400 = arith.constant 16 : index
        %swap3A_401 = tpu.vector_load %arg8[%swap3A_399, %swap3A_400] {strides = array<i32>} : memref<256x64xf32, #tpu.memory_space<vmem>>, vector<1x16xf32>,
        %swap3A_402 = vector.shape_cast %swap3A_401 : vector<1x16xf32> to vector<16xf32>
        %swap3A_403 = vector.shape_cast %add3A_398 : vector<16xf32> to vector<1x16xf32>
        tpu.vector_store %arg8[%swap3A_399, %swap3A_400], %swap3A_403 {strides = array<i32>} : memref<256x64xf32, #tpu.memory_space<vmem>>, vector<1x16xf32>,
        %mul3A_404 = arith.constant 8 : i32
        %mul3A_405 = arith.muli %scan3A_245, %mul3A_404 : i32
        %add3A_406 = arith.constant 2 : i32
        %add3A_407 = arith.addi %mul3A_405, %add3A_406 : i32
        %get3A_408 = arith.index_cast %add3A_407 : i32 to index
        %get3A_409 = arith.constant 32 : index
        %get3A_410 = tpu.vector_load %arg8[%get3A_408, %get3A_409] {strides = array<i32>} : memref<256x64xf32, #tpu.memory_space<vmem>>, vector<1x16xf32>,
        %get3A_411 = vector.shape_cast %get3A_410 : vector<1x16xf32> to vector<16xf32>
        %add3A_412 = arith.constant 8.000000e+00 : f32
        %add3A_413 = vector.broadcast %add3A_412 : f32 to vector<16xf32>
        %add3A_414 = arith.addf %get3A_411, %add3A_413 : vector<16xf32>
        %swap3A_415 = arith.index_cast %add3A_407 : i32 to index
        %swap3A_416 = arith.constant 32 : index
        %swap3A_417 = tpu.vector_load %arg8[%swap3A_415, %swap3A_416] {strides = array<i32>} : memref<256x64xf32, #tpu.memory_space<vmem>>, vector<1x16xf32>,
        %swap3A_418 = vector.shape_cast %swap3A_417 : vector<1x16xf32> to vector<16xf32>
        %swap3A_419 = vector.shape_cast %add3A_414 : vector<16xf32> to vector<1x16xf32>
        tpu.vector_store %arg8[%swap3A_415, %swap3A_416], %swap3A_419 {strides = array<i32>} : memref<256x64xf32, #tpu.memory_space<vmem>>, vector<1x16xf32>,
        %mul3A_420 = arith.constant 8 : i32
        %mul3A_421 = arith.muli %scan3A_245, %mul3A_420 : i32
        %add3A_422 = arith.constant 2 : i32
        %add3A_423 = arith.addi %mul3A_421, %add3A_422 : i32
        %get3A_424 = arith.index_cast %add3A_423 : i32 to index
        %get3A_425 = arith.constant 48 : index
        %get3A_426 = tpu.vector_load %arg8[%get3A_424, %get3A_425] {strides = array<i32>} : memref<256x64xf32, #tpu.memory_space<vmem>>, vector<1x16xf32>,
        %get3A_427 = vector.shape_cast %get3A_426 : vector<1x16xf32> to vector<16xf32>
        %add3A_428 = arith.constant 8.000000e+00 : f32
        %add3A_429 = vector.broadcast %add3A_428 : f32 to vector<16xf32>
        %add3A_430 = arith.addf %get3A_427, %add3A_429 : vector<16xf32>
        %swap3A_431 = arith.index_cast %add3A_423 : i32 to index
        %swap3A_432 = arith.constant 48 : index
        %swap3A_433 = tpu.vector_load %arg8[%swap3A_431, %swap3A_432] {strides = array<i32>} : memref<256x64xf32, #tpu.memory_space<vmem>>, vector<1x16xf32>,
        %swap3A_434 = vector.shape_cast %swap3A_433 : vector<1x16xf32> to vector<16xf32>
        %swap3A_435 = vector.shape_cast %add3A_430 : vector<16xf32> to vector<1x16xf32>
        tpu.vector_store %arg8[%swap3A_431, %swap3A_432], %swap3A_435 {strides = array<i32>} : memref<256x64xf32, #tpu.memory_space<vmem>>, vector<1x16xf32>,
        %mul3A_436 = arith.constant 8 : i32
        %mul3A_437 = arith.muli %scan3A_245, %mul3A_436 : i32
        %add3A_438 = arith.constant 3 : i32
        %add3A_439 = arith.addi %mul3A_437, %add3A_438 : i32
        %get3A_440 = arith.index_cast %add3A_439 : i32 to index
        %get3A_441 = arith.constant 0 : index
        %get3A_442 = tpu.vector_load %arg8[%get3A_440, %get3A_441] {strides = array<i32>} : memref<256x64xf32, #tpu.memory_space<vmem>>, vector<1x16xf32>,
        %get3A_443 = vector.shape_cast %get3A_442 : vector<1x16xf32> to vector<16xf32>
        %add3A_444 = arith.constant 8.000000e+00 : f32
        %add3A_445 = vector.broadcast %add3A_444 : f32 to vector<16xf32>
        %add3A_446 = arith.addf %get3A_443, %add3A_445 : vector<16xf32>
        %swap3A_447 = arith.index_cast %add3A_439 : i32 to index
        %swap3A_448 = arith.constant 0 : index
        %swap3A_449 = tpu.vector_load %arg8[%swap3A_447, %swap3A_448] {strides = array<i32>} : memref<256x64xf32, #tpu.memory_space<vmem>>, vector<1x16xf32>,
        %swap3A_450 = vector.shape_cast %swap3A_449 : vector<1x16xf32> to vector<16xf32>
        %swap3A_451 = vector.shape_cast %add3A_446 : vector<16xf32> to vector<1x16xf32>
        tpu.vector_store %arg8[%swap3A_447, %swap3A_448], %swap3A_451 {strides = array<i32>} : memref<256x64xf32, #tpu.memory_space<vmem>>, vector<1x16xf32>,
        %mul3A_452 = arith.constant 8 : i32
        %mul3A_453 = arith.muli %scan3A_245, %mul3A_452 : i32
        %add3A_454 = arith.constant 3 : i32
        %add3A_455 = arith.addi %mul3A_453, %add3A_454 : i32
        %get3A_456 = arith.index_cast %add3A_455 : i32 to index
        %get3A_457 = arith.constant 16 : index
        %get3A_458 = tpu.vector_load %arg8[%get3A_456, %get3A_457] {strides = array<i32>} : memref<256x64xf32, #tpu.memory_space<vmem>>, vector<1x16xf32>,
        %get3A_459 = vector.shape_cast %get3A_458 : vector<1x16xf32> to vector<16xf32>
        %add3A_460 = arith.constant 8.000000e+00 : f32
        %add3A_461 = vector.broadcast %add3A_460 : f32 to vector<16xf32>
        %add3A_462 = arith.addf %get3A_459, %add3A_461 : vector<16xf32>
        %swap3A_463 = arith.index_cast %add3A_455 : i32 to index
        %swap3A_464 = arith.constant 16 : index
        %swap3A_465 = tpu.vector_load %arg8[%swap3A_463, %swap3A_464] {strides = array<i32>} : memref<256x64xf32, #tpu.memory_space<vmem>>, vector<1x16xf32>,
        %swap3A_466 = vector.shape_cast %swap3A_465 : vector<1x16xf32> to vector<16xf32>
        %swap3A_467 = vector.shape_cast %add3A_462 : vector<16xf32> to vector<1x16xf32>
        tpu.vector_store %arg8[%swap3A_463, %swap3A_464], %swap3A_467 {strides = array<i32>} : memref<256x64xf32, #tpu.memory_space<vmem>>, vector<1x16xf32>,
        %mul3A_468 = arith.constant 8 : i32
        %mul3A_469 = arith.muli %scan3A_245, %mul3A_468 : i32
        %add3A_470 = arith.constant 3 : i32
        %add3A_471 = arith.addi %mul3A_469, %add3A_470 : i32
        %get3A_472 = arith.index_cast %add3A_471 : i32 to index
        %get3A_473 = arith.constant 32 : index
        %get3A_474 = tpu.vector_load %arg8[%get3A_472, %get3A_473] {strides = array<i32>} : memref<256x64xf32, #tpu.memory_space<vmem>>, vector<1x16xf32>,
        %get3A_475 = vector.shape_cast %get3A_474 : vector<1x16xf32> to vector<16xf32>
        %add3A_476 = arith.constant 8.000000e+00 : f32
        %add3A_477 = vector.broadcast %add3A_476 : f32 to vector<16xf32>
        %add3A_478 = arith.addf %get3A_475, %add3A_477 : vector<16xf32>
        %swap3A_479 = arith.index_cast %add3A_471 : i32 to index
        %swap3A_480 = arith.constant 32 : index
        %swap3A_481 = tpu.vector_load %arg8[%swap3A_479, %swap3A_480] {strides = array<i32>} : memref<256x64xf32, #tpu.memory_space<vmem>>, vector<1x16xf32>,
        %swap3A_482 = vector.shape_cast %swap3A_481 : vector<1x16xf32> to vector<16xf32>
        %swap3A_483 = vector.shape_cast %add3A_478 : vector<16xf32> to vector<1x16xf32>
        tpu.vector_store %arg8[%swap3A_479, %swap3A_480], %swap3A_483 {strides = array<i32>} : memref<256x64xf32, #tpu.memory_space<vmem>>, vector<1x16xf32>,
        %mul3A_484 = arith.constant 8 : i32
        %mul3A_485 = arith.muli %scan3A_245, %mul3A_484 : i32
        %add3A_486 = arith.constant 3 : i32
        %add3A_487 = arith.addi %mul3A_485, %add3A_486 : i32
        %get3A_488 = arith.index_cast %add3A_487 : i32 to index
        %get3A_489 = arith.constant 48 : index
        %get3A_490 = tpu.vector_load %arg8[%get3A_488, %get3A_489] {strides = array<i32>} : memref<256x64xf32, #tpu.memory_space<vmem>>, vector<1x16xf32>,
        %get3A_491 = vector.shape_cast %get3A_490 : vector<1x16xf32> to vector<16xf32>
        %add3A_492 = arith.constant 8.000000e+00 : f32
        %add3A_493 = vector.broadcast %add3A_492 : f32 to vector<16xf32>
        %add3A_494 = arith.addf %get3A_491, %add3A_493 : vector<16xf32>
        %swap3A_495 = arith.index_cast %add3A_487 : i32 to index
        %swap3A_496 = arith.constant 48 : index
        %swap3A_497 = tpu.vector_load %arg8[%swap3A_495, %swap3A_496] {strides = array<i32>} : memref<256x64xf32, #tpu.memory_space<vmem>>, vector<1x16xf32>,
        %swap3A_498 = vector.shape_cast %swap3A_497 : vector<1x16xf32> to vector<16xf32>
        %swap3A_499 = vector.shape_cast %add3A_494 : vector<16xf32> to vector<1x16xf32>
        tpu.vector_store %arg8[%swap3A_495, %swap3A_496], %swap3A_499 {strides = array<i32>} : memref<256x64xf32, #tpu.memory_space<vmem>>, vector<1x16xf32>,
        %mul3A_500 = arith.constant 8 : i32
        %mul3A_501 = arith.muli %scan3A_245, %mul3A_500 : i32
        %add3A_502 = arith.constant 4 : i32
        %add3A_503 = arith.addi %mul3A_501, %add3A_502 : i32
        %get3A_504 = arith.index_cast %add3A_503 : i32 to index
        %get3A_505 = arith.constant 0 : index
        %get3A_506 = tpu.vector_load %arg8[%get3A_504, %get3A_505] {strides = array<i32>} : memref<256x64xf32, #tpu.memory_space<vmem>>, vector<1x16xf32>,
        %get3A_507 = vector.shape_cast %get3A_506 : vector<1x16xf32> to vector<16xf32>
        %add3A_508 = arith.constant 8.000000e+00 : f32
        %add3A_509 = vector.broadcast %add3A_508 : f32 to vector<16xf32>
        %add3A_510 = arith.addf %get3A_507, %add3A_509 : vector<16xf32>
        %swap3A_511 = arith.index_cast %add3A_503 : i32 to index
        %swap3A_512 = arith.constant 0 : index
        %swap3A_513 = tpu.vector_load %arg8[%swap3A_511, %swap3A_512] {strides = array<i32>} : memref<256x64xf32, #tpu.memory_space<vmem>>, vector<1x16xf32>,
        %swap3A_514 = vector.shape_cast %swap3A_513 : vector<1x16xf32> to vector<16xf32>
        %swap3A_515 = vector.shape_cast %add3A_510 : vector<16xf32> to vector<1x16xf32>
        tpu.vector_store %arg8[%swap3A_511, %swap3A_512], %swap3A_515 {strides = array<i32>} : memref<256x64xf32, #tpu.memory_space<vmem>>, vector<1x16xf32>,
        %mul3A_516 = arith.constant 8 : i32
        %mul3A_517 = arith.muli %scan3A_245, %mul3A_516 : i32
        %add3A_518 = arith.constant 4 : i32
        %add3A_519 = arith.addi %mul3A_517, %add3A_518 : i32
        %get3A_520 = arith.index_cast %add3A_519 : i32 to index
        %get3A_521 = arith.constant 16 : index
        %get3A_522 = tpu.vector_load %arg8[%get3A_520, %get3A_521] {strides = array<i32>} : memref<256x64xf32, #tpu.memory_space<vmem>>, vector<1x16xf32>,
        %get3A_523 = vector.shape_cast %get3A_522 : vector<1x16xf32> to vector<16xf32>
        %add3A_524 = arith.constant 8.000000e+00 : f32
        %add3A_525 = vector.broadcast %add3A_524 : f32 to vector<16xf32>
        %add3A_526 = arith.addf %get3A_523, %add3A_525 : vector<16xf32>
        %swap3A_527 = arith.index_cast %add3A_519 : i32 to index
        %swap3A_528 = arith.constant 16 : index
        %swap3A_529 = tpu.vector_load %arg8[%swap3A_527, %swap3A_528] {strides = array<i32>} : memref<256x64xf32, #tpu.memory_space<vmem>>, vector<1x16xf32>,
        %swap3A_530 = vector.shape_cast %swap3A_529 : vector<1x16xf32> to vector<16xf32>
        %swap3A_531 = vector.shape_cast %add3A_526 : vector<16xf32> to vector<1x16xf32>
        tpu.vector_store %arg8[%swap3A_527, %swap3A_528], %swap3A_531 {strides = array<i32>} : memref<256x64xf32, #tpu.memory_space<vmem>>, vector<1x16xf32>,
        %mul3A_532 = arith.constant 8 : i32
        %mul3A_533 = arith.muli %scan3A_245, %mul3A_532 : i32
        %add3A_534 = arith.constant 4 : i32
        %add3A_535 = arith.addi %mul3A_533, %add3A_534 : i32
        %get3A_536 = arith.index_cast %add3A_535 : i32 to index
        %get3A_537 = arith.constant 32 : index
        %get3A_538 = tpu.vector_load %arg8[%get3A_536, %get3A_537] {strides = array<i32>} : memref<256x64xf32, #tpu.memory_space<vmem>>, vector<1x16xf32>,
        %get3A_539 = vector.shape_cast %get3A_538 : vector<1x16xf32> to vector<16xf32>
        %add3A_540 = arith.constant 8.000000e+00 : f32
        %add3A_541 = vector.broadcast %add3A_540 : f32 to vector<16xf32>
        %add3A_542 = arith.addf %get3A_539, %add3A_541 : vector<16xf32>
        %swap3A_543 = arith.index_cast %add3A_535 : i32 to index
        %swap3A_544 = arith.constant 32 : index
        %swap3A_545 = tpu.vector_load %arg8[%swap3A_543, %swap3A_544] {strides = array<i32>} : memref<256x64xf32, #tpu.memory_space<vmem>>, vector<1x16xf32>,
        %swap3A_546 = vector.shape_cast %swap3A_545 : vector<1x16xf32> to vector<16xf32>
        %swap3A_547 = vector.shape_cast %add3A_542 : vector<16xf32> to vector<1x16xf32>
        tpu.vector_store %arg8[%swap3A_543, %swap3A_544], %swap3A_547 {strides = array<i32>} : memref<256x64xf32, #tpu.memory_space<vmem>>, vector<1x16xf32>,
        %mul3A_548 = arith.constant 8 : i32
        %mul3A_549 = arith.muli %scan3A_245, %mul3A_548 : i32
        %add3A_550 = arith.constant 4 : i32
        %add3A_551 = arith.addi %mul3A_549, %add3A_550 : i32
        %get3A_552 = arith.index_cast %add3A_551 : i32 to index
        %get3A_553 = arith.constant 48 : index
        %get3A_554 = tpu.vector_load %arg8[%get3A_552, %get3A_553] {strides = array<i32>} : memref<256x64xf32, #tpu.memory_space<vmem>>, vector<1x16xf32>,
        %get3A_555 = vector.shape_cast %get3A_554 : vector<1x16xf32> to vector<16xf32>
        %add3A_556 = arith.constant 8.000000e+00 : f32
        %add3A_557 = vector.broadcast %add3A_556 : f32 to vector<16xf32>
        %add3A_558 = arith.addf %get3A_555, %add3A_557 : vector<16xf32>
        %swap3A_559 = arith.index_cast %add3A_551 : i32 to index
        %swap3A_560 = arith.constant 48 : index
        %swap3A_561 = tpu.vector_load %arg8[%swap3A_559, %swap3A_560] {strides = array<i32>} : memref<256x64xf32, #tpu.memory_space<vmem>>, vector<1x16xf32>,
        %swap3A_562 = vector.shape_cast %swap3A_561 : vector<1x16xf32> to vector<16xf32>
        %swap3A_563 = vector.shape_cast %add3A_558 : vector<16xf32> to vector<1x16xf32>
        tpu.vector_store %arg8[%swap3A_559, %swap3A_560], %swap3A_563 {strides = array<i32>} : memref<256x64xf32, #tpu.memory_space<vmem>>, vector<1x16xf32>,
        %mul3A_564 = arith.constant 8 : i32
        %mul3A_565 = arith.muli %scan3A_245, %mul3A_564 : i32
        %add3A_566 = arith.constant 5 : i32
        %add3A_567 = arith.addi %mul3A_565, %add3A_566 : i32
        %get3A_568 = arith.index_cast %add3A_567 : i32 to index
        %get3A_569 = arith.constant 0 : index
        %get3A_570 = tpu.vector_load %arg8[%get3A_568, %get3A_569] {strides = array<i32>} : memref<256x64xf32, #tpu.memory_space<vmem>>, vector<1x16xf32>,
        %get3A_571 = vector.shape_cast %get3A_570 : vector<1x16xf32> to vector<16xf32>
        %add3A_572 = arith.constant 8.000000e+00 : f32
        %add3A_573 = vector.broadcast %add3A_572 : f32 to vector<16xf32>
        %add3A_574 = arith.addf %get3A_571, %add3A_573 : vector<16xf32>
        %swap3A_575 = arith.index_cast %add3A_567 : i32 to index
        %swap3A_576 = arith.constant 0 : index
        %swap3A_577 = tpu.vector_load %arg8[%swap3A_575, %swap3A_576] {strides = array<i32>} : memref<256x64xf32, #tpu.memory_space<vmem>>, vector<1x16xf32>,
        %swap3A_578 = vector.shape_cast %swap3A_577 : vector<1x16xf32> to vector<16xf32>
        %swap3A_579 = vector.shape_cast %add3A_574 : vector<16xf32> to vector<1x16xf32>
        tpu.vector_store %arg8[%swap3A_575, %swap3A_576], %swap3A_579 {strides = array<i32>} : memref<256x64xf32, #tpu.memory_space<vmem>>, vector<1x16xf32>,
        %mul3A_580 = arith.constant 8 : i32
        %mul3A_581 = arith.muli %scan3A_245, %mul3A_580 : i32
        %add3A_582 = arith.constant 5 : i32
        %add3A_583 = arith.addi %mul3A_581, %add3A_582 : i32
        %get3A_584 = arith.index_cast %add3A_583 : i32 to index
        %get3A_585 = arith.constant 16 : index
        %get3A_586 = tpu.vector_load %arg8[%get3A_584, %get3A_585] {strides = array<i32>} : memref<256x64xf32, #tpu.memory_space<vmem>>, vector<1x16xf32>,
        %get3A_587 = vector.shape_cast %get3A_586 : vector<1x16xf32> to vector<16xf32>
        %add3A_588 = arith.constant 8.000000e+00 : f32
        %add3A_589 = vector.broadcast %add3A_588 : f32 to vector<16xf32>
        %add3A_590 = arith.addf %get3A_587, %add3A_589 : vector<16xf32>
        %swap3A_591 = arith.index_cast %add3A_583 : i32 to index
        %swap3A_592 = arith.constant 16 : index
        %swap3A_593 = tpu.vector_load %arg8[%swap3A_591, %swap3A_592] {strides = array<i32>} : memref<256x64xf32, #tpu.memory_space<vmem>>, vector<1x16xf32>,
        %swap3A_594 = vector.shape_cast %swap3A_593 : vector<1x16xf32> to vector<16xf32>
        %swap3A_595 = vector.shape_cast %add3A_590 : vector<16xf32> to vector<1x16xf32>
        tpu.vector_store %arg8[%swap3A_591, %swap3A_592], %swap3A_595 {strides = array<i32>} : memref<256x64xf32, #tpu.memory_space<vmem>>, vector<1x16xf32>,
        %mul3A_596 = arith.constant 8 : i32
        %mul3A_597 = arith.muli %scan3A_245, %mul3A_596 : i32
        %add3A_598 = arith.constant 5 : i32
        %add3A_599 = arith.addi %mul3A_597, %add3A_598 : i32
        %get3A_600 = arith.index_cast %add3A_599 : i32 to index
        %get3A_601 = arith.constant 32 : index
        %get3A_602 = tpu.vector_load %arg8[%get3A_600, %get3A_601] {strides = array<i32>} : memref<256x64xf32, #tpu.memory_space<vmem>>, vector<1x16xf32>,
        %get3A_603 = vector.shape_cast %get3A_602 : vector<1x16xf32> to vector<16xf32>
        %add3A_604 = arith.constant 8.000000e+00 : f32
        %add3A_605 = vector.broadcast %add3A_604 : f32 to vector<16xf32>
        %add3A_606 = arith.addf %get3A_603, %add3A_605 : vector<16xf32>
        %swap3A_607 = arith.index_cast %add3A_599 : i32 to index
        %swap3A_608 = arith.constant 32 : index
        %swap3A_609 = tpu.vector_load %arg8[%swap3A_607, %swap3A_608] {strides = array<i32>} : memref<256x64xf32, #tpu.memory_space<vmem>>, vector<1x16xf32>,
        %swap3A_610 = vector.shape_cast %swap3A_609 : vector<1x16xf32> to vector<16xf32>
        %swap3A_611 = vector.shape_cast %add3A_606 : vector<16xf32> to vector<1x16xf32>
        tpu.vector_store %arg8[%swap3A_607, %swap3A_608], %swap3A_611 {strides = array<i32>} : memref<256x64xf32, #tpu.memory_space<vmem>>, vector<1x16xf32>,
        %mul3A_612 = arith.constant 8 : i32
        %mul3A_613 = arith.muli %scan3A_245, %mul3A_612 : i32
        %add3A_614 = arith.constant 5 : i32
        %add3A_615 = arith.addi %mul3A_613, %add3A_614 : i32
        %get3A_616 = arith.index_cast %add3A_615 : i32 to index
        %get3A_617 = arith.constant 48 : index
        %get3A_618 = tpu.vector_load %arg8[%get3A_616, %get3A_617] {strides = array<i32>} : memref<256x64xf32, #tpu.memory_space<vmem>>, vector<1x16xf32>,
        %get3A_619 = vector.shape_cast %get3A_618 : vector<1x16xf32> to vector<16xf32>
        %add3A_620 = arith.constant 8.000000e+00 : f32
        %add3A_621 = vector.broadcast %add3A_620 : f32 to vector<16xf32>
        %add3A_622 = arith.addf %get3A_619, %add3A_621 : vector<16xf32>
        %swap3A_623 = arith.index_cast %add3A_615 : i32 to index
        %swap3A_624 = arith.constant 48 : index
        %swap3A_625 = tpu.vector_load %arg8[%swap3A_623, %swap3A_624] {strides = array<i32>} : memref<256x64xf32, #tpu.memory_space<vmem>>, vector<1x16xf32>,
        %swap3A_626 = vector.shape_cast %swap3A_625 : vector<1x16xf32> to vector<16xf32>
        %swap3A_627 = vector.shape_cast %add3A_622 : vector<16xf32> to vector<1x16xf32>
        tpu.vector_store %arg8[%swap3A_623, %swap3A_624], %swap3A_627 {strides = array<i32>} : memref<256x64xf32, #tpu.memory_space<vmem>>, vector<1x16xf32>,
        %mul3A_628 = arith.constant 8 : i32
        %mul3A_629 = arith.muli %scan3A_245, %mul3A_628 : i32
        %add3A_630 = arith.constant 6 : i32
        %add3A_631 = arith.addi %mul3A_629, %add3A_630 : i32
        %get3A_632 = arith.index_cast %add3A_631 : i32 to index
        %get3A_633 = arith.constant 0 : index
        %get3A_634 = tpu.vector_load %arg8[%get3A_632, %get3A_633] {strides = array<i32>} : memref<256x64xf32, #tpu.memory_space<vmem>>, vector<1x16xf32>,
        %get3A_635 = vector.shape_cast %get3A_634 : vector<1x16xf32> to vector<16xf32>
        %add3A_636 = arith.constant 8.000000e+00 : f32
        %add3A_637 = vector.broadcast %add3A_636 : f32 to vector<16xf32>
        %add3A_638 = arith.addf %get3A_635, %add3A_637 : vector<16xf32>
        %swap3A_639 = arith.index_cast %add3A_631 : i32 to index
        %swap3A_640 = arith.constant 0 : index
        %swap3A_641 = tpu.vector_load %arg8[%swap3A_639, %swap3A_640] {strides = array<i32>} : memref<256x64xf32, #tpu.memory_space<vmem>>, vector<1x16xf32>,
        %swap3A_642 = vector.shape_cast %swap3A_641 : vector<1x16xf32> to vector<16xf32>
        %swap3A_643 = vector.shape_cast %add3A_638 : vector<16xf32> to vector<1x16xf32>
        tpu.vector_store %arg8[%swap3A_639, %swap3A_640], %swap3A_643 {strides = array<i32>} : memref<256x64xf32, #tpu.memory_space<vmem>>, vector<1x16xf32>,
        %mul3A_644 = arith.constant 8 : i32
        %mul3A_645 = arith.muli %scan3A_245, %mul3A_644 : i32
        %add3A_646 = arith.constant 6 : i32
        %add3A_647 = arith.addi %mul3A_645, %add3A_646 : i32
        %get3A_648 = arith.index_cast %add3A_647 : i32 to index
        %get3A_649 = arith.constant 16 : index
        %get3A_650 = tpu.vector_load %arg8[%get3A_648, %get3A_649] {strides = array<i32>} : memref<256x64xf32, #tpu.memory_space<vmem>>, vector<1x16xf32>,
        %get3A_651 = vector.shape_cast %get3A_650 : vector<1x16xf32> to vector<16xf32>
        %add3A_652 = arith.constant 8.000000e+00 : f32
        %add3A_653 = vector.broadcast %add3A_652 : f32 to vector<16xf32>
        %add3A_654 = arith.addf %get3A_651, %add3A_653 : vector<16xf32>
        %swap3A_655 = arith.index_cast %add3A_647 : i32 to index
        %swap3A_656 = arith.constant 16 : index
        %swap3A_657 = tpu.vector_load %arg8[%swap3A_655, %swap3A_656] {strides = array<i32>} : memref<256x64xf32, #tpu.memory_space<vmem>>, vector<1x16xf32>,
        %swap3A_658 = vector.shape_cast %swap3A_657 : vector<1x16xf32> to vector<16xf32>
        %swap3A_659 = vector.shape_cast %add3A_654 : vector<16xf32> to vector<1x16xf32>
        tpu.vector_store %arg8[%swap3A_655, %swap3A_656], %swap3A_659 {strides = array<i32>} : memref<256x64xf32, #tpu.memory_space<vmem>>, vector<1x16xf32>,
        %mul3A_660 = arith.constant 8 : i32
        %mul3A_661 = arith.muli %scan3A_245, %mul3A_660 : i32
        %add3A_662 = arith.constant 6 : i32
        %add3A_663 = arith.addi %mul3A_661, %add3A_662 : i32
        %get3A_664 = arith.index_cast %add3A_663 : i32 to index
        %get3A_665 = arith.constant 32 : index
        %get3A_666 = tpu.vector_load %arg8[%get3A_664, %get3A_665] {strides = array<i32>} : memref<256x64xf32, #tpu.memory_space<vmem>>, vector<1x16xf32>,
        %get3A_667 = vector.shape_cast %get3A_666 : vector<1x16xf32> to vector<16xf32>
        %add3A_668 = arith.constant 8.000000e+00 : f32
        %add3A_669 = vector.broadcast %add3A_668 : f32 to vector<16xf32>
        %add3A_670 = arith.addf %get3A_667, %add3A_669 : vector<16xf32>
        %swap3A_671 = arith.index_cast %add3A_663 : i32 to index
        %swap3A_672 = arith.constant 32 : index
        %swap3A_673 = tpu.vector_load %arg8[%swap3A_671, %swap3A_672] {strides = array<i32>} : memref<256x64xf32, #tpu.memory_space<vmem>>, vector<1x16xf32>,
        %swap3A_674 = vector.shape_cast %swap3A_673 : vector<1x16xf32> to vector<16xf32>
        %swap3A_675 = vector.shape_cast %add3A_670 : vector<16xf32> to vector<1x16xf32>
        tpu.vector_store %arg8[%swap3A_671, %swap3A_672], %swap3A_675 {strides = array<i32>} : memref<256x64xf32, #tpu.memory_space<vmem>>, vector<1x16xf32>,
        %mul3A_676 = arith.constant 8 : i32
        %mul3A_677 = arith.muli %scan3A_245, %mul3A_676 : i32
        %add3A_678 = arith.constant 6 : i32
        %add3A_679 = arith.addi %mul3A_677, %add3A_678 : i32
        %get3A_680 = arith.index_cast %add3A_679 : i32 to index
        %get3A_681 = arith.constant 48 : index
        %get3A_682 = tpu.vector_load %arg8[%get3A_680, %get3A_681] {strides = array<i32>} : memref<256x64xf32, #tpu.memory_space<vmem>>, vector<1x16xf32>,
        %get3A_683 = vector.shape_cast %get3A_682 : vector<1x16xf32> to vector<16xf32>
        %add3A_684 = arith.constant 8.000000e+00 : f32
        %add3A_685 = vector.broadcast %add3A_684 : f32 to vector<16xf32>
        %add3A_686 = arith.addf %get3A_683, %add3A_685 : vector<16xf32>
        %swap3A_687 = arith.index_cast %add3A_679 : i32 to index
        %swap3A_688 = arith.constant 48 : index
        %swap3A_689 = tpu.vector_load %arg8[%swap3A_687, %swap3A_688] {strides = array<i32>} : memref<256x64xf32, #tpu.memory_space<vmem>>, vector<1x16xf32>,
        %swap3A_690 = vector.shape_cast %swap3A_689 : vector<1x16xf32> to vector<16xf32>
        %swap3A_691 = vector.shape_cast %add3A_686 : vector<16xf32> to vector<1x16xf32>
        tpu.vector_store %arg8[%swap3A_687, %swap3A_688], %swap3A_691 {strides = array<i32>} : memref<256x64xf32, #tpu.memory_space<vmem>>, vector<1x16xf32>,
        %mul3A_692 = arith.constant 8 : i32
        %mul3A_693 = arith.muli %scan3A_245, %mul3A_692 : i32
        %add3A_694 = arith.constant 7 : i32
        %add3A_695 = arith.addi %mul3A_693, %add3A_694 : i32
        %get3A_696 = arith.index_cast %add3A_695 : i32 to index
        %get3A_697 = arith.constant 0 : index
        %get3A_698 = tpu.vector_load %arg8[%get3A_696, %get3A_697] {strides = array<i32>} : memref<256x64xf32, #tpu.memory_space<vmem>>, vector<1x16xf32>,
        %get3A_699 = vector.shape_cast %get3A_698 : vector<1x16xf32> to vector<16xf32>
        %add3A_700 = arith.constant 8.000000e+00 : f32
        %add3A_701 = vector.broadcast %add3A_700 : f32 to vector<16xf32>
        %add3A_702 = arith.addf %get3A_699, %add3A_701 : vector<16xf32>
        %swap3A_703 = arith.index_cast %add3A_695 : i32 to index
        %swap3A_704 = arith.constant 0 : index
        %swap3A_705 = tpu.vector_load %arg8[%swap3A_703, %swap3A_704] {strides = array<i32>} : memref<256x64xf32, #tpu.memory_space<vmem>>, vector<1x16xf32>,
        %swap3A_706 = vector.shape_cast %swap3A_705 : vector<1x16xf32> to vector<16xf32>
        %swap3A_707 = vector.shape_cast %add3A_702 : vector<16xf32> to vector<1x16xf32>
        tpu.vector_store %arg8[%swap3A_703, %swap3A_704], %swap3A_707 {strides = array<i32>} : memref<256x64xf32, #tpu.memory_space<vmem>>, vector<1x16xf32>,
        %mul3A_708 = arith.constant 8 : i32
        %mul3A_709 = arith.muli %scan3A_245, %mul3A_708 : i32
        %add3A_710 = arith.constant 7 : i32
        %add3A_711 = arith.addi %mul3A_709, %add3A_710 : i32
        %get3A_712 = arith.index_cast %add3A_711 : i32 to index
        %get3A_713 = arith.constant 16 : index
        %get3A_714 = tpu.vector_load %arg8[%get3A_712, %get3A_713] {strides = array<i32>} : memref<256x64xf32, #tpu.memory_space<vmem>>, vector<1x16xf32>,
        %get3A_715 = vector.shape_cast %get3A_714 : vector<1x16xf32> to vector<16xf32>
        %add3A_716 = arith.constant 8.000000e+00 : f32
        %add3A_717 = vector.broadcast %add3A_716 : f32 to vector<16xf32>
        %add3A_718 = arith.addf %get3A_715, %add3A_717 : vector<16xf32>
        %swap3A_719 = arith.index_cast %add3A_711 : i32 to index
        %swap3A_720 = arith.constant 16 : index
        %swap3A_721 = tpu.vector_load %arg8[%swap3A_719, %swap3A_720] {strides = array<i32>} : memref<256x64xf32, #tpu.memory_space<vmem>>, vector<1x16xf32>,
        %swap3A_722 = vector.shape_cast %swap3A_721 : vector<1x16xf32> to vector<16xf32>
        %swap3A_723 = vector.shape_cast %add3A_718 : vector<16xf32> to vector<1x16xf32>
        tpu.vector_store %arg8[%swap3A_719, %swap3A_720], %swap3A_723 {strides = array<i32>} : memref<256x64xf32, #tpu.memory_space<vmem>>, vector<1x16xf32>,
        %mul3A_724 = arith.constant 8 : i32
        %mul3A_725 = arith.muli %scan3A_245, %mul3A_724 : i32
        %add3A_726 = arith.constant 7 : i32
        %add3A_727 = arith.addi %mul3A_725, %add3A_726 : i32
        %get3A_728 = arith.index_cast %add3A_727 : i32 to index
        %get3A_729 = arith.constant 32 : index
        %get3A_730 = tpu.vector_load %arg8[%get3A_728, %get3A_729] {strides = array<i32>} : memref<256x64xf32, #tpu.memory_space<vmem>>, vector<1x16xf32>,
        %get3A_731 = vector.shape_cast %get3A_730 : vector<1x16xf32> to vector<16xf32>
        %add3A_732 = arith.constant 8.000000e+00 : f32
        %add3A_733 = vector.broadcast %add3A_732 : f32 to vector<16xf32>
        %add3A_734 = arith.addf %get3A_731, %add3A_733 : vector<16xf32>
        %swap3A_735 = arith.index_cast %add3A_727 : i32 to index
        %swap3A_736 = arith.constant 32 : index
        %swap3A_737 = tpu.vector_load %arg8[%swap3A_735, %swap3A_736] {strides = array<i32>} : memref<256x64xf32, #tpu.memory_space<vmem>>, vector<1x16xf32>,
        %swap3A_738 = vector.shape_cast %swap3A_737 : vector<1x16xf32> to vector<16xf32>
        %swap3A_739 = vector.shape_cast %add3A_734 : vector<16xf32> to vector<1x16xf32>
        tpu.vector_store %arg8[%swap3A_735, %swap3A_736], %swap3A_739 {strides = array<i32>} : memref<256x64xf32, #tpu.memory_space<vmem>>, vector<1x16xf32>,
        %mul3A_740 = arith.constant 8 : i32
        %mul3A_741 = arith.muli %scan3A_245, %mul3A_740 : i32
        %add3A_742 = arith.constant 7 : i32
        %add3A_743 = arith.addi %mul3A_741, %add3A_742 : i32
        %get3A_744 = arith.index_cast %add3A_743 : i32 to index
        %get3A_745 = arith.constant 48 : index
        %get3A_746 = tpu.vector_load %arg8[%get3A_744, %get3A_745] {strides = array<i32>} : memref<256x64xf32, #tpu.memory_space<vmem>>, vector<1x16xf32>,
        %get3A_747 = vector.shape_cast %get3A_746 : vector<1x16xf32> to vector<16xf32>
        %add3A_748 = arith.constant 8.000000e+00 : f32
        %add3A_749 = vector.broadcast %add3A_748 : f32 to vector<16xf32>
        %add3A_750 = arith.addf %get3A_747, %add3A_749 : vector<16xf32>
        %swap3A_751 = arith.index_cast %add3A_743 : i32 to index
        %swap3A_752 = arith.constant 48 : index
        %swap3A_753 = tpu.vector_load %arg8[%swap3A_751, %swap3A_752] {strides = array<i32>} : memref<256x64xf32, #tpu.memory_space<vmem>>, vector<1x16xf32>,
        %swap3A_754 = vector.shape_cast %swap3A_753 : vector<1x16xf32> to vector<16xf32>
        %swap3A_755 = vector.shape_cast %add3A_750 : vector<16xf32> to vector<1x16xf32>
        tpu.vector_store %arg8[%swap3A_751, %swap3A_752], %swap3A_755 {strides = array<i32>} : memref<256x64xf32, #tpu.memory_space<vmem>>, vector<1x16xf32>,
      }
      %scan3A_204 = arith.constant 32 : i32
      %mul3A_205 = arith.constant 256 : i32
      %mul3A_206 = arith.muli %add3A_159, %mul3A_205 : i32
      %add3A_207 = arith.addi %mul3A_2, %mul3A_206 : i32
      %dma_start3A_208 = arith.constant 0 : i32
      %dma_start3A_209 = tpu.memref_slice %arg4[%add3A_207, %dma_start3A_208] : memref<819200x64xf32, #tpu.memory_space<hbm>> -> memref<256x64xf32, #tpu.memory_space<hbm>>
      %dma_start3A_210 = arith.constant 0 : i32
      %dma_start3A_211 = tpu.memref_slice %arg4[%add3A_207, %dma_start3A_210] : memref<819200x64xf32, #tpu.memory_space<hbm>> -> memref<256x64xf32, #tpu.memory_space<hbm>>
      tpu.enqueue_dma source(%arg8 : memref<256x64xf32, #tpu.memory_space<vmem>>) target(%dma_start3A_211 : memref<256x64xf32, #tpu.memory_space<hbm>>) target_semaphore(%arg16 : memref<!tpu.dma_semaphore, #tpu.memory_space<semaphore_mem>>)
      %mul3A_212 = arith.constant 4 : i32
      %mul3A_213 = arith.muli %mul3A_212, %scan3A_46 : i32
      %add3A_214 = arith.constant 3 : i32
      %add3A_215 = arith.addi %mul3A_213, %add3A_214 : i32
      %dma_wait3A_216 = arith.constant 0 : i32
      %dma_wait3A_217 = arith.constant 0 : i32
      %dma_wait3A_218 = tpu.memref_slice %arg4[%dma_wait3A_216, %dma_wait3A_217] : memref<819200x64xf32, #tpu.memory_space<hbm>> -> memref<256x64xf32, #tpu.memory_space<hbm>>
      %dma_wait3A_219 = arith.constant 0 : i32
      %dma_wait3A_220 = arith.constant 0 : i32
      %dma_wait3A_221 = tpu.memref_slice %arg4[%dma_wait3A_219, %dma_wait3A_220] : memref<819200x64xf32, #tpu.memory_space<hbm>> -> memref<256x64xf32, #tpu.memory_space<hbm>>
      tpu.wait_dma2 semaphore(%arg14 : memref<!tpu.dma_semaphore, #tpu.memory_space<semaphore_mem>>) src(%arg6 : memref<256x64xf32, #tpu.memory_space<vmem>>) dst(%dma_wait3A_221 : memref<256x64xf32, #tpu.memory_space<hbm>>)
      %lt3A = arith.constant 24 : i32
      %lt3A_222 = arith.cmpi slt, %scan3A_46, %lt3A : i32
      %convert_element_type3A_223 = arith.extui %lt3A_222 : i1 to i32
      %cond3A_224 = arith.constant 0 : i32
      %cond3A_225 = arith.cmpi ne, %convert_element_type3A_223, %cond3A_224 : i32
      scf.if %cond3A_225 {
        %add3A_245 = arith.constant 1 : i32
        %add3A_246 = arith.addi %add3A_215, %add3A_245 : i32
        %mul3A_247 = arith.constant 2 : i32
        %mul3A_248 = arith.muli %mul3A_247, %add3A_246 : i32
        %add3A_249 = arith.constant 0 : i32
        %add3A_250 = arith.addi %mul3A_248, %add3A_249 : i32
        %dma_start3A_251 = arith.constant 0 : i32
        %dma_start3A_252 = arith.constant 0 : i32
        %dma_start3A_253 = tpu.memref_slice %arg6[%dma_start3A_251, %dma_start3A_252] : memref<256x64xf32, #tpu.memory_space<vmem>> -> memref<128x64xf32, #tpu.memory_space<vmem>>
        %dma_start3A_254 = arith.constant 0 : i32
        %dma_start3A_255 = tpu.memref_slice %arg5[%add3A_250, %dma_start3A_254] : memref<200x128xi32, #tpu.memory_space<vmem>> -> memref<1x128xi32, #tpu.memory_space<vmem>>
        %dma_start3A_256 = tpu.memref_squeeze %dma_start3A_255 : memref<1x128xi32, #tpu.memory_space<vmem>> -> memref<128xi32, #tpu.memory_space<vmem>>
        %dma_start3A_257 = arith.constant 0 : i32
        %dma_start3A_258 = arith.constant 0 : i32
        %dma_start3A_259 = tpu.memref_slice %arg3[%dma_start3A_257, %dma_start3A_258] : memref<1000000x64xf32, #tpu.memory_space<hbm>> -> memref<1000000x64xf32, #tpu.memory_space<hbm>>
        tpu.enqueue_indirect_dma source(%dma_start3A_259 : memref<1000000x64xf32, #tpu.memory_space<hbm>>) target(%dma_start3A_253 : memref<128x64xf32, #tpu.memory_space<vmem>>) offsets(%dma_start3A_256 : memref<128xi32, #tpu.memory_space<vmem>>) semaphore(%arg10 : memref<!tpu.dma_semaphore, #tpu.memory_space<semaphore_mem>>)
        %mul3A_260 = arith.constant 2 : i32
        %mul3A_261 = arith.muli %mul3A_260, %add3A_246 : i32
        %add3A_262 = arith.constant 1 : i32
        %add3A_263 = arith.addi %mul3A_261, %add3A_262 : i32
        %dma_start3A_264 = arith.constant 128 : i32
        %dma_start3A_265 = arith.constant 0 : i32
        %dma_start3A_266 = tpu.memref_slice %arg6[%dma_start3A_264, %dma_start3A_265] : memref<256x64xf32, #tpu.memory_space<vmem>> -> memref<128x64xf32, #tpu.memory_space<vmem>>
        %dma_start3A_267 = arith.constant 0 : i32
        %dma_start3A_268 = tpu.memref_slice %arg5[%add3A_263, %dma_start3A_267] : memref<200x128xi32, #tpu.memory_space<vmem>> -> memref<1x128xi32, #tpu.memory_space<vmem>>
        %dma_start3A_269 = tpu.memref_squeeze %dma_start3A_268 : memref<1x128xi32, #tpu.memory_space<vmem>> -> memref<128xi32, #tpu.memory_space<vmem>>
        %dma_start3A_270 = arith.constant 0 : i32
        %dma_start3A_271 = arith.constant 0 : i32
        %dma_start3A_272 = tpu.memref_slice %arg3[%dma_start3A_270, %dma_start3A_271] : memref<1000000x64xf32, #tpu.memory_space<hbm>> -> memref<1000000x64xf32, #tpu.memory_space<hbm>>
        tpu.enqueue_indirect_dma source(%dma_start3A_272 : memref<1000000x64xf32, #tpu.memory_space<hbm>>) target(%dma_start3A_266 : memref<128x64xf32, #tpu.memory_space<vmem>>) offsets(%dma_start3A_269 : memref<128xi32, #tpu.memory_space<vmem>>) semaphore(%arg10 : memref<!tpu.dma_semaphore, #tpu.memory_space<semaphore_mem>>)
      } else {
      }
      %dma_wait3A_226 = arith.constant 0 : i32
      %dma_wait3A_227 = arith.constant 0 : i32
      %dma_wait3A_228 = tpu.memref_slice %arg4[%dma_wait3A_226, %dma_wait3A_227] : memref<819200x64xf32, #tpu.memory_space<hbm>> -> memref<256x64xf32, #tpu.memory_space<hbm>>
      %dma_wait3A_229 = arith.constant 0 : i32
      %dma_wait3A_230 = arith.constant 0 : i32
      %dma_wait3A_231 = tpu.memref_slice %arg4[%dma_wait3A_229, %dma_wait3A_230] : memref<819200x64xf32, #tpu.memory_space<hbm>> -> memref<256x64xf32, #tpu.memory_space<hbm>>
      tpu.wait_dma2 semaphore(%arg13 : memref<!tpu.dma_semaphore, #tpu.memory_space<semaphore_mem>>) src(%dma_wait3A_231 : memref<256x64xf32, #tpu.memory_space<hbm>>) dst(%arg9 : memref<256x64xf32, #tpu.memory_space<vmem>>)
      %scan3A_232 = arith.constant 0 : i32
      %scan3A_233 = arith.constant 0 : i32
      %scan3A_234 = arith.constant 32 : i32
      %scan3A_235 = arith.addi %scan3A_233, %scan3A_234 : i32
      %scan3A_236 = arith.constant 1 : i32
      scf.for %scan3A_245 = %scan3A_233 to %scan3A_235 step %scan3A_236  : i32 {
        %mul3A_246 = arith.constant 8 : i32
        %mul3A_247 = arith.muli %scan3A_245, %mul3A_246 : i32
        %add3A_248 = arith.constant 0 : i32
        %add3A_249 = arith.addi %mul3A_247, %add3A_248 : i32
        %get3A = arith.index_cast %add3A_249 : i32 to index
        %get3A_250 = arith.constant 0 : index
        %get3A_251 = tpu.vector_load %arg9[%get3A, %get3A_250] {strides = array<i32>} : memref<256x64xf32, #tpu.memory_space<vmem>>, vector<1x16xf32>,
        %get3A_252 = vector.shape_cast %get3A_251 : vector<1x16xf32> to vector<16xf32>
        %add3A_253 = arith.constant 8.000000e+00 : f32
        %add3A_254 = vector.broadcast %add3A_253 : f32 to vector<16xf32>
        %add3A_255 = arith.addf %get3A_252, %add3A_254 : vector<16xf32>
        %swap3A = arith.index_cast %add3A_249 : i32 to index
        %swap3A_256 = arith.constant 0 : index
        %swap3A_257 = tpu.vector_load %arg9[%swap3A, %swap3A_256] {strides = array<i32>} : memref<256x64xf32, #tpu.memory_space<vmem>>, vector<1x16xf32>,
        %swap3A_258 = vector.shape_cast %swap3A_257 : vector<1x16xf32> to vector<16xf32>
        %swap3A_259 = vector.shape_cast %add3A_255 : vector<16xf32> to vector<1x16xf32>
        tpu.vector_store %arg9[%swap3A, %swap3A_256], %swap3A_259 {strides = array<i32>} : memref<256x64xf32, #tpu.memory_space<vmem>>, vector<1x16xf32>,
        %mul3A_260 = arith.constant 8 : i32
        %mul3A_261 = arith.muli %scan3A_245, %mul3A_260 : i32
        %add3A_262 = arith.constant 0 : i32
        %add3A_263 = arith.addi %mul3A_261, %add3A_262 : i32
        %get3A_264 = arith.index_cast %add3A_263 : i32 to index
        %get3A_265 = arith.constant 16 : index
        %get3A_266 = tpu.vector_load %arg9[%get3A_264, %get3A_265] {strides = array<i32>} : memref<256x64xf32, #tpu.memory_space<vmem>>, vector<1x16xf32>,
        %get3A_267 = vector.shape_cast %get3A_266 : vector<1x16xf32> to vector<16xf32>
        %add3A_268 = arith.constant 8.000000e+00 : f32
        %add3A_269 = vector.broadcast %add3A_268 : f32 to vector<16xf32>
        %add3A_270 = arith.addf %get3A_267, %add3A_269 : vector<16xf32>
        %swap3A_271 = arith.index_cast %add3A_263 : i32 to index
        %swap3A_272 = arith.constant 16 : index
        %swap3A_273 = tpu.vector_load %arg9[%swap3A_271, %swap3A_272] {strides = array<i32>} : memref<256x64xf32, #tpu.memory_space<vmem>>, vector<1x16xf32>,
        %swap3A_274 = vector.shape_cast %swap3A_273 : vector<1x16xf32> to vector<16xf32>
        %swap3A_275 = vector.shape_cast %add3A_270 : vector<16xf32> to vector<1x16xf32>
        tpu.vector_store %arg9[%swap3A_271, %swap3A_272], %swap3A_275 {strides = array<i32>} : memref<256x64xf32, #tpu.memory_space<vmem>>, vector<1x16xf32>,
        %mul3A_276 = arith.constant 8 : i32
        %mul3A_277 = arith.muli %scan3A_245, %mul3A_276 : i32
        %add3A_278 = arith.constant 0 : i32
        %add3A_279 = arith.addi %mul3A_277, %add3A_278 : i32
        %get3A_280 = arith.index_cast %add3A_279 : i32 to index
        %get3A_281 = arith.constant 32 : index
        %get3A_282 = tpu.vector_load %arg9[%get3A_280, %get3A_281] {strides = array<i32>} : memref<256x64xf32, #tpu.memory_space<vmem>>, vector<1x16xf32>,
        %get3A_283 = vector.shape_cast %get3A_282 : vector<1x16xf32> to vector<16xf32>
        %add3A_284 = arith.constant 8.000000e+00 : f32
        %add3A_285 = vector.broadcast %add3A_284 : f32 to vector<16xf32>
        %add3A_286 = arith.addf %get3A_283, %add3A_285 : vector<16xf32>
        %swap3A_287 = arith.index_cast %add3A_279 : i32 to index
        %swap3A_288 = arith.constant 32 : index
        %swap3A_289 = tpu.vector_load %arg9[%swap3A_287, %swap3A_288] {strides = array<i32>} : memref<256x64xf32, #tpu.memory_space<vmem>>, vector<1x16xf32>,
        %swap3A_290 = vector.shape_cast %swap3A_289 : vector<1x16xf32> to vector<16xf32>
        %swap3A_291 = vector.shape_cast %add3A_286 : vector<16xf32> to vector<1x16xf32>
        tpu.vector_store %arg9[%swap3A_287, %swap3A_288], %swap3A_291 {strides = array<i32>} : memref<256x64xf32, #tpu.memory_space<vmem>>, vector<1x16xf32>,
        %mul3A_292 = arith.constant 8 : i32
        %mul3A_293 = arith.muli %scan3A_245, %mul3A_292 : i32
        %add3A_294 = arith.constant 0 : i32
        %add3A_295 = arith.addi %mul3A_293, %add3A_294 : i32
        %get3A_296 = arith.index_cast %add3A_295 : i32 to index
        %get3A_297 = arith.constant 48 : index
        %get3A_298 = tpu.vector_load %arg9[%get3A_296, %get3A_297] {strides = array<i32>} : memref<256x64xf32, #tpu.memory_space<vmem>>, vector<1x16xf32>,
        %get3A_299 = vector.shape_cast %get3A_298 : vector<1x16xf32> to vector<16xf32>
        %add3A_300 = arith.constant 8.000000e+00 : f32
        %add3A_301 = vector.broadcast %add3A_300 : f32 to vector<16xf32>
        %add3A_302 = arith.addf %get3A_299, %add3A_301 : vector<16xf32>
        %swap3A_303 = arith.index_cast %add3A_295 : i32 to index
        %swap3A_304 = arith.constant 48 : index
        %swap3A_305 = tpu.vector_load %arg9[%swap3A_303, %swap3A_304] {strides = array<i32>} : memref<256x64xf32, #tpu.memory_space<vmem>>, vector<1x16xf32>,
        %swap3A_306 = vector.shape_cast %swap3A_305 : vector<1x16xf32> to vector<16xf32>
        %swap3A_307 = vector.shape_cast %add3A_302 : vector<16xf32> to vector<1x16xf32>
        tpu.vector_store %arg9[%swap3A_303, %swap3A_304], %swap3A_307 {strides = array<i32>} : memref<256x64xf32, #tpu.memory_space<vmem>>, vector<1x16xf32>,
        %mul3A_308 = arith.constant 8 : i32
        %mul3A_309 = arith.muli %scan3A_245, %mul3A_308 : i32
        %add3A_310 = arith.constant 1 : i32
        %add3A_311 = arith.addi %mul3A_309, %add3A_310 : i32
        %get3A_312 = arith.index_cast %add3A_311 : i32 to index
        %get3A_313 = arith.constant 0 : index
        %get3A_314 = tpu.vector_load %arg9[%get3A_312, %get3A_313] {strides = array<i32>} : memref<256x64xf32, #tpu.memory_space<vmem>>, vector<1x16xf32>,
        %get3A_315 = vector.shape_cast %get3A_314 : vector<1x16xf32> to vector<16xf32>
        %add3A_316 = arith.constant 8.000000e+00 : f32
        %add3A_317 = vector.broadcast %add3A_316 : f32 to vector<16xf32>
        %add3A_318 = arith.addf %get3A_315, %add3A_317 : vector<16xf32>
        %swap3A_319 = arith.index_cast %add3A_311 : i32 to index
        %swap3A_320 = arith.constant 0 : index
        %swap3A_321 = tpu.vector_load %arg9[%swap3A_319, %swap3A_320] {strides = array<i32>} : memref<256x64xf32, #tpu.memory_space<vmem>>, vector<1x16xf32>,
        %swap3A_322 = vector.shape_cast %swap3A_321 : vector<1x16xf32> to vector<16xf32>
        %swap3A_323 = vector.shape_cast %add3A_318 : vector<16xf32> to vector<1x16xf32>
        tpu.vector_store %arg9[%swap3A_319, %swap3A_320], %swap3A_323 {strides = array<i32>} : memref<256x64xf32, #tpu.memory_space<vmem>>, vector<1x16xf32>,
        %mul3A_324 = arith.constant 8 : i32
        %mul3A_325 = arith.muli %scan3A_245, %mul3A_324 : i32
        %add3A_326 = arith.constant 1 : i32
        %add3A_327 = arith.addi %mul3A_325, %add3A_326 : i32
        %get3A_328 = arith.index_cast %add3A_327 : i32 to index
        %get3A_329 = arith.constant 16 : index
        %get3A_330 = tpu.vector_load %arg9[%get3A_328, %get3A_329] {strides = array<i32>} : memref<256x64xf32, #tpu.memory_space<vmem>>, vector<1x16xf32>,
        %get3A_331 = vector.shape_cast %get3A_330 : vector<1x16xf32> to vector<16xf32>
        %add3A_332 = arith.constant 8.000000e+00 : f32
        %add3A_333 = vector.broadcast %add3A_332 : f32 to vector<16xf32>
        %add3A_334 = arith.addf %get3A_331, %add3A_333 : vector<16xf32>
        %swap3A_335 = arith.index_cast %add3A_327 : i32 to index
        %swap3A_336 = arith.constant 16 : index
        %swap3A_337 = tpu.vector_load %arg9[%swap3A_335, %swap3A_336] {strides = array<i32>} : memref<256x64xf32, #tpu.memory_space<vmem>>, vector<1x16xf32>,
        %swap3A_338 = vector.shape_cast %swap3A_337 : vector<1x16xf32> to vector<16xf32>
        %swap3A_339 = vector.shape_cast %add3A_334 : vector<16xf32> to vector<1x16xf32>
        tpu.vector_store %arg9[%swap3A_335, %swap3A_336], %swap3A_339 {strides = array<i32>} : memref<256x64xf32, #tpu.memory_space<vmem>>, vector<1x16xf32>,
        %mul3A_340 = arith.constant 8 : i32
        %mul3A_341 = arith.muli %scan3A_245, %mul3A_340 : i32
        %add3A_342 = arith.constant 1 : i32
        %add3A_343 = arith.addi %mul3A_341, %add3A_342 : i32
        %get3A_344 = arith.index_cast %add3A_343 : i32 to index
        %get3A_345 = arith.constant 32 : index
        %get3A_346 = tpu.vector_load %arg9[%get3A_344, %get3A_345] {strides = array<i32>} : memref<256x64xf32, #tpu.memory_space<vmem>>, vector<1x16xf32>,
        %get3A_347 = vector.shape_cast %get3A_346 : vector<1x16xf32> to vector<16xf32>
        %add3A_348 = arith.constant 8.000000e+00 : f32
        %add3A_349 = vector.broadcast %add3A_348 : f32 to vector<16xf32>
        %add3A_350 = arith.addf %get3A_347, %add3A_349 : vector<16xf32>
        %swap3A_351 = arith.index_cast %add3A_343 : i32 to index
        %swap3A_352 = arith.constant 32 : index
        %swap3A_353 = tpu.vector_load %arg9[%swap3A_351, %swap3A_352] {strides = array<i32>} : memref<256x64xf32, #tpu.memory_space<vmem>>, vector<1x16xf32>,
        %swap3A_354 = vector.shape_cast %swap3A_353 : vector<1x16xf32> to vector<16xf32>
        %swap3A_355 = vector.shape_cast %add3A_350 : vector<16xf32> to vector<1x16xf32>
        tpu.vector_store %arg9[%swap3A_351, %swap3A_352], %swap3A_355 {strides = array<i32>} : memref<256x64xf32, #tpu.memory_space<vmem>>, vector<1x16xf32>,
        %mul3A_356 = arith.constant 8 : i32
        %mul3A_357 = arith.muli %scan3A_245, %mul3A_356 : i32
        %add3A_358 = arith.constant 1 : i32
        %add3A_359 = arith.addi %mul3A_357, %add3A_358 : i32
        %get3A_360 = arith.index_cast %add3A_359 : i32 to index
        %get3A_361 = arith.constant 48 : index
        %get3A_362 = tpu.vector_load %arg9[%get3A_360, %get3A_361] {strides = array<i32>} : memref<256x64xf32, #tpu.memory_space<vmem>>, vector<1x16xf32>,
        %get3A_363 = vector.shape_cast %get3A_362 : vector<1x16xf32> to vector<16xf32>
        %add3A_364 = arith.constant 8.000000e+00 : f32
        %add3A_365 = vector.broadcast %add3A_364 : f32 to vector<16xf32>
        %add3A_366 = arith.addf %get3A_363, %add3A_365 : vector<16xf32>
        %swap3A_367 = arith.index_cast %add3A_359 : i32 to index
        %swap3A_368 = arith.constant 48 : index
        %swap3A_369 = tpu.vector_load %arg9[%swap3A_367, %swap3A_368] {strides = array<i32>} : memref<256x64xf32, #tpu.memory_space<vmem>>, vector<1x16xf32>,
        %swap3A_370 = vector.shape_cast %swap3A_369 : vector<1x16xf32> to vector<16xf32>
        %swap3A_371 = vector.shape_cast %add3A_366 : vector<16xf32> to vector<1x16xf32>
        tpu.vector_store %arg9[%swap3A_367, %swap3A_368], %swap3A_371 {strides = array<i32>} : memref<256x64xf32, #tpu.memory_space<vmem>>, vector<1x16xf32>,
        %mul3A_372 = arith.constant 8 : i32
        %mul3A_373 = arith.muli %scan3A_245, %mul3A_372 : i32
        %add3A_374 = arith.constant 2 : i32
        %add3A_375 = arith.addi %mul3A_373, %add3A_374 : i32
        %get3A_376 = arith.index_cast %add3A_375 : i32 to index
        %get3A_377 = arith.constant 0 : index
        %get3A_378 = tpu.vector_load %arg9[%get3A_376, %get3A_377] {strides = array<i32>} : memref<256x64xf32, #tpu.memory_space<vmem>>, vector<1x16xf32>,
        %get3A_379 = vector.shape_cast %get3A_378 : vector<1x16xf32> to vector<16xf32>
        %add3A_380 = arith.constant 8.000000e+00 : f32
        %add3A_381 = vector.broadcast %add3A_380 : f32 to vector<16xf32>
        %add3A_382 = arith.addf %get3A_379, %add3A_381 : vector<16xf32>
        %swap3A_383 = arith.index_cast %add3A_375 : i32 to index
        %swap3A_384 = arith.constant 0 : index
        %swap3A_385 = tpu.vector_load %arg9[%swap3A_383, %swap3A_384] {strides = array<i32>} : memref<256x64xf32, #tpu.memory_space<vmem>>, vector<1x16xf32>,
        %swap3A_386 = vector.shape_cast %swap3A_385 : vector<1x16xf32> to vector<16xf32>
        %swap3A_387 = vector.shape_cast %add3A_382 : vector<16xf32> to vector<1x16xf32>
        tpu.vector_store %arg9[%swap3A_383, %swap3A_384], %swap3A_387 {strides = array<i32>} : memref<256x64xf32, #tpu.memory_space<vmem>>, vector<1x16xf32>,
        %mul3A_388 = arith.constant 8 : i32
        %mul3A_389 = arith.muli %scan3A_245, %mul3A_388 : i32
        %add3A_390 = arith.constant 2 : i32
        %add3A_391 = arith.addi %mul3A_389, %add3A_390 : i32
        %get3A_392 = arith.index_cast %add3A_391 : i32 to index
        %get3A_393 = arith.constant 16 : index
        %get3A_394 = tpu.vector_load %arg9[%get3A_392, %get3A_393] {strides = array<i32>} : memref<256x64xf32, #tpu.memory_space<vmem>>, vector<1x16xf32>,
        %get3A_395 = vector.shape_cast %get3A_394 : vector<1x16xf32> to vector<16xf32>
        %add3A_396 = arith.constant 8.000000e+00 : f32
        %add3A_397 = vector.broadcast %add3A_396 : f32 to vector<16xf32>
        %add3A_398 = arith.addf %get3A_395, %add3A_397 : vector<16xf32>
        %swap3A_399 = arith.index_cast %add3A_391 : i32 to index
        %swap3A_400 = arith.constant 16 : index
        %swap3A_401 = tpu.vector_load %arg9[%swap3A_399, %swap3A_400] {strides = array<i32>} : memref<256x64xf32, #tpu.memory_space<vmem>>, vector<1x16xf32>,
        %swap3A_402 = vector.shape_cast %swap3A_401 : vector<1x16xf32> to vector<16xf32>
        %swap3A_403 = vector.shape_cast %add3A_398 : vector<16xf32> to vector<1x16xf32>
        tpu.vector_store %arg9[%swap3A_399, %swap3A_400], %swap3A_403 {strides = array<i32>} : memref<256x64xf32, #tpu.memory_space<vmem>>, vector<1x16xf32>,
        %mul3A_404 = arith.constant 8 : i32
        %mul3A_405 = arith.muli %scan3A_245, %mul3A_404 : i32
        %add3A_406 = arith.constant 2 : i32
        %add3A_407 = arith.addi %mul3A_405, %add3A_406 : i32
        %get3A_408 = arith.index_cast %add3A_407 : i32 to index
        %get3A_409 = arith.constant 32 : index
        %get3A_410 = tpu.vector_load %arg9[%get3A_408, %get3A_409] {strides = array<i32>} : memref<256x64xf32, #tpu.memory_space<vmem>>, vector<1x16xf32>,
        %get3A_411 = vector.shape_cast %get3A_410 : vector<1x16xf32> to vector<16xf32>
        %add3A_412 = arith.constant 8.000000e+00 : f32
        %add3A_413 = vector.broadcast %add3A_412 : f32 to vector<16xf32>
        %add3A_414 = arith.addf %get3A_411, %add3A_413 : vector<16xf32>
        %swap3A_415 = arith.index_cast %add3A_407 : i32 to index
        %swap3A_416 = arith.constant 32 : index
        %swap3A_417 = tpu.vector_load %arg9[%swap3A_415, %swap3A_416] {strides = array<i32>} : memref<256x64xf32, #tpu.memory_space<vmem>>, vector<1x16xf32>,
        %swap3A_418 = vector.shape_cast %swap3A_417 : vector<1x16xf32> to vector<16xf32>
        %swap3A_419 = vector.shape_cast %add3A_414 : vector<16xf32> to vector<1x16xf32>
        tpu.vector_store %arg9[%swap3A_415, %swap3A_416], %swap3A_419 {strides = array<i32>} : memref<256x64xf32, #tpu.memory_space<vmem>>, vector<1x16xf32>,
        %mul3A_420 = arith.constant 8 : i32
        %mul3A_421 = arith.muli %scan3A_245, %mul3A_420 : i32
        %add3A_422 = arith.constant 2 : i32
        %add3A_423 = arith.addi %mul3A_421, %add3A_422 : i32
        %get3A_424 = arith.index_cast %add3A_423 : i32 to index
        %get3A_425 = arith.constant 48 : index
        %get3A_426 = tpu.vector_load %arg9[%get3A_424, %get3A_425] {strides = array<i32>} : memref<256x64xf32, #tpu.memory_space<vmem>>, vector<1x16xf32>,
        %get3A_427 = vector.shape_cast %get3A_426 : vector<1x16xf32> to vector<16xf32>
        %add3A_428 = arith.constant 8.000000e+00 : f32
        %add3A_429 = vector.broadcast %add3A_428 : f32 to vector<16xf32>
        %add3A_430 = arith.addf %get3A_427, %add3A_429 : vector<16xf32>
        %swap3A_431 = arith.index_cast %add3A_423 : i32 to index
        %swap3A_432 = arith.constant 48 : index
        %swap3A_433 = tpu.vector_load %arg9[%swap3A_431, %swap3A_432] {strides = array<i32>} : memref<256x64xf32, #tpu.memory_space<vmem>>, vector<1x16xf32>,
        %swap3A_434 = vector.shape_cast %swap3A_433 : vector<1x16xf32> to vector<16xf32>
        %swap3A_435 = vector.shape_cast %add3A_430 : vector<16xf32> to vector<1x16xf32>
        tpu.vector_store %arg9[%swap3A_431, %swap3A_432], %swap3A_435 {strides = array<i32>} : memref<256x64xf32, #tpu.memory_space<vmem>>, vector<1x16xf32>,
        %mul3A_436 = arith.constant 8 : i32
        %mul3A_437 = arith.muli %scan3A_245, %mul3A_436 : i32
        %add3A_438 = arith.constant 3 : i32
        %add3A_439 = arith.addi %mul3A_437, %add3A_438 : i32
        %get3A_440 = arith.index_cast %add3A_439 : i32 to index
        %get3A_441 = arith.constant 0 : index
        %get3A_442 = tpu.vector_load %arg9[%get3A_440, %get3A_441] {strides = array<i32>} : memref<256x64xf32, #tpu.memory_space<vmem>>, vector<1x16xf32>,
        %get3A_443 = vector.shape_cast %get3A_442 : vector<1x16xf32> to vector<16xf32>
        %add3A_444 = arith.constant 8.000000e+00 : f32
        %add3A_445 = vector.broadcast %add3A_444 : f32 to vector<16xf32>
        %add3A_446 = arith.addf %get3A_443, %add3A_445 : vector<16xf32>
        %swap3A_447 = arith.index_cast %add3A_439 : i32 to index
        %swap3A_448 = arith.constant 0 : index
        %swap3A_449 = tpu.vector_load %arg9[%swap3A_447, %swap3A_448] {strides = array<i32>} : memref<256x64xf32, #tpu.memory_space<vmem>>, vector<1x16xf32>,
        %swap3A_450 = vector.shape_cast %swap3A_449 : vector<1x16xf32> to vector<16xf32>
        %swap3A_451 = vector.shape_cast %add3A_446 : vector<16xf32> to vector<1x16xf32>
        tpu.vector_store %arg9[%swap3A_447, %swap3A_448], %swap3A_451 {strides = array<i32>} : memref<256x64xf32, #tpu.memory_space<vmem>>, vector<1x16xf32>,
        %mul3A_452 = arith.constant 8 : i32
        %mul3A_453 = arith.muli %scan3A_245, %mul3A_452 : i32
        %add3A_454 = arith.constant 3 : i32
        %add3A_455 = arith.addi %mul3A_453, %add3A_454 : i32
        %get3A_456 = arith.index_cast %add3A_455 : i32 to index
        %get3A_457 = arith.constant 16 : index
        %get3A_458 = tpu.vector_load %arg9[%get3A_456, %get3A_457] {strides = array<i32>} : memref<256x64xf32, #tpu.memory_space<vmem>>, vector<1x16xf32>,
        %get3A_459 = vector.shape_cast %get3A_458 : vector<1x16xf32> to vector<16xf32>
        %add3A_460 = arith.constant 8.000000e+00 : f32
        %add3A_461 = vector.broadcast %add3A_460 : f32 to vector<16xf32>
        %add3A_462 = arith.addf %get3A_459, %add3A_461 : vector<16xf32>
        %swap3A_463 = arith.index_cast %add3A_455 : i32 to index
        %swap3A_464 = arith.constant 16 : index
        %swap3A_465 = tpu.vector_load %arg9[%swap3A_463, %swap3A_464] {strides = array<i32>} : memref<256x64xf32, #tpu.memory_space<vmem>>, vector<1x16xf32>,
        %swap3A_466 = vector.shape_cast %swap3A_465 : vector<1x16xf32> to vector<16xf32>
        %swap3A_467 = vector.shape_cast %add3A_462 : vector<16xf32> to vector<1x16xf32>
        tpu.vector_store %arg9[%swap3A_463, %swap3A_464], %swap3A_467 {strides = array<i32>} : memref<256x64xf32, #tpu.memory_space<vmem>>, vector<1x16xf32>,
        %mul3A_468 = arith.constant 8 : i32
        %mul3A_469 = arith.muli %scan3A_245, %mul3A_468 : i32
        %add3A_470 = arith.constant 3 : i32
        %add3A_471 = arith.addi %mul3A_469, %add3A_470 : i32
        %get3A_472 = arith.index_cast %add3A_471 : i32 to index
        %get3A_473 = arith.constant 32 : index
        %get3A_474 = tpu.vector_load %arg9[%get3A_472, %get3A_473] {strides = array<i32>} : memref<256x64xf32, #tpu.memory_space<vmem>>, vector<1x16xf32>,
        %get3A_475 = vector.shape_cast %get3A_474 : vector<1x16xf32> to vector<16xf32>
        %add3A_476 = arith.constant 8.000000e+00 : f32
        %add3A_477 = vector.broadcast %add3A_476 : f32 to vector<16xf32>
        %add3A_478 = arith.addf %get3A_475, %add3A_477 : vector<16xf32>
        %swap3A_479 = arith.index_cast %add3A_471 : i32 to index
        %swap3A_480 = arith.constant 32 : index
        %swap3A_481 = tpu.vector_load %arg9[%swap3A_479, %swap3A_480] {strides = array<i32>} : memref<256x64xf32, #tpu.memory_space<vmem>>, vector<1x16xf32>,
        %swap3A_482 = vector.shape_cast %swap3A_481 : vector<1x16xf32> to vector<16xf32>
        %swap3A_483 = vector.shape_cast %add3A_478 : vector<16xf32> to vector<1x16xf32>
        tpu.vector_store %arg9[%swap3A_479, %swap3A_480], %swap3A_483 {strides = array<i32>} : memref<256x64xf32, #tpu.memory_space<vmem>>, vector<1x16xf32>,
        %mul3A_484 = arith.constant 8 : i32
        %mul3A_485 = arith.muli %scan3A_245, %mul3A_484 : i32
        %add3A_486 = arith.constant 3 : i32
        %add3A_487 = arith.addi %mul3A_485, %add3A_486 : i32
        %get3A_488 = arith.index_cast %add3A_487 : i32 to index
        %get3A_489 = arith.constant 48 : index
        %get3A_490 = tpu.vector_load %arg9[%get3A_488, %get3A_489] {strides = array<i32>} : memref<256x64xf32, #tpu.memory_space<vmem>>, vector<1x16xf32>,
        %get3A_491 = vector.shape_cast %get3A_490 : vector<1x16xf32> to vector<16xf32>
        %add3A_492 = arith.constant 8.000000e+00 : f32
        %add3A_493 = vector.broadcast %add3A_492 : f32 to vector<16xf32>
        %add3A_494 = arith.addf %get3A_491, %add3A_493 : vector<16xf32>
        %swap3A_495 = arith.index_cast %add3A_487 : i32 to index
        %swap3A_496 = arith.constant 48 : index
        %swap3A_497 = tpu.vector_load %arg9[%swap3A_495, %swap3A_496] {strides = array<i32>} : memref<256x64xf32, #tpu.memory_space<vmem>>, vector<1x16xf32>,
        %swap3A_498 = vector.shape_cast %swap3A_497 : vector<1x16xf32> to vector<16xf32>
        %swap3A_499 = vector.shape_cast %add3A_494 : vector<16xf32> to vector<1x16xf32>
        tpu.vector_store %arg9[%swap3A_495, %swap3A_496], %swap3A_499 {strides = array<i32>} : memref<256x64xf32, #tpu.memory_space<vmem>>, vector<1x16xf32>,
        %mul3A_500 = arith.constant 8 : i32
        %mul3A_501 = arith.muli %scan3A_245, %mul3A_500 : i32
        %add3A_502 = arith.constant 4 : i32
        %add3A_503 = arith.addi %mul3A_501, %add3A_502 : i32
        %get3A_504 = arith.index_cast %add3A_503 : i32 to index
        %get3A_505 = arith.constant 0 : index
        %get3A_506 = tpu.vector_load %arg9[%get3A_504, %get3A_505] {strides = array<i32>} : memref<256x64xf32, #tpu.memory_space<vmem>>, vector<1x16xf32>,
        %get3A_507 = vector.shape_cast %get3A_506 : vector<1x16xf32> to vector<16xf32>
        %add3A_508 = arith.constant 8.000000e+00 : f32
        %add3A_509 = vector.broadcast %add3A_508 : f32 to vector<16xf32>
        %add3A_510 = arith.addf %get3A_507, %add3A_509 : vector<16xf32>
        %swap3A_511 = arith.index_cast %add3A_503 : i32 to index
        %swap3A_512 = arith.constant 0 : index
        %swap3A_513 = tpu.vector_load %arg9[%swap3A_511, %swap3A_512] {strides = array<i32>} : memref<256x64xf32, #tpu.memory_space<vmem>>, vector<1x16xf32>,
        %swap3A_514 = vector.shape_cast %swap3A_513 : vector<1x16xf32> to vector<16xf32>
        %swap3A_515 = vector.shape_cast %add3A_510 : vector<16xf32> to vector<1x16xf32>
        tpu.vector_store %arg9[%swap3A_511, %swap3A_512], %swap3A_515 {strides = array<i32>} : memref<256x64xf32, #tpu.memory_space<vmem>>, vector<1x16xf32>,
        %mul3A_516 = arith.constant 8 : i32
        %mul3A_517 = arith.muli %scan3A_245, %mul3A_516 : i32
        %add3A_518 = arith.constant 4 : i32
        %add3A_519 = arith.addi %mul3A_517, %add3A_518 : i32
        %get3A_520 = arith.index_cast %add3A_519 : i32 to index
        %get3A_521 = arith.constant 16 : index
        %get3A_522 = tpu.vector_load %arg9[%get3A_520, %get3A_521] {strides = array<i32>} : memref<256x64xf32, #tpu.memory_space<vmem>>, vector<1x16xf32>,
        %get3A_523 = vector.shape_cast %get3A_522 : vector<1x16xf32> to vector<16xf32>
        %add3A_524 = arith.constant 8.000000e+00 : f32
        %add3A_525 = vector.broadcast %add3A_524 : f32 to vector<16xf32>
        %add3A_526 = arith.addf %get3A_523, %add3A_525 : vector<16xf32>
        %swap3A_527 = arith.index_cast %add3A_519 : i32 to index
        %swap3A_528 = arith.constant 16 : index
        %swap3A_529 = tpu.vector_load %arg9[%swap3A_527, %swap3A_528] {strides = array<i32>} : memref<256x64xf32, #tpu.memory_space<vmem>>, vector<1x16xf32>,
        %swap3A_530 = vector.shape_cast %swap3A_529 : vector<1x16xf32> to vector<16xf32>
        %swap3A_531 = vector.shape_cast %add3A_526 : vector<16xf32> to vector<1x16xf32>
        tpu.vector_store %arg9[%swap3A_527, %swap3A_528], %swap3A_531 {strides = array<i32>} : memref<256x64xf32, #tpu.memory_space<vmem>>, vector<1x16xf32>,
        %mul3A_532 = arith.constant 8 : i32
        %mul3A_533 = arith.muli %scan3A_245, %mul3A_532 : i32
        %add3A_534 = arith.constant 4 : i32
        %add3A_535 = arith.addi %mul3A_533, %add3A_534 : i32
        %get3A_536 = arith.index_cast %add3A_535 : i32 to index
        %get3A_537 = arith.constant 32 : index
        %get3A_538 = tpu.vector_load %arg9[%get3A_536, %get3A_537] {strides = array<i32>} : memref<256x64xf32, #tpu.memory_space<vmem>>, vector<1x16xf32>,
        %get3A_539 = vector.shape_cast %get3A_538 : vector<1x16xf32> to vector<16xf32>
        %add3A_540 = arith.constant 8.000000e+00 : f32
        %add3A_541 = vector.broadcast %add3A_540 : f32 to vector<16xf32>
        %add3A_542 = arith.addf %get3A_539, %add3A_541 : vector<16xf32>
        %swap3A_543 = arith.index_cast %add3A_535 : i32 to index
        %swap3A_544 = arith.constant 32 : index
        %swap3A_545 = tpu.vector_load %arg9[%swap3A_543, %swap3A_544] {strides = array<i32>} : memref<256x64xf32, #tpu.memory_space<vmem>>, vector<1x16xf32>,
        %swap3A_546 = vector.shape_cast %swap3A_545 : vector<1x16xf32> to vector<16xf32>
        %swap3A_547 = vector.shape_cast %add3A_542 : vector<16xf32> to vector<1x16xf32>
        tpu.vector_store %arg9[%swap3A_543, %swap3A_544], %swap3A_547 {strides = array<i32>} : memref<256x64xf32, #tpu.memory_space<vmem>>, vector<1x16xf32>,
        %mul3A_548 = arith.constant 8 : i32
        %mul3A_549 = arith.muli %scan3A_245, %mul3A_548 : i32
        %add3A_550 = arith.constant 4 : i32
        %add3A_551 = arith.addi %mul3A_549, %add3A_550 : i32
        %get3A_552 = arith.index_cast %add3A_551 : i32 to index
        %get3A_553 = arith.constant 48 : index
        %get3A_554 = tpu.vector_load %arg9[%get3A_552, %get3A_553] {strides = array<i32>} : memref<256x64xf32, #tpu.memory_space<vmem>>, vector<1x16xf32>,
        %get3A_555 = vector.shape_cast %get3A_554 : vector<1x16xf32> to vector<16xf32>
        %add3A_556 = arith.constant 8.000000e+00 : f32
        %add3A_557 = vector.broadcast %add3A_556 : f32 to vector<16xf32>
        %add3A_558 = arith.addf %get3A_555, %add3A_557 : vector<16xf32>
        %swap3A_559 = arith.index_cast %add3A_551 : i32 to index
        %swap3A_560 = arith.constant 48 : index
        %swap3A_561 = tpu.vector_load %arg9[%swap3A_559, %swap3A_560] {strides = array<i32>} : memref<256x64xf32, #tpu.memory_space<vmem>>, vector<1x16xf32>,
        %swap3A_562 = vector.shape_cast %swap3A_561 : vector<1x16xf32> to vector<16xf32>
        %swap3A_563 = vector.shape_cast %add3A_558 : vector<16xf32> to vector<1x16xf32>
        tpu.vector_store %arg9[%swap3A_559, %swap3A_560], %swap3A_563 {strides = array<i32>} : memref<256x64xf32, #tpu.memory_space<vmem>>, vector<1x16xf32>,
        %mul3A_564 = arith.constant 8 : i32
        %mul3A_565 = arith.muli %scan3A_245, %mul3A_564 : i32
        %add3A_566 = arith.constant 5 : i32
        %add3A_567 = arith.addi %mul3A_565, %add3A_566 : i32
        %get3A_568 = arith.index_cast %add3A_567 : i32 to index
        %get3A_569 = arith.constant 0 : index
        %get3A_570 = tpu.vector_load %arg9[%get3A_568, %get3A_569] {strides = array<i32>} : memref<256x64xf32, #tpu.memory_space<vmem>>, vector<1x16xf32>,
        %get3A_571 = vector.shape_cast %get3A_570 : vector<1x16xf32> to vector<16xf32>
        %add3A_572 = arith.constant 8.000000e+00 : f32
        %add3A_573 = vector.broadcast %add3A_572 : f32 to vector<16xf32>
        %add3A_574 = arith.addf %get3A_571, %add3A_573 : vector<16xf32>
        %swap3A_575 = arith.index_cast %add3A_567 : i32 to index
        %swap3A_576 = arith.constant 0 : index
        %swap3A_577 = tpu.vector_load %arg9[%swap3A_575, %swap3A_576] {strides = array<i32>} : memref<256x64xf32, #tpu.memory_space<vmem>>, vector<1x16xf32>,
        %swap3A_578 = vector.shape_cast %swap3A_577 : vector<1x16xf32> to vector<16xf32>
        %swap3A_579 = vector.shape_cast %add3A_574 : vector<16xf32> to vector<1x16xf32>
        tpu.vector_store %arg9[%swap3A_575, %swap3A_576], %swap3A_579 {strides = array<i32>} : memref<256x64xf32, #tpu.memory_space<vmem>>, vector<1x16xf32>,
        %mul3A_580 = arith.constant 8 : i32
        %mul3A_581 = arith.muli %scan3A_245, %mul3A_580 : i32
        %add3A_582 = arith.constant 5 : i32
        %add3A_583 = arith.addi %mul3A_581, %add3A_582 : i32
        %get3A_584 = arith.index_cast %add3A_583 : i32 to index
        %get3A_585 = arith.constant 16 : index
        %get3A_586 = tpu.vector_load %arg9[%get3A_584, %get3A_585] {strides = array<i32>} : memref<256x64xf32, #tpu.memory_space<vmem>>, vector<1x16xf32>,
        %get3A_587 = vector.shape_cast %get3A_586 : vector<1x16xf32> to vector<16xf32>
        %add3A_588 = arith.constant 8.000000e+00 : f32
        %add3A_589 = vector.broadcast %add3A_588 : f32 to vector<16xf32>
        %add3A_590 = arith.addf %get3A_587, %add3A_589 : vector<16xf32>
        %swap3A_591 = arith.index_cast %add3A_583 : i32 to index
        %swap3A_592 = arith.constant 16 : index
        %swap3A_593 = tpu.vector_load %arg9[%swap3A_591, %swap3A_592] {strides = array<i32>} : memref<256x64xf32, #tpu.memory_space<vmem>>, vector<1x16xf32>,
        %swap3A_594 = vector.shape_cast %swap3A_593 : vector<1x16xf32> to vector<16xf32>
        %swap3A_595 = vector.shape_cast %add3A_590 : vector<16xf32> to vector<1x16xf32>
        tpu.vector_store %arg9[%swap3A_591, %swap3A_592], %swap3A_595 {strides = array<i32>} : memref<256x64xf32, #tpu.memory_space<vmem>>, vector<1x16xf32>,
        %mul3A_596 = arith.constant 8 : i32
        %mul3A_597 = arith.muli %scan3A_245, %mul3A_596 : i32
        %add3A_598 = arith.constant 5 : i32
        %add3A_599 = arith.addi %mul3A_597, %add3A_598 : i32
        %get3A_600 = arith.index_cast %add3A_599 : i32 to index
        %get3A_601 = arith.constant 32 : index
        %get3A_602 = tpu.vector_load %arg9[%get3A_600, %get3A_601] {strides = array<i32>} : memref<256x64xf32, #tpu.memory_space<vmem>>, vector<1x16xf32>,
        %get3A_603 = vector.shape_cast %get3A_602 : vector<1x16xf32> to vector<16xf32>
        %add3A_604 = arith.constant 8.000000e+00 : f32
        %add3A_605 = vector.broadcast %add3A_604 : f32 to vector<16xf32>
        %add3A_606 = arith.addf %get3A_603, %add3A_605 : vector<16xf32>
        %swap3A_607 = arith.index_cast %add3A_599 : i32 to index
        %swap3A_608 = arith.constant 32 : index
        %swap3A_609 = tpu.vector_load %arg9[%swap3A_607, %swap3A_608] {strides = array<i32>} : memref<256x64xf32, #tpu.memory_space<vmem>>, vector<1x16xf32>,
        %swap3A_610 = vector.shape_cast %swap3A_609 : vector<1x16xf32> to vector<16xf32>
        %swap3A_611 = vector.shape_cast %add3A_606 : vector<16xf32> to vector<1x16xf32>
        tpu.vector_store %arg9[%swap3A_607, %swap3A_608], %swap3A_611 {strides = array<i32>} : memref<256x64xf32, #tpu.memory_space<vmem>>, vector<1x16xf32>,
        %mul3A_612 = arith.constant 8 : i32
        %mul3A_613 = arith.muli %scan3A_245, %mul3A_612 : i32
        %add3A_614 = arith.constant 5 : i32
        %add3A_615 = arith.addi %mul3A_613, %add3A_614 : i32
        %get3A_616 = arith.index_cast %add3A_615 : i32 to index
        %get3A_617 = arith.constant 48 : index
        %get3A_618 = tpu.vector_load %arg9[%get3A_616, %get3A_617] {strides = array<i32>} : memref<256x64xf32, #tpu.memory_space<vmem>>, vector<1x16xf32>,
        %get3A_619 = vector.shape_cast %get3A_618 : vector<1x16xf32> to vector<16xf32>
        %add3A_620 = arith.constant 8.000000e+00 : f32
        %add3A_621 = vector.broadcast %add3A_620 : f32 to vector<16xf32>
        %add3A_622 = arith.addf %get3A_619, %add3A_621 : vector<16xf32>
        %swap3A_623 = arith.index_cast %add3A_615 : i32 to index
        %swap3A_624 = arith.constant 48 : index
        %swap3A_625 = tpu.vector_load %arg9[%swap3A_623, %swap3A_624] {strides = array<i32>} : memref<256x64xf32, #tpu.memory_space<vmem>>, vector<1x16xf32>,
        %swap3A_626 = vector.shape_cast %swap3A_625 : vector<1x16xf32> to vector<16xf32>
        %swap3A_627 = vector.shape_cast %add3A_622 : vector<16xf32> to vector<1x16xf32>
        tpu.vector_store %arg9[%swap3A_623, %swap3A_624], %swap3A_627 {strides = array<i32>} : memref<256x64xf32, #tpu.memory_space<vmem>>, vector<1x16xf32>,
        %mul3A_628 = arith.constant 8 : i32
        %mul3A_629 = arith.muli %scan3A_245, %mul3A_628 : i32
        %add3A_630 = arith.constant 6 : i32
        %add3A_631 = arith.addi %mul3A_629, %add3A_630 : i32
        %get3A_632 = arith.index_cast %add3A_631 : i32 to index
        %get3A_633 = arith.constant 0 : index
        %get3A_634 = tpu.vector_load %arg9[%get3A_632, %get3A_633] {strides = array<i32>} : memref<256x64xf32, #tpu.memory_space<vmem>>, vector<1x16xf32>,
        %get3A_635 = vector.shape_cast %get3A_634 : vector<1x16xf32> to vector<16xf32>
        %add3A_636 = arith.constant 8.000000e+00 : f32
        %add3A_637 = vector.broadcast %add3A_636 : f32 to vector<16xf32>
        %add3A_638 = arith.addf %get3A_635, %add3A_637 : vector<16xf32>
        %swap3A_639 = arith.index_cast %add3A_631 : i32 to index
        %swap3A_640 = arith.constant 0 : index
        %swap3A_641 = tpu.vector_load %arg9[%swap3A_639, %swap3A_640] {strides = array<i32>} : memref<256x64xf32, #tpu.memory_space<vmem>>, vector<1x16xf32>,
        %swap3A_642 = vector.shape_cast %swap3A_641 : vector<1x16xf32> to vector<16xf32>
        %swap3A_643 = vector.shape_cast %add3A_638 : vector<16xf32> to vector<1x16xf32>
        tpu.vector_store %arg9[%swap3A_639, %swap3A_640], %swap3A_643 {strides = array<i32>} : memref<256x64xf32, #tpu.memory_space<vmem>>, vector<1x16xf32>,
        %mul3A_644 = arith.constant 8 : i32
        %mul3A_645 = arith.muli %scan3A_245, %mul3A_644 : i32
        %add3A_646 = arith.constant 6 : i32
        %add3A_647 = arith.addi %mul3A_645, %add3A_646 : i32
        %get3A_648 = arith.index_cast %add3A_647 : i32 to index
        %get3A_649 = arith.constant 16 : index
        %get3A_650 = tpu.vector_load %arg9[%get3A_648, %get3A_649] {strides = array<i32>} : memref<256x64xf32, #tpu.memory_space<vmem>>, vector<1x16xf32>,
        %get3A_651 = vector.shape_cast %get3A_650 : vector<1x16xf32> to vector<16xf32>
        %add3A_652 = arith.constant 8.000000e+00 : f32
        %add3A_653 = vector.broadcast %add3A_652 : f32 to vector<16xf32>
        %add3A_654 = arith.addf %get3A_651, %add3A_653 : vector<16xf32>
        %swap3A_655 = arith.index_cast %add3A_647 : i32 to index
        %swap3A_656 = arith.constant 16 : index
        %swap3A_657 = tpu.vector_load %arg9[%swap3A_655, %swap3A_656] {strides = array<i32>} : memref<256x64xf32, #tpu.memory_space<vmem>>, vector<1x16xf32>,
        %swap3A_658 = vector.shape_cast %swap3A_657 : vector<1x16xf32> to vector<16xf32>
        %swap3A_659 = vector.shape_cast %add3A_654 : vector<16xf32> to vector<1x16xf32>
        tpu.vector_store %arg9[%swap3A_655, %swap3A_656], %swap3A_659 {strides = array<i32>} : memref<256x64xf32, #tpu.memory_space<vmem>>, vector<1x16xf32>,
        %mul3A_660 = arith.constant 8 : i32
        %mul3A_661 = arith.muli %scan3A_245, %mul3A_660 : i32
        %add3A_662 = arith.constant 6 : i32
        %add3A_663 = arith.addi %mul3A_661, %add3A_662 : i32
        %get3A_664 = arith.index_cast %add3A_663 : i32 to index
        %get3A_665 = arith.constant 32 : index
        %get3A_666 = tpu.vector_load %arg9[%get3A_664, %get3A_665] {strides = array<i32>} : memref<256x64xf32, #tpu.memory_space<vmem>>, vector<1x16xf32>,
        %get3A_667 = vector.shape_cast %get3A_666 : vector<1x16xf32> to vector<16xf32>
        %add3A_668 = arith.constant 8.000000e+00 : f32
        %add3A_669 = vector.broadcast %add3A_668 : f32 to vector<16xf32>
        %add3A_670 = arith.addf %get3A_667, %add3A_669 : vector<16xf32>
        %swap3A_671 = arith.index_cast %add3A_663 : i32 to index
        %swap3A_672 = arith.constant 32 : index
        %swap3A_673 = tpu.vector_load %arg9[%swap3A_671, %swap3A_672] {strides = array<i32>} : memref<256x64xf32, #tpu.memory_space<vmem>>, vector<1x16xf32>,
        %swap3A_674 = vector.shape_cast %swap3A_673 : vector<1x16xf32> to vector<16xf32>
        %swap3A_675 = vector.shape_cast %add3A_670 : vector<16xf32> to vector<1x16xf32>
        tpu.vector_store %arg9[%swap3A_671, %swap3A_672], %swap3A_675 {strides = array<i32>} : memref<256x64xf32, #tpu.memory_space<vmem>>, vector<1x16xf32>,
        %mul3A_676 = arith.constant 8 : i32
        %mul3A_677 = arith.muli %scan3A_245, %mul3A_676 : i32
        %add3A_678 = arith.constant 6 : i32
        %add3A_679 = arith.addi %mul3A_677, %add3A_678 : i32
        %get3A_680 = arith.index_cast %add3A_679 : i32 to index
        %get3A_681 = arith.constant 48 : index
        %get3A_682 = tpu.vector_load %arg9[%get3A_680, %get3A_681] {strides = array<i32>} : memref<256x64xf32, #tpu.memory_space<vmem>>, vector<1x16xf32>,
        %get3A_683 = vector.shape_cast %get3A_682 : vector<1x16xf32> to vector<16xf32>
        %add3A_684 = arith.constant 8.000000e+00 : f32
        %add3A_685 = vector.broadcast %add3A_684 : f32 to vector<16xf32>
        %add3A_686 = arith.addf %get3A_683, %add3A_685 : vector<16xf32>
        %swap3A_687 = arith.index_cast %add3A_679 : i32 to index
        %swap3A_688 = arith.constant 48 : index
        %swap3A_689 = tpu.vector_load %arg9[%swap3A_687, %swap3A_688] {strides = array<i32>} : memref<256x64xf32, #tpu.memory_space<vmem>>, vector<1x16xf32>,
        %swap3A_690 = vector.shape_cast %swap3A_689 : vector<1x16xf32> to vector<16xf32>
        %swap3A_691 = vector.shape_cast %add3A_686 : vector<16xf32> to vector<1x16xf32>
        tpu.vector_store %arg9[%swap3A_687, %swap3A_688], %swap3A_691 {strides = array<i32>} : memref<256x64xf32, #tpu.memory_space<vmem>>, vector<1x16xf32>,
        %mul3A_692 = arith.constant 8 : i32
        %mul3A_693 = arith.muli %scan3A_245, %mul3A_692 : i32
        %add3A_694 = arith.constant 7 : i32
        %add3A_695 = arith.addi %mul3A_693, %add3A_694 : i32
        %get3A_696 = arith.index_cast %add3A_695 : i32 to index
        %get3A_697 = arith.constant 0 : index
        %get3A_698 = tpu.vector_load %arg9[%get3A_696, %get3A_697] {strides = array<i32>} : memref<256x64xf32, #tpu.memory_space<vmem>>, vector<1x16xf32>,
        %get3A_699 = vector.shape_cast %get3A_698 : vector<1x16xf32> to vector<16xf32>
        %add3A_700 = arith.constant 8.000000e+00 : f32
        %add3A_701 = vector.broadcast %add3A_700 : f32 to vector<16xf32>
        %add3A_702 = arith.addf %get3A_699, %add3A_701 : vector<16xf32>
        %swap3A_703 = arith.index_cast %add3A_695 : i32 to index
        %swap3A_704 = arith.constant 0 : index
        %swap3A_705 = tpu.vector_load %arg9[%swap3A_703, %swap3A_704] {strides = array<i32>} : memref<256x64xf32, #tpu.memory_space<vmem>>, vector<1x16xf32>,
        %swap3A_706 = vector.shape_cast %swap3A_705 : vector<1x16xf32> to vector<16xf32>
        %swap3A_707 = vector.shape_cast %add3A_702 : vector<16xf32> to vector<1x16xf32>
        tpu.vector_store %arg9[%swap3A_703, %swap3A_704], %swap3A_707 {strides = array<i32>} : memref<256x64xf32, #tpu.memory_space<vmem>>, vector<1x16xf32>,
        %mul3A_708 = arith.constant 8 : i32
        %mul3A_709 = arith.muli %scan3A_245, %mul3A_708 : i32
        %add3A_710 = arith.constant 7 : i32
        %add3A_711 = arith.addi %mul3A_709, %add3A_710 : i32
        %get3A_712 = arith.index_cast %add3A_711 : i32 to index
        %get3A_713 = arith.constant 16 : index
        %get3A_714 = tpu.vector_load %arg9[%get3A_712, %get3A_713] {strides = array<i32>} : memref<256x64xf32, #tpu.memory_space<vmem>>, vector<1x16xf32>,
        %get3A_715 = vector.shape_cast %get3A_714 : vector<1x16xf32> to vector<16xf32>
        %add3A_716 = arith.constant 8.000000e+00 : f32
        %add3A_717 = vector.broadcast %add3A_716 : f32 to vector<16xf32>
        %add3A_718 = arith.addf %get3A_715, %add3A_717 : vector<16xf32>
        %swap3A_719 = arith.index_cast %add3A_711 : i32 to index
        %swap3A_720 = arith.constant 16 : index
        %swap3A_721 = tpu.vector_load %arg9[%swap3A_719, %swap3A_720] {strides = array<i32>} : memref<256x64xf32, #tpu.memory_space<vmem>>, vector<1x16xf32>,
        %swap3A_722 = vector.shape_cast %swap3A_721 : vector<1x16xf32> to vector<16xf32>
        %swap3A_723 = vector.shape_cast %add3A_718 : vector<16xf32> to vector<1x16xf32>
        tpu.vector_store %arg9[%swap3A_719, %swap3A_720], %swap3A_723 {strides = array<i32>} : memref<256x64xf32, #tpu.memory_space<vmem>>, vector<1x16xf32>,
        %mul3A_724 = arith.constant 8 : i32
        %mul3A_725 = arith.muli %scan3A_245, %mul3A_724 : i32
        %add3A_726 = arith.constant 7 : i32
        %add3A_727 = arith.addi %mul3A_725, %add3A_726 : i32
        %get3A_728 = arith.index_cast %add3A_727 : i32 to index
        %get3A_729 = arith.constant 32 : index
        %get3A_730 = tpu.vector_load %arg9[%get3A_728, %get3A_729] {strides = array<i32>} : memref<256x64xf32, #tpu.memory_space<vmem>>, vector<1x16xf32>,
        %get3A_731 = vector.shape_cast %get3A_730 : vector<1x16xf32> to vector<16xf32>
        %add3A_732 = arith.constant 8.000000e+00 : f32
        %add3A_733 = vector.broadcast %add3A_732 : f32 to vector<16xf32>
        %add3A_734 = arith.addf %get3A_731, %add3A_733 : vector<16xf32>
        %swap3A_735 = arith.index_cast %add3A_727 : i32 to index
        %swap3A_736 = arith.constant 32 : index
        %swap3A_737 = tpu.vector_load %arg9[%swap3A_735, %swap3A_736] {strides = array<i32>} : memref<256x64xf32, #tpu.memory_space<vmem>>, vector<1x16xf32>,
        %swap3A_738 = vector.shape_cast %swap3A_737 : vector<1x16xf32> to vector<16xf32>
        %swap3A_739 = vector.shape_cast %add3A_734 : vector<16xf32> to vector<1x16xf32>
        tpu.vector_store %arg9[%swap3A_735, %swap3A_736], %swap3A_739 {strides = array<i32>} : memref<256x64xf32, #tpu.memory_space<vmem>>, vector<1x16xf32>,
        %mul3A_740 = arith.constant 8 : i32
        %mul3A_741 = arith.muli %scan3A_245, %mul3A_740 : i32
        %add3A_742 = arith.constant 7 : i32
        %add3A_743 = arith.addi %mul3A_741, %add3A_742 : i32
        %get3A_744 = arith.index_cast %add3A_743 : i32 to index
        %get3A_745 = arith.constant 48 : index
        %get3A_746 = tpu.vector_load %arg9[%get3A_744, %get3A_745] {strides = array<i32>} : memref<256x64xf32, #tpu.memory_space<vmem>>, vector<1x16xf32>,
        %get3A_747 = vector.shape_cast %get3A_746 : vector<1x16xf32> to vector<16xf32>
        %add3A_748 = arith.constant 8.000000e+00 : f32
        %add3A_749 = vector.broadcast %add3A_748 : f32 to vector<16xf32>
        %add3A_750 = arith.addf %get3A_747, %add3A_749 : vector<16xf32>
        %swap3A_751 = arith.index_cast %add3A_743 : i32 to index
        %swap3A_752 = arith.constant 48 : index
        %swap3A_753 = tpu.vector_load %arg9[%swap3A_751, %swap3A_752] {strides = array<i32>} : memref<256x64xf32, #tpu.memory_space<vmem>>, vector<1x16xf32>,
        %swap3A_754 = vector.shape_cast %swap3A_753 : vector<1x16xf32> to vector<16xf32>
        %swap3A_755 = vector.shape_cast %add3A_750 : vector<16xf32> to vector<1x16xf32>
        tpu.vector_store %arg9[%swap3A_751, %swap3A_752], %swap3A_755 {strides = array<i32>} : memref<256x64xf32, #tpu.memory_space<vmem>>, vector<1x16xf32>,
      }
      %scan3A_237 = arith.constant 32 : i32
      %mul3A_238 = arith.constant 256 : i32
      %mul3A_239 = arith.muli %add3A_215, %mul3A_238 : i32
      %add3A_240 = arith.addi %mul3A_2, %mul3A_239 : i32
      %dma_start3A_241 = arith.constant 0 : i32
      %dma_start3A_242 = tpu.memref_slice %arg4[%add3A_240, %dma_start3A_241] : memref<819200x64xf32, #tpu.memory_space<hbm>> -> memref<256x64xf32, #tpu.memory_space<hbm>>
      %dma_start3A_243 = arith.constant 0 : i32
      %dma_start3A_244 = tpu.memref_slice %arg4[%add3A_240, %dma_start3A_243] : memref<819200x64xf32, #tpu.memory_space<hbm>> -> memref<256x64xf32, #tpu.memory_space<hbm>>
      tpu.enqueue_dma source(%arg9 : memref<256x64xf32, #tpu.memory_space<vmem>>) target(%dma_start3A_244 : memref<256x64xf32, #tpu.memory_space<hbm>>) target_semaphore(%arg17 : memref<!tpu.dma_semaphore, #tpu.memory_space<semaphore_mem>>)
    }
    %scan3A_28 = arith.constant 25 : i32
    %dma_wait3A = arith.constant 0 : i32
    %dma_wait3A_29 = arith.constant 0 : i32
    %dma_wait3A_30 = tpu.memref_slice %arg4[%dma_wait3A, %dma_wait3A_29] : memref<819200x64xf32, #tpu.memory_space<hbm>> -> memref<256x64xf32, #tpu.memory_space<hbm>>
    %dma_wait3A_31 = arith.constant 0 : i32
    %dma_wait3A_32 = arith.constant 0 : i32
    %dma_wait3A_33 = tpu.memref_slice %arg4[%dma_wait3A_31, %dma_wait3A_32] : memref<819200x64xf32, #tpu.memory_space<hbm>> -> memref<256x64xf32, #tpu.memory_space<hbm>>
    tpu.wait_dma2 semaphore(%arg15 : memref<!tpu.dma_semaphore, #tpu.memory_space<semaphore_mem>>) src(%arg7 : memref<256x64xf32, #tpu.memory_space<vmem>>) dst(%dma_wait3A_33 : memref<256x64xf32, #tpu.memory_space<hbm>>)
    %dma_wait3A_34 = arith.constant 0 : i32
    %dma_wait3A_35 = arith.constant 0 : i32
    %dma_wait3A_36 = tpu.memref_slice %arg4[%dma_wait3A_34, %dma_wait3A_35] : memref<819200x64xf32, #tpu.memory_space<hbm>> -> memref<256x64xf32, #tpu.memory_space<hbm>>
    %dma_wait3A_37 = arith.constant 0 : i32
    %dma_wait3A_38 = arith.constant 0 : i32
    %dma_wait3A_39 = tpu.memref_slice %arg4[%dma_wait3A_37, %dma_wait3A_38] : memref<819200x64xf32, #tpu.memory_space<hbm>> -> memref<256x64xf32, #tpu.memory_space<hbm>>
    tpu.wait_dma2 semaphore(%arg16 : memref<!tpu.dma_semaphore, #tpu.memory_space<semaphore_mem>>) src(%arg8 : memref<256x64xf32, #tpu.memory_space<vmem>>) dst(%dma_wait3A_39 : memref<256x64xf32, #tpu.memory_space<hbm>>)
    %dma_wait3A_40 = arith.constant 0 : i32
    %dma_wait3A_41 = arith.constant 0 : i32
    %dma_wait3A_42 = tpu.memref_slice %arg4[%dma_wait3A_40, %dma_wait3A_41] : memref<819200x64xf32, #tpu.memory_space<hbm>> -> memref<256x64xf32, #tpu.memory_space<hbm>>
    %dma_wait3A_43 = arith.constant 0 : i32
    %dma_wait3A_44 = arith.constant 0 : i32
    %dma_wait3A_45 = tpu.memref_slice %arg4[%dma_wait3A_43, %dma_wait3A_44] : memref<819200x64xf32, #tpu.memory_space<hbm>> -> memref<256x64xf32, #tpu.memory_space<hbm>>
    tpu.wait_dma2 semaphore(%arg17 : memref<!tpu.dma_semaphore, #tpu.memory_space<semaphore_mem>>) src(%arg9 : memref<256x64xf32, #tpu.memory_space<vmem>>) dst(%dma_wait3A_45 : memref<256x64xf32, #tpu.memory_space<hbm>>)
    return
  }
}

</mosaic_0001>

<sc_bundles>
// kernel: kernel.3.cloned.1.call-start
scs
__scs_entry_jumppad:
0x0: {  	(pc) =	sbr.rel $0x88, $3  }
0x1: {  	(tag) =	ssettag $0x0;
	lr =	simm.s32 $0x1  }
0x2: {  	[smem:$0x3F9F] =	sst lr;
	_ =	strace $0xD0000000  }
0x3: {  	_ = 	snop  }
0x4: {  	_ = 	snop  }
0x5: {  	_ = 	snop  }
0x6: {  	_ = 	snop  }
0x7: {  	_ = 	snop  }
__scs_overlays_trampoline_lowered:
0x8: {  	[smem:$0x3FAE] =	sst s0  }
0x9: {  	[smem:$0x3FAF] =	sst s1  }
0xa: {  	[smem:$0x3FB0] =	sst s2  }
0xb: {  	[smem:$0x3FB1] =	sst s3  }
0xc: {  	[smem:$0x3FB2] =	sst s4  }
0xd: {  	[smem:$0x3FB3] =	sst s5  }
0xe: {  	[smem:$0x3FB4] =	sst s6  }
0xf: {  	[smem:$0x3FB5] =	sst s7  }
0x10: {  	[smem:$0x3FB6] =	sst s8  }
0x11: {  	[smem:$0x3FB7] =	sst s9;
	s0 =	simm.s32 @!p0 $0x0  }
0x12: {  	s1 =	sld [smem:$0x3F9D];
	s0 =	simm.s32 @p0 $0x1  }
0x13: {  	[smem:$0x3FB8] =	sst s0;
	s0 =	simm.s32 @!p1 $0x0  }
0x14: {  	s2 =	sld [smem:$0x3F9C];
	s0 =	simm.s32 @p1 $0x1  }
0x15: {  	[smem:$0x3FB9] =	sst s0;
	s0 =	simm.s32 @!p2 $0x0  }
0x16: {  	s3 =	sld [smem:$0x3FDB];
	s0 =	simm.s32 @p2 $0x1  }
0x17: {  	s4 =	simm.s32 $0x1BF5;
	[smem:$0x3FBB] =	sst s0  }
0x18: {  	s0 =	sld [smem:$0x3F9E];
	_ =	swait.ge [sflag:s4], $0x0  }
0x19: {  	s7 =	sld [smem:$0x3F9F]  }
0x1a: {  	s8 =	sadd.s32 $0xFFFFE003, lr  }
0x1b: {  	s9 =	sadd.s32 $0xFFFFFEF7, lr;
	s5 =	simm.s32 $0xFFFFFFFF;
	p2 =	slt.u32 s8, $0xFFFFF086  }
0x1c: {  	p1 =	slt.u32 s9, $0xF7A;
	s5 =	simm.s32 @!p2 $0x0  }
0x1d: {  	s5 =	simm.s32 @p1 $0x1;
	p0 =	seq.s32 s7, s2  }
0x1e: {  	s7 =	smul.u32 @!p0 $0xF7A, s2;
	p2 =	seq.s32 @!p0 s5, $0x0  }
0x1f: {  	s9 =	smul.u32 $0xF7A, s1;
	s8 =	simm.s32 @!p0 $0x1BF5;
	p2 =	por !p2, p0  }
0x20: {  	[sflag:s8] =	ssyncset.s32 @!p0 $0xFFFFF086;
	s6 =	sadd.s32 @!p0 s3, s7;
	s7 =	simm.s32 @!p0 $0x108  }
0x21: {  	s3 =	sadd.s32 s3, s9;
	s6 =	sadd.s32 @!p0 $0x88, s6;
	s7 =	simm.s32 @p2 $0x1082  }
0x22: {  	[simem:s7], [sflag:s8] =	dma.local @!p0 [hbm:s6], $0xF7A  }
0x23: {  	s9 =	sor.u32 $0xD0000000, s2;
	s6 =	simm.s32 $0x108;
	_ =	swait.ge @!p0 [sflag:s8], $0x0  }
0x24: {  	s3 =	sadd.s32 $0x88, s3;
	s6 =	simm.s32 @!p1 $0x1082;
	[sflag:s4] =	ssyncset.s32 $0xFFFFF086  }
0x25: {  	[simem:s6], [sflag:s4] =	dma.local [hbm:s3], $0xF7A  }
0x26: {  	[smem:$0x3F9F] =	sst s1;
	(tag) =	ssettag s2;
	_ =	strace s9  }
0x27: {  	s1 =	sld [smem:$0x3FAF]  }
0x28: {  	s2 =	sld [smem:$0x3FB0]  }
0x29: {  	s4 =	sld [smem:$0x3FB2]  }
0x2a: {  	p0 =	seq.s32 s5, $0x0;
	s5 =	sld [smem:$0x3FB3]  }
0x2b: {  	s6 =	sld [smem:$0x3FB4]  }
0x2c: {  	s7 =	sld [smem:$0x3FB5]  }
0x2d: {  	s3 =	simm.s32 $0x108;
	s8 =	sld [smem:$0x3FB6]  }
0x2e: {  	s3 =	simm.s32 @!p0 $0x1082;
	s9 =	sld [smem:$0x3FB7]  }
0x2f: {  	lr =	sadd.s32 s0, s3;
	s0 =	sld [smem:$0x3FAE]  }
0x30: {  	s3 =	sld [smem:$0x3FB1]  }
0x31: {  	[smem:$0x3FBA] =	sst s10  }
0x32: {  	s10 =	sld [smem:$0x3FB8];
	_ =	sdelay $0x3  }
0x33: {  	p0 =	seq.s32 s10, $0x1;
	s10 =	sld [smem:$0x3FBA];
	_ =	sdelay $0x3  }
0x34: {  	[smem:$0x3FBA] =	sst s10  }
0x35: {  	s10 =	sld [smem:$0x3FB9];
	_ =	sdelay $0x3  }
0x36: {  	p1 =	seq.s32 s10, $0x1;
	s10 =	sld [smem:$0x3FBA];
	_ =	sdelay $0x3  }
0x37: {  	[smem:$0x3FBA] =	sst s10  }
0x38: {  	s10 =	sld [smem:$0x3FBB]  }
0x39: {  	_ = 	snop;
	(pc) =	sbr.ind lr, $3  }
0x3a: {  	_ = 	snop  }
0x3b: {  	_ = 	snop  }
0x3c: {  	p2 =	seq.s32 s10, $0x1;
	s10 =	sld [smem:$0x3FBA]  }
0x3d: {  	_ =	shalt  }
0x3e: {  	_ =	shalt  }
0x3f: {  	_ =	shalt  }
0x40: {  	_ =	shalt  }
0x41: {  	_ =	shalt  }
0x42: {  	_ =	shalt  }
0x43: {  	_ =	shalt  }
0x44: {  	_ =	shalt  }
0x45: {  	_ =	shalt  }
0x46: {  	_ =	shalt  }
0x47: {  	_ =	shalt  }
0x48: {  	_ =	shalt  }
0x49: {  	_ =	shalt  }
0x4a: {  	_ =	shalt  }
0x4b: {  	_ =	shalt  }
0x4c: {  	_ =	shalt  }
0x4d: {  	_ =	shalt  }
0x4e: {  	_ =	shalt  }
0x4f: {  	_ =	shalt  }
0x50: {  	_ =	shalt  }
0x51: {  	_ =	shalt  }
0x52: {  	_ =	shalt  }
0x53: {  	_ =	shalt  }
0x54: {  	_ =	shalt  }
0x55: {  	_ =	shalt  }
0x56: {  	_ =	shalt  }
0x57: {  	_ =	shalt  }
0x58: {  	_ =	shalt  }
0x59: {  	_ =	shalt  }
0x5a: {  	_ =	shalt  }
0x5b: {  	_ =	shalt  }
0x5c: {  	_ =	shalt  }
0x5d: {  	_ =	shalt  }
0x5e: {  	_ =	shalt  }
0x5f: {  	_ =	shalt  }
0x60: {  	_ =	shalt  }
0x61: {  	_ =	shalt  }
0x62: {  	_ =	shalt  }
0x63: {  	_ =	shalt  }
0x64: {  	_ =	shalt  }
0x65: {  	_ =	shalt  }
0x66: {  	_ =	shalt  }
0x67: {  	_ =	shalt  }
0x68: {  	_ =	shalt  }
0x69: {  	_ =	shalt  }
0x6a: {  	_ =	shalt  }
0x6b: {  	_ =	shalt  }
0x6c: {  	_ =	shalt  }
0x6d: {  	_ =	shalt  }
0x6e: {  	_ =	shalt  }
0x6f: {  	_ =	shalt  }
0x70: {  	_ =	shalt  }
0x71: {  	_ =	shalt  }
0x72: {  	_ =	shalt  }
0x73: {  	_ =	shalt  }
0x74: {  	_ =	shalt  }
0x75: {  	_ =	shalt  }
0x76: {  	_ =	shalt  }
0x77: {  	_ =	shalt  }
0x78: {  	_ =	shalt  }
0x79: {  	_ =	shalt  }
0x7a: {  	_ =	shalt  }
0x7b: {  	_ =	shalt  }
0x7c: {  	_ =	shalt  }
0x7d: {  	_ =	shalt  }
0x7e: {  	_ =	shalt  }
0x7f: {  	_ =	shalt  }
0x80: {  	_ =	shalt  }
0x81: {  	_ =	shalt  }
0x82: {  	_ =	shalt  }
0x83: {  	_ =	shalt  }
0x84: {  	_ =	shalt  }
0x85: {  	_ =	shalt  }
0x86: {  	_ =	shalt  }
0x87: {  	_ =	shalt  }
.Lfunc_end0:
.L_simem_size_0:
called_computation.1_lowered:
.L_overlay_start_0:
0x88: {  	s2 =	sld [smem:$0x3FD9]  }
0x89: {  	s3 =	sld [smem:$0x3FFE];
	_ =	sdelay $0x1  }
0x8a: {  	s1 =	srdreg.scid  }
0x8b: {  	s0 =	sand.u32 $0x1, s1  }
0x8c: {  	s17 =	sshll.u32 s0, $0xA;
	s2 =	sadd.s32 s3, s2  }
0x8d: {  	s2 =	sadd.s32 s2, s17  }
0x8e: {  	[smem:$0x3FC6] =	sst s2  }
0x8f: {  	_ = 	snop  }
0x90: {  	s2 =	sld [smem:$0x3FD0];
	(tm) =	ssettm $0x1  }
0x91: {  	s18 =	sld [smem:$0x3FFB];
	_ =	sdelay $0x3  }
0x92: {  	_ =	strace s18  }
0x93: {  	s3 =	sld [smem:$0x3FFC];
	_ =	sdelay $0x3  }
0x94: {  	_ =	strace s3  }
0x95: {  	s3 =	sld [smem:$0x3FFD];
	_ =	sdelay $0x3  }
0x96: {  	_ =	strace s3  }
0x97: {  	_ =	strace $0x8FFFFFFF  }
0x98: {  	s19 =	sld [smem:$0x3FDB];
	_ =	sdelay $0x1  }
0x99: {  	s4 =	simm.s32 $_scs_section_size  }
0x9a: {  	s5 =	simm.s32 $_size__tile_overlayer_lowered;
	s6 =	simm.s32 $_tile_overlayer_lowered  }
0x9b: {  	s22 =	simm.s32 $0x1BFF;
	s21 =	sshll.u32 s6, $0x1;
	s3 =	sadd.s32 s4, s19  }
0x9c: {  	s7 =	simm.s32 $0x0;
	s20 =	sshll.u32 s5, $0x1;
	s5 =	sadd.s32 s21, s3  }
0x9d: {  	[timem:s7], [sflag:s22] =	dma.local [hbm:s5], s20  }
0x9e: {  	_ =	swait.ge [sflag:s22], s20  }
0x9f: {  	s4 =	ssub.s32 $0x0, s20;
	[sflag:s22] =	ssyncset.done $0x0  }
0xa0: {  	[sflag:s22] =	ssyncadd.s32 s4;
	_ =	sdelay $0x1  }
0xa1: {  	s23 =	simm.s32 $0x1B8B  }
0xa2: {  	_ =	swait.ge [sflag:s23], $0x1  }
0xa3: {  	[sflag:s23] =	ssyncset.done $0x0  }
0xa4: {  	s25 =	simm.s32 $0x1B8E;
	s24 =	sld [smem:$0x3FFE];
	[sflag:s23] =	ssyncadd.s32 $0xFFFFFFFF  }
0xa5: {  	s26 =	simm.s32 $execute0_lowered;
	[smem:$0x3FD2] =	sst s25  }
0xa6: {  	s5 =	sshll.u32 s26, $0x1;
	_ =	strace $0x80000046;
	[dreg:$0x1] =	wrdreg $0xFFFFFFFF  }
0xa7: {  	s28 =	simm.s32 $_size_execute0_lowered;
	s3 =	sadd.s32 s3, s5;
	[dreg:$0x0] =	wrdreg $0x0  }
0xa8: {  	s5 =	sshll.u32 s28, $0x1;
	[dreg:$0x2] =	wrdreg s3  }
0xa9: {  	[dreg:$0x3] =	wrdreg s5  }
0xaa: {  	[dreg:$0x4] =	wrdreg $0xC0  }
0xab: {  	_ =	task [dreg:s7], $0x5FFFF  }
0xac: {  	[dreg:$0x1] =	wrdreg $0xFFFFFFFF  }
0xad: {  	[dreg:$0x0] =	wrdreg $0x60  }
0xae: {  	[dreg:$0x2] =	wrdreg s24  }
0xaf: {  	[dreg:$0x3] =	wrdreg s2  }
0xb0: {  	[dreg:$0x4] =	wrdreg $0x9  }
0xb1: {  	_ =	task.clear_ibuf [dreg:s7], $0x5FFFF;
	_ =	strace $0x90000046  }
0xb2: {  	s29 =	simm.s32 $0x9;
	_ =	strace $0x80000048  }
0xb3: {  	_ =	swait.ge [sflag:s29], $0x1  }
0xb4: {  	[sflag:s29] =	ssyncadd.s32 $0xFFFFFFFF  }
0xb5: {  	_ =	strace $0x90000048  }
0xb6: {  	_ =	sfence  }
0xb7: {  	s30 =	sld [smem:$0x0];
	_ =	sdelay $0x2  }
0xb8: {  	s31 =	sshll.u32 s1, $0xD;
	s1 =	sshrl.u32 s1, $0x2  }
0xb9: {  	s3 =	sand.u32 $0x4000, s31;
	s1 =	sadd.s32 s1, s30  }
0xba: {  	s0 =	sor.u32 s3, s0;
	s1 =	sshll.u32 s1, $0x11  }
0xbb: {  	s0 =	sor.u32 s1, s0  }
0xbc: {  	s0 =	sadd.s32 $0x8F2B, s0  }
0xbd: {  	[sflag:s0] =	ssyncadd.remote.s32 $0x1  }
0xbe: {  	_ =	sfence.sel $0xFFFF  }
0xbf: {  	[dreg:$0x0] =	wrdreg $0xFFFFFFFF;
	(pc) =	sbr.abs _section_cstart, $3  }
0xc0: {  	[dreg:$0x1] =	wrdreg $0xFFFFFFFF  }
0xc1: {  	_ =	task.clear_ibuf [dreg:s7], $0x2FFFF;
	_ =	strace $0x9FFFFFFF  }
0xc2: {  	(tm) =	ssettm $0x7FFFFFFF  }
0xc3: {  	_ =	shalt  }
tec
execute0_lowered:
.L_overlay_start_1:
0x0: {  	(tag) =	ssettag $0x1  }
0x1: {  	s0 =	srdreg.scid  }
0x2: {  	s2 =	stileid.u32;
	s1 =	rddreg [dreg:$0x0];
	s8 =	simm.s32 $0x9  }
0x3: {  	s9 =	simm.s32 $0x80;
	s10 =	simm.s32 $0x6400;
	s12 =	simm.s32 $0xA400  }
0x4: {  	s13 =	simm.s32 $0xC400;
	s14 =	simm.s32 $0x1;
	s15 =	simm.s32 $0xE400  }
0x5: {  	s16 =	simm.s32 $0x10400;
	s17 =	simm.s32 $0x2;
	s18 =	simm.s32 $0x12400  }
0x6: {  	s19 =	simm.s32 $0x14400;
	s20 =	simm.s32 $0x3;
	s21 =	simm.s32 $0x5  }
0x7: {  	s22 =	simm.s32 $0x4;
	s23 =	simm.s32 $0x6;
	s24 =	simm.s32 $0x7  }
0x8: {  	s25 =	simm.s32 $0x8;
	s0 =	sand.u32 $0x1, s0;
	s3 =	sshll.u32 s2, $0x1  }
0x9: {  	s26 =	simm.s32 $0x0;
	s2 =	rddreg [dreg:$0x1];
	s6 =	sor.u32 s0, s3  }
0xa: {  	s3 =	simm.s32 $0x0;
	s0 =	ssub.s32 $0x2, s0;
	s4 =	smul.u32 $0xC80, s6  }
0xb: {  	[smem:$0x7FF] =	sst s3;
	s7 =	sshrl.u32 s0, $0x1;
	s6 =	smul.u32 $0x190000, s6  }
0xc: {  	_ =	strace $0x80000047;
	s0 =	ssub.s32 s0, s7;
	s5 =	sadd.s32 s4, s1  }
0xd: {  	s4 =	sadd.s32 $0xF42E00, s1;
	s7 =	smax.u32 s0, $0x1;
	s5 =	sadd.s32 $0xA00, s5  }
.LBB2_1:
0xe: {  	[tilespmem:s3], [sflag:$0x9] =	stream.linear.gather [hbm4b:s5+s3], $0x6400, $0x38;
	[tilespmem:$0x16400] =	vst v63  }
0xf: {  	_ =	swait.ge [sflag:s8], $0x6400  }
0x10: {  	[sflag:s8] =	ssyncset.done $0x0  }
0x11: {  	[sflag:s8] =	ssyncadd.s32 $0xFFFF9C00  }
0x12: {  	[tilespmem:s10], [sflag:$0x1] =	stream.indirect.gather [hbm4b:s4+s9], $0x40, s3, s9, $0xb8;
	[tilespmem:$0x16400] =	vst v63  }
0x13: {  	s0 =	simm.s32 $0x8400;
	s28 =	simm.s32 $0x0  }
0x14: {  	[tilespmem:s0], [sflag:$0x1] =	stream.indirect.gather [hbm4b:s4+s9], $0x40, s9, s9, $0xb8;
	[tilespmem:$0x16400] =	vst v63  }
.LBB2_2:
0x15: {  	p0 =	seq.s32 s28, $0x0  }
0x16: {  	s29 =	sshll.u32 s28, $0x2;
	s0 =	simm.s32 @!p0 $0x6  }
0x17: {  	s30 =	sor.u32 $0x1, s29;
	_ =	swait.ge @!p0 [sflag:s0], $0x4000  }
0x18: {  	s1 =	sshll.u32 s30, $0x8;
	[sflag:s0] =	ssyncset.done @!p0 $0x0  }
0x19: {  	s11 =	sand.u32 $0x3FFFFF00, s1;
	[sflag:s0] =	ssyncadd.s32 @!p0 $0xFFFFC000  }
0x1a: {  	[tilespmem:s12], [sflag:$0x2] =	stream.indirect.gather [hbm4b:s4+s9], $0x40, s11, s9, $0xb8;
	[tilespmem:$0x16400] =	vst v63  }
0x1b: {  	s0 =	sor.u32 $0x80, s11  }
0x1c: {  	[tilespmem:s13], [sflag:$0x2] =	stream.indirect.gather [hbm4b:s4+s9], $0x40, s0, s9, $0xb8;
	[tilespmem:$0x16400] =	vst v63  }
0x1d: {  	_ =	swait.ge [sflag:s14], $0x4000  }
0x1e: {  	[sflag:s14] =	ssyncset.done $0x0  }
0x1f: {  	s31 =	simm.s32 $0x0;
	[sflag:s14] =	ssyncadd.s32 $0xFFFFC000  }
0x20: {  	v0 =	vld [tilespmem:s31+$0x6400]  }
0x21: {  	v1 =	vld [tilespmem:s31+$0x6410]  }
0x22: {  	v2 =	vld [tilespmem:s31+$0x6420]  }
0x23: {  	v3 =	vld [tilespmem:s31+$0x6430]  }
0x24: {  	v4 =	vld [tilespmem:s31+$0x6440]  }
0x25: {  	v5 =	vld [tilespmem:s31+$0x6450];
	v0 =	vadd.f32 $8.000000000e+00, v0  }
0x26: {  	v6 =	vld [tilespmem:s31+$0x6460];
	v1 =	vadd.f32 $8.000000000e+00, v1  }
0x27: {  	v2 =	vadd.f32 $8.000000000e+00, v2;
	[tilespmem:s31+$0x6400] =	vst v0;
	v0 =	vld [tilespmem:s31+$0x6470]  }
0x28: {  	v3 =	vadd.f32 $8.000000000e+00, v3;
	[tilespmem:s31+$0x6410] =	vst v1;
	v1 =	vld [tilespmem:s31+$0x6480]  }
0x29: {  	v4 =	vadd.f32 $8.000000000e+00, v4;
	[tilespmem:s31+$0x6420] =	vst v2;
	v2 =	vld [tilespmem:s31+$0x6490]  }
0x2a: {  	v5 =	vadd.f32 $8.000000000e+00, v5;
	[tilespmem:s31+$0x6430] =	vst v3;
	v3 =	vld [tilespmem:s31+$0x64A0]  }
0x2b: {  	v6 =	vadd.f32 $8.000000000e+00, v6;
	[tilespmem:s31+$0x6440] =	vst v4;
	v4 =	vld [tilespmem:s31+$0x64B0]  }
0x2c: {  	[tilespmem:s31+$0x6450] =	vst v5;
	v5 =	vld [tilespmem:s31+$0x64C0];
	v0 =	vadd.f32 $8.000000000e+00, v0  }
0x2d: {  	[tilespmem:s31+$0x6460] =	vst v6;
	v6 =	vld [tilespmem:s31+$0x64D0];
	v1 =	vadd.f32 $8.000000000e+00, v1  }
0x2e: {  	v2 =	vadd.f32 $8.000000000e+00, v2;
	[tilespmem:s31+$0x6470] =	vst v0;
	v0 =	vld [tilespmem:s31+$0x64E0]  }
0x2f: {  	v3 =	vadd.f32 $8.000000000e+00, v3;
	[tilespmem:s31+$0x6480] =	vst v1;
	v1 =	vld [tilespmem:s31+$0x64F0]  }
0x30: {  	v4 =	vadd.f32 $8.000000000e+00, v4;
	[tilespmem:s31+$0x6490] =	vst v2;
	v2 =	vld [tilespmem:s31+$0x6500]  }
0x31: {  	v5 =	vadd.f32 $8.000000000e+00, v5;
	[tilespmem:s31+$0x64A0] =	vst v3;
	v3 =	vld [tilespmem:s31+$0x6510]  }
0x32: {  	v6 =	vadd.f32 $8.000000000e+00, v6;
	[tilespmem:s31+$0x64B0] =	vst v4;
	v4 =	vld [tilespmem:s31+$0x6520]  }
0x33: {  	[tilespmem:s31+$0x64C0] =	vst v5;
	v5 =	vld [tilespmem:s31+$0x6530];
	v0 =	vadd.f32 $8.000000000e+00, v0  }
0x34: {  	[tilespmem:s31+$0x64D0] =	vst v6;
	v6 =	vld [tilespmem:s31+$0x6540]  }
0x35: {  	v1 =	vadd.f32 $8.000000000e+00, v1;
	[tilespmem:s31+$0x64E0] =	vst v0;
	v0 =	vld [tilespmem:s31+$0x6550]  }
0x36: {  	v2 =	vadd.f32 $8.000000000e+00, v2  }
0x37: {  	[tilespmem:s31+$0x64F0] =	vst v1;
	v1 =	vadd.f32 $8.000000000e+00, v3;
	v3 =	vld [tilespmem:s31+$0x6570]  }
0x38: {  	v7 =	vld [tilespmem:s31+$0x6560];
	[tilespmem:s31+$0x6500] =	vst v2;
	v2 =	vadd.f32 $8.000000000e+00, v4  }
0x39: {  	v4 =	vld [tilespmem:s31+$0x6580];
	[tilespmem:s31+$0x6510] =	vst v1;
	v1 =	vadd.f32 $8.000000000e+00, v5  }
0x3a: {  	[tilespmem:s31+$0x6520] =	vst v2;
	v5 =	vld [tilespmem:s31+$0x6590];
	v2 =	vadd.f32 $8.000000000e+00, v6;
	v6 =	vadd.f32 $8.000000000e+00, v0  }
0x3b: {  	[tilespmem:s31+$0x6530] =	vst v1;
	v1 =	vld [tilespmem:s31+$0x65A0]  }
0x3c: {  	v0 =	vld [tilespmem:s31+$0x65B0];
	[tilespmem:s31+$0x6550] =	vst v6;
	v6 =	vadd.f32 $8.000000000e+00, v3  }
0x3d: {  	v7 =	vadd.f32 $8.000000000e+00, v7;
	[tilespmem:s31+$0x6540] =	vst v2;
	v2 =	vld [tilespmem:s31+$0x65C0]  }
0x3e: {  	v3 =	vld [tilespmem:s31+$0x65D0];
	[tilespmem:s31+$0x6570] =	vst v6;
	v6 =	vadd.f32 $8.000000000e+00, v4  }
0x3f: {  	s1 =	simm.s32 $0x800;
	[tilespmem:s31+$0x6560] =	vst v7;
	v5 =	vadd.f32 $8.000000000e+00, v5;
	v4 =	vld [tilespmem:s31+$0x65E0]  }
.LBB2_3:
0x40: {  	s0 =	sshra.s32 s1, $0x2;
	p1 =	sne.s32 s1, $0xF800;
	[tilespmem:s31+$0x6580] =	vst v6;
	v1 =	vadd.f32 $8.000000000e+00, v1;
	v6 =	vld [tilespmem:s31+$0x65F0]  }
0x41: {  	v7 =	vld [tilespmem:s0+$0x6400];
	[tilespmem:s31+$0x6590] =	vst v5;
	v0 =	vadd.f32 $8.000000000e+00, v0  }
0x42: {  	v5 =	vld [tilespmem:s0+$0x6410];
	[tilespmem:s31+$0x65A0] =	vst v1;
	v1 =	vadd.f32 $8.000000000e+00, v2  }
0x43: {  	v2 =	vld [tilespmem:s0+$0x6420];
	[tilespmem:s31+$0x65B0] =	vst v0;
	v0 =	vadd.f32 $8.000000000e+00, v3  }
0x44: {  	v3 =	vld [tilespmem:s0+$0x6430];
	[tilespmem:s31+$0x65C0] =	vst v1;
	v1 =	vadd.f32 $8.000000000e+00, v4  }
0x45: {  	v4 =	vld [tilespmem:s0+$0x6440];
	[tilespmem:s31+$0x65D0] =	vst v0;
	v0 =	vadd.f32 $8.000000000e+00, v6  }
0x46: {  	v6 =	vadd.f32 $8.000000000e+00, v7;
	v7 =	vld [tilespmem:s0+$0x6450];
	[tilespmem:s31+$0x65E0] =	vst v1  }
0x47: {  	v1 =	vadd.f32 $8.000000000e+00, v5;
	v5 =	vld [tilespmem:s0+$0x6460];
	[tilespmem:s31+$0x65F0] =	vst v0;
	s31 =	smov.u32 s0  }
0x48: {  	[tilespmem:s31+$0x6400] =	vst v6;
	v0 =	vadd.f32 $8.000000000e+00, v2;
	v2 =	vld [tilespmem:s31+$0x6470]  }
0x49: {  	[tilespmem:s31+$0x6410] =	vst v1;
	v1 =	vadd.f32 $8.000000000e+00, v3;
	v3 =	vld [tilespmem:s31+$0x6480]  }
0x4a: {  	[tilespmem:s31+$0x6420] =	vst v0;
	v0 =	vadd.f32 $8.000000000e+00, v4;
	v4 =	vld [tilespmem:s31+$0x6490]  }
0x4b: {  	[tilespmem:s31+$0x6430] =	vst v1;
	v1 =	vadd.f32 $8.000000000e+00, v7;
	v6 =	vld [tilespmem:s31+$0x64A0]  }
0x4c: {  	[tilespmem:s31+$0x6440] =	vst v0;
	v0 =	vadd.f32 $8.000000000e+00, v5;
	v5 =	vld [tilespmem:s31+$0x64B0]  }
0x4d: {  	[tilespmem:s31+$0x6450] =	vst v1;
	v1 =	vadd.f32 $8.000000000e+00, v2;
	v2 =	vld [tilespmem:s31+$0x64C0]  }
0x4e: {  	[tilespmem:s31+$0x6460] =	vst v0;
	v0 =	vadd.f32 $8.000000000e+00, v3;
	v3 =	vld [tilespmem:s31+$0x64D0]  }
0x4f: {  	[tilespmem:s31+$0x6470] =	vst v1;
	v1 =	vadd.f32 $8.000000000e+00, v4;
	v4 =	vld [tilespmem:s31+$0x64E0]  }
0x50: {  	[tilespmem:s31+$0x6480] =	vst v0;
	v0 =	vadd.f32 $8.000000000e+00, v6;
	v6 =	vld [tilespmem:s31+$0x64F0]  }
0x51: {  	[tilespmem:s31+$0x6490] =	vst v1;
	v1 =	vadd.f32 $8.000000000e+00, v5;
	v5 =	vld [tilespmem:s31+$0x6500]  }
0x52: {  	[tilespmem:s31+$0x64A0] =	vst v0;
	v0 =	vadd.f32 $8.000000000e+00, v2;
	v2 =	vld [tilespmem:s31+$0x6510]  }
0x53: {  	[tilespmem:s31+$0x64B0] =	vst v1;
	v1 =	vadd.f32 $8.000000000e+00, v3;
	v3 =	vld [tilespmem:s31+$0x6520]  }
0x54: {  	[tilespmem:s31+$0x64C0] =	vst v0;
	v0 =	vadd.f32 $8.000000000e+00, v4;
	v4 =	vld [tilespmem:s31+$0x6530]  }
0x55: {  	[tilespmem:s31+$0x64D0] =	vst v1;
	v1 =	vadd.f32 $8.000000000e+00, v6;
	v6 =	vld [tilespmem:s31+$0x6540]  }
0x56: {  	[tilespmem:s31+$0x64E0] =	vst v0;
	v0 =	vadd.f32 $8.000000000e+00, v5;
	v5 =	vld [tilespmem:s31+$0x6550]  }
0x57: {  	[tilespmem:s31+$0x64F0] =	vst v1;
	v1 =	vadd.f32 $8.000000000e+00, v2;
	v2 =	vld [tilespmem:s31+$0x6560]  }
0x58: {  	[tilespmem:s31+$0x6500] =	vst v0;
	v0 =	vadd.f32 $8.000000000e+00, v3;
	v3 =	vld [tilespmem:s31+$0x6570]  }
0x59: {  	[tilespmem:s31+$0x6510] =	vst v1;
	v1 =	vadd.f32 $8.000000000e+00, v4;
	v4 =	vld [tilespmem:s31+$0x6580]  }
0x5a: {  	[tilespmem:s31+$0x6520] =	vst v0;
	v0 =	vadd.f32 $8.000000000e+00, v6;
	v7 =	vld [tilespmem:s31+$0x6590]  }
.Ltmp0:
0x5b: {  	[tilespmem:s31+$0x6530] =	vst v1;
	v5 =	vadd.f32 $8.000000000e+00, v5;
	v1 =	vld [tilespmem:s31+$0x65A0];
	(pc) =	sbr.rel @p1 .LBB2_3-.Ltmp0, $4  }
0x5c: {  	[tilespmem:s31+$0x6540] =	vst v0;
	v6 =	vadd.f32 $8.000000000e+00, v2;
	v0 =	vld [tilespmem:s31+$0x65B0]  }
0x5d: {  	[tilespmem:s31+$0x6550] =	vst v5;
	v5 =	vadd.f32 $8.000000000e+00, v3;
	v2 =	vld [tilespmem:s31+$0x65C0]  }
0x5e: {  	[tilespmem:s31+$0x6560] =	vst v6;
	v6 =	vadd.f32 $8.000000000e+00, v4;
	v3 =	vld [tilespmem:s31+$0x65D0]  }
0x5f: {  	s1 =	sadd.s32 $0x800, s1;
	[tilespmem:s31+$0x6570] =	vst v5;
	v5 =	vadd.f32 $8.000000000e+00, v7;
	v4 =	vld [tilespmem:s31+$0x65E0]  }
0x60: {  	[tilespmem:s31+$0x6580] =	vst v6;
	v1 =	vadd.f32 $8.000000000e+00, v1;
	v6 =	vld [tilespmem:s31+$0x65F0]  }
0x61: {  	[tilespmem:s31+$0x6590] =	vst v5;
	v0 =	vadd.f32 $8.000000000e+00, v0  }
0x62: {  	[tilespmem:s31+$0x65A0] =	vst v1;
	v1 =	vadd.f32 $8.000000000e+00, v2  }
0x63: {  	[tilespmem:s31+$0x65B0] =	vst v0;
	v0 =	vadd.f32 $8.000000000e+00, v3  }
0x64: {  	s0 =	sshll.u32 s28, $0x10;
	[tilespmem:s31+$0x65C0] =	vst v1;
	v1 =	vadd.f32 $8.000000000e+00, v4  }
0x65: {  	s0 =	sadd.s32 s6, s0;
	[tilespmem:s31+$0x65D0] =	vst v0;
	v0 =	vadd.f32 $8.000000000e+00, v6  }
0x66: {  	s0 =	sshrl.u32 s0, $0x3;
	[tilespmem:s31+$0x65E0] =	vst v1  }
0x67: {  	s0 =	sadd.s32 s2, s0;
	[tilespmem:s31+$0x65F0] =	vst v0  }
0x68: {  	[hbm4b:s0+s3] =	stream.linear.scatter [tilespmem:s10], [sflag:$0x5], $0x4000, $0x38;
	[tilespmem:$0x16400] =	vst v63  }
0x69: {  	s0 =	simm.s32 @!p0 $0x7  }
0x6a: {  	s31 =	sor.u32 $0x2, s29;
	_ =	swait.ge @!p0 [sflag:s0], $0x4000  }
0x6b: {  	s1 =	sshll.u32 s31, $0x8;
	[sflag:s0] =	ssyncset.done @!p0 $0x0  }
0x6c: {  	s11 =	sand.u32 $0x3FFFFF00, s1;
	[sflag:s0] =	ssyncadd.s32 @!p0 $0xFFFFC000  }
0x6d: {  	[tilespmem:s15], [sflag:$0x3] =	stream.indirect.gather [hbm4b:s4+s9], $0x40, s11, s9, $0xb8;
	[tilespmem:$0x16400] =	vst v63  }
0x6e: {  	s0 =	sor.u32 $0x80, s11  }
0x6f: {  	[tilespmem:s16], [sflag:$0x3] =	stream.indirect.gather [hbm4b:s4+s9], $0x40, s0, s9, $0xb8;
	[tilespmem:$0x16400] =	vst v63  }
0x70: {  	_ =	swait.ge [sflag:s17], $0x4000  }
0x71: {  	[sflag:s17] =	ssyncset.done $0x0  }
0x72: {  	s1 =	simm.s32 $0x0;
	[sflag:s17] =	ssyncadd.s32 $0xFFFFC000  }
0x73: {  	v0 =	vld [tilespmem:s1+$0xA400]  }
0x74: {  	v1 =	vld [tilespmem:s1+$0xA410]  }
0x75: {  	v2 =	vld [tilespmem:s1+$0xA420]  }
0x76: {  	v3 =	vld [tilespmem:s1+$0xA430]  }
0x77: {  	v4 =	vld [tilespmem:s1+$0xA440]  }
0x78: {  	v5 =	vld [tilespmem:s1+$0xA450];
	v0 =	vadd.f32 $8.000000000e+00, v0  }
0x79: {  	v6 =	vld [tilespmem:s1+$0xA460];
	v1 =	vadd.f32 $8.000000000e+00, v1  }
0x7a: {  	v2 =	vadd.f32 $8.000000000e+00, v2;
	[tilespmem:s1+$0xA400] =	vst v0;
	v0 =	vld [tilespmem:s1+$0xA470]  }
0x7b: {  	v3 =	vadd.f32 $8.000000000e+00, v3;
	[tilespmem:s1+$0xA410] =	vst v1;
	v1 =	vld [tilespmem:s1+$0xA480]  }
0x7c: {  	v4 =	vadd.f32 $8.000000000e+00, v4;
	[tilespmem:s1+$0xA420] =	vst v2;
	v2 =	vld [tilespmem:s1+$0xA490]  }
0x7d: {  	v5 =	vadd.f32 $8.000000000e+00, v5;
	[tilespmem:s1+$0xA430] =	vst v3;
	v3 =	vld [tilespmem:s1+$0xA4A0]  }
0x7e: {  	v6 =	vadd.f32 $8.000000000e+00, v6;
	[tilespmem:s1+$0xA440] =	vst v4;
	v4 =	vld [tilespmem:s1+$0xA4B0]  }
0x7f: {  	[tilespmem:s1+$0xA450] =	vst v5;
	v5 =	vld [tilespmem:s1+$0xA4C0];
	v0 =	vadd.f32 $8.000000000e+00, v0  }
0x80: {  	[tilespmem:s1+$0xA460] =	vst v6;
	v6 =	vld [tilespmem:s1+$0xA4D0];
	v1 =	vadd.f32 $8.000000000e+00, v1  }
0x81: {  	v2 =	vadd.f32 $8.000000000e+00, v2;
	[tilespmem:s1+$0xA470] =	vst v0;
	v0 =	vld [tilespmem:s1+$0xA4E0]  }
0x82: {  	v3 =	vadd.f32 $8.000000000e+00, v3;
	[tilespmem:s1+$0xA480] =	vst v1;
	v1 =	vld [tilespmem:s1+$0xA4F0]  }
0x83: {  	v4 =	vadd.f32 $8.000000000e+00, v4;
	[tilespmem:s1+$0xA490] =	vst v2;
	v2 =	vld [tilespmem:s1+$0xA500]  }
0x84: {  	v5 =	vadd.f32 $8.000000000e+00, v5;
	[tilespmem:s1+$0xA4A0] =	vst v3;
	v3 =	vld [tilespmem:s1+$0xA510]  }
0x85: {  	v6 =	vadd.f32 $8.000000000e+00, v6;
	[tilespmem:s1+$0xA4B0] =	vst v4;
	v4 =	vld [tilespmem:s1+$0xA520]  }
0x86: {  	[tilespmem:s1+$0xA4C0] =	vst v5;
	v5 =	vld [tilespmem:s1+$0xA530];
	v0 =	vadd.f32 $8.000000000e+00, v0  }
0x87: {  	[tilespmem:s1+$0xA4D0] =	vst v6;
	v6 =	vld [tilespmem:s1+$0xA540]  }
0x88: {  	v1 =	vadd.f32 $8.000000000e+00, v1;
	[tilespmem:s1+$0xA4E0] =	vst v0;
	v0 =	vld [tilespmem:s1+$0xA550]  }
0x89: {  	v2 =	vadd.f32 $8.000000000e+00, v2  }
0x8a: {  	[tilespmem:s1+$0xA4F0] =	vst v1;
	v1 =	vadd.f32 $8.000000000e+00, v3;
	v3 =	vld [tilespmem:s1+$0xA570]  }
0x8b: {  	v7 =	vld [tilespmem:s1+$0xA560];
	[tilespmem:s1+$0xA500] =	vst v2;
	v2 =	vadd.f32 $8.000000000e+00, v4  }
0x8c: {  	v4 =	vld [tilespmem:s1+$0xA580];
	[tilespmem:s1+$0xA510] =	vst v1;
	v1 =	vadd.f32 $8.000000000e+00, v5  }
0x8d: {  	[tilespmem:s1+$0xA520] =	vst v2;
	v5 =	vld [tilespmem:s1+$0xA590];
	v2 =	vadd.f32 $8.000000000e+00, v6;
	v6 =	vadd.f32 $8.000000000e+00, v0  }
0x8e: {  	[tilespmem:s1+$0xA530] =	vst v1;
	v1 =	vld [tilespmem:s1+$0xA5A0]  }
0x8f: {  	v0 =	vld [tilespmem:s1+$0xA5B0];
	[tilespmem:s1+$0xA550] =	vst v6;
	v6 =	vadd.f32 $8.000000000e+00, v3  }
0x90: {  	v7 =	vadd.f32 $8.000000000e+00, v7;
	[tilespmem:s1+$0xA540] =	vst v2;
	v2 =	vld [tilespmem:s1+$0xA5C0]  }
0x91: {  	v3 =	vld [tilespmem:s1+$0xA5D0];
	[tilespmem:s1+$0xA570] =	vst v6;
	v6 =	vadd.f32 $8.000000000e+00, v4  }
0x92: {  	s0 =	simm.s32 $0x800;
	[tilespmem:s1+$0xA560] =	vst v7;
	v5 =	vadd.f32 $8.000000000e+00, v5;
	v4 =	vld [tilespmem:s1+$0xA5E0]  }
.LBB2_5:
0x93: {  	s11 =	sshra.s32 s0, $0x2;
	p1 =	sne.s32 s0, $0xF800;
	[tilespmem:s1+$0xA580] =	vst v6;
	v1 =	vadd.f32 $8.000000000e+00, v1;
	v6 =	vld [tilespmem:s1+$0xA5F0]  }
0x94: {  	v7 =	vld [tilespmem:s11+$0xA400];
	[tilespmem:s1+$0xA590] =	vst v5;
	v0 =	vadd.f32 $8.000000000e+00, v0  }
0x95: {  	v5 =	vld [tilespmem:s11+$0xA410];
	[tilespmem:s1+$0xA5A0] =	vst v1;
	v1 =	vadd.f32 $8.000000000e+00, v2  }
0x96: {  	v2 =	vld [tilespmem:s11+$0xA420];
	[tilespmem:s1+$0xA5B0] =	vst v0;
	v0 =	vadd.f32 $8.000000000e+00, v3  }
0x97: {  	v3 =	vld [tilespmem:s11+$0xA430];
	[tilespmem:s1+$0xA5C0] =	vst v1;
	v1 =	vadd.f32 $8.000000000e+00, v4  }
0x98: {  	v4 =	vld [tilespmem:s11+$0xA440];
	[tilespmem:s1+$0xA5D0] =	vst v0;
	v0 =	vadd.f32 $8.000000000e+00, v6  }
0x99: {  	v6 =	vadd.f32 $8.000000000e+00, v7;
	v7 =	vld [tilespmem:s11+$0xA450];
	[tilespmem:s1+$0xA5E0] =	vst v1  }
0x9a: {  	v1 =	vadd.f32 $8.000000000e+00, v5;
	v5 =	vld [tilespmem:s11+$0xA460];
	[tilespmem:s1+$0xA5F0] =	vst v0;
	s1 =	smov.u32 s11  }
0x9b: {  	[tilespmem:s1+$0xA400] =	vst v6;
	v0 =	vadd.f32 $8.000000000e+00, v2;
	v2 =	vld [tilespmem:s1+$0xA470]  }
0x9c: {  	[tilespmem:s1+$0xA410] =	vst v1;
	v1 =	vadd.f32 $8.000000000e+00, v3;
	v3 =	vld [tilespmem:s1+$0xA480]  }
0x9d: {  	[tilespmem:s1+$0xA420] =	vst v0;
	v0 =	vadd.f32 $8.000000000e+00, v4;
	v4 =	vld [tilespmem:s1+$0xA490]  }
0x9e: {  	[tilespmem:s1+$0xA430] =	vst v1;
	v1 =	vadd.f32 $8.000000000e+00, v7;
	v6 =	vld [tilespmem:s1+$0xA4A0]  }
0x9f: {  	[tilespmem:s1+$0xA440] =	vst v0;
	v0 =	vadd.f32 $8.000000000e+00, v5;
	v5 =	vld [tilespmem:s1+$0xA4B0]  }
0xa0: {  	[tilespmem:s1+$0xA450] =	vst v1;
	v1 =	vadd.f32 $8.000000000e+00, v2;
	v2 =	vld [tilespmem:s1+$0xA4C0]  }
0xa1: {  	[tilespmem:s1+$0xA460] =	vst v0;
	v0 =	vadd.f32 $8.000000000e+00, v3;
	v3 =	vld [tilespmem:s1+$0xA4D0]  }
0xa2: {  	[tilespmem:s1+$0xA470] =	vst v1;
	v1 =	vadd.f32 $8.000000000e+00, v4;
	v4 =	vld [tilespmem:s1+$0xA4E0]  }
0xa3: {  	[tilespmem:s1+$0xA480] =	vst v0;
	v0 =	vadd.f32 $8.000000000e+00, v6;
	v6 =	vld [tilespmem:s1+$0xA4F0]  }
0xa4: {  	[tilespmem:s1+$0xA490] =	vst v1;
	v1 =	vadd.f32 $8.000000000e+00, v5;
	v5 =	vld [tilespmem:s1+$0xA500]  }
0xa5: {  	[tilespmem:s1+$0xA4A0] =	vst v0;
	v0 =	vadd.f32 $8.000000000e+00, v2;
	v2 =	vld [tilespmem:s1+$0xA510]  }
0xa6: {  	[tilespmem:s1+$0xA4B0] =	vst v1;
	v1 =	vadd.f32 $8.000000000e+00, v3;
	v3 =	vld [tilespmem:s1+$0xA520]  }
0xa7: {  	[tilespmem:s1+$0xA4C0] =	vst v0;
	v0 =	vadd.f32 $8.000000000e+00, v4;
	v4 =	vld [tilespmem:s1+$0xA530]  }
0xa8: {  	[tilespmem:s1+$0xA4D0] =	vst v1;
	v1 =	vadd.f32 $8.000000000e+00, v6;
	v6 =	vld [tilespmem:s1+$0xA540]  }
0xa9: {  	[tilespmem:s1+$0xA4E0] =	vst v0;
	v0 =	vadd.f32 $8.000000000e+00, v5;
	v5 =	vld [tilespmem:s1+$0xA550]  }
0xaa: {  	[tilespmem:s1+$0xA4F0] =	vst v1;
	v1 =	vadd.f32 $8.000000000e+00, v2;
	v2 =	vld [tilespmem:s1+$0xA560]  }
0xab: {  	[tilespmem:s1+$0xA500] =	vst v0;
	v0 =	vadd.f32 $8.000000000e+00, v3;
	v3 =	vld [tilespmem:s1+$0xA570]  }
0xac: {  	[tilespmem:s1+$0xA510] =	vst v1;
	v1 =	vadd.f32 $8.000000000e+00, v4;
	v4 =	vld [tilespmem:s1+$0xA580]  }
0xad: {  	[tilespmem:s1+$0xA520] =	vst v0;
	v0 =	vadd.f32 $8.000000000e+00, v6;
	v7 =	vld [tilespmem:s1+$0xA590]  }
.Ltmp1:
0xae: {  	[tilespmem:s1+$0xA530] =	vst v1;
	v5 =	vadd.f32 $8.000000000e+00, v5;
	v1 =	vld [tilespmem:s1+$0xA5A0];
	(pc) =	sbr.rel @p1 .LBB2_5-.Ltmp1, $4  }
0xaf: {  	[tilespmem:s1+$0xA540] =	vst v0;
	v6 =	vadd.f32 $8.000000000e+00, v2;
	v0 =	vld [tilespmem:s1+$0xA5B0]  }
0xb0: {  	[tilespmem:s1+$0xA550] =	vst v5;
	v5 =	vadd.f32 $8.000000000e+00, v3;
	v2 =	vld [tilespmem:s1+$0xA5C0]  }
0xb1: {  	[tilespmem:s1+$0xA560] =	vst v6;
	v6 =	vadd.f32 $8.000000000e+00, v4;
	v3 =	vld [tilespmem:s1+$0xA5D0]  }
0xb2: {  	s0 =	sadd.s32 $0x800, s0;
	[tilespmem:s1+$0xA570] =	vst v5;
	v5 =	vadd.f32 $8.000000000e+00, v7;
	v4 =	vld [tilespmem:s1+$0xA5E0]  }
0xb3: {  	[tilespmem:s1+$0xA580] =	vst v6;
	v1 =	vadd.f32 $8.000000000e+00, v1;
	v6 =	vld [tilespmem:s1+$0xA5F0]  }
0xb4: {  	[tilespmem:s1+$0xA590] =	vst v5;
	v0 =	vadd.f32 $8.000000000e+00, v0  }
0xb5: {  	[tilespmem:s1+$0xA5A0] =	vst v1;
	v1 =	vadd.f32 $8.000000000e+00, v2  }
0xb6: {  	[tilespmem:s1+$0xA5B0] =	vst v0;
	v0 =	vadd.f32 $8.000000000e+00, v3  }
0xb7: {  	s0 =	sshll.u32 s30, $0xE;
	[tilespmem:s1+$0xA5C0] =	vst v1;
	v1 =	vadd.f32 $8.000000000e+00, v4  }
0xb8: {  	s0 =	sadd.s32 s6, s0;
	[tilespmem:s1+$0xA5D0] =	vst v0;
	v0 =	vadd.f32 $8.000000000e+00, v6  }
0xb9: {  	s0 =	sshrl.u32 s0, $0x3;
	[tilespmem:s1+$0xA5E0] =	vst v1  }
0xba: {  	s0 =	sadd.s32 s2, s0;
	[tilespmem:s1+$0xA5F0] =	vst v0  }
0xbb: {  	[hbm4b:s0+s3] =	stream.linear.scatter [tilespmem:s12], [sflag:$0x6], $0x4000, $0x38;
	[tilespmem:$0x16400] =	vst v63  }
0xbc: {  	s0 =	simm.s32 @!p0 $0x8  }
0xbd: {  	s29 =	sor.u32 $0x3, s29;
	_ =	swait.ge @!p0 [sflag:s0], $0x4000  }
0xbe: {  	s11 =	sshll.u32 s29, $0x8;
	[sflag:s0] =	ssyncset.done @!p0 $0x0  }
0xbf: {  	s30 =	sand.u32 $0x3FFFFF00, s11;
	[sflag:s0] =	ssyncadd.s32 @!p0 $0xFFFFC000  }
0xc0: {  	[tilespmem:s18], [sflag:$0x4] =	stream.indirect.gather [hbm4b:s4+s9], $0x40, s30, s9, $0xb8;
	[tilespmem:$0x16400] =	vst v63  }
0xc1: {  	s0 =	sor.u32 $0x80, s30  }
0xc2: {  	[tilespmem:s19], [sflag:$0x4] =	stream.indirect.gather [hbm4b:s4+s9], $0x40, s0, s9, $0xb8;
	[tilespmem:$0x16400] =	vst v63  }
0xc3: {  	_ =	swait.ge [sflag:s20], $0x4000  }
0xc4: {  	[sflag:s20] =	ssyncset.done $0x0  }
0xc5: {  	s1 =	simm.s32 $0x0;
	[sflag:s20] =	ssyncadd.s32 $0xFFFFC000  }
0xc6: {  	v0 =	vld [tilespmem:s1+$0xE400]  }
0xc7: {  	v1 =	vld [tilespmem:s1+$0xE410]  }
0xc8: {  	v2 =	vld [tilespmem:s1+$0xE420]  }
0xc9: {  	v3 =	vld [tilespmem:s1+$0xE430]  }
0xca: {  	v4 =	vld [tilespmem:s1+$0xE440]  }
0xcb: {  	v5 =	vld [tilespmem:s1+$0xE450];
	v0 =	vadd.f32 $8.000000000e+00, v0  }
0xcc: {  	v6 =	vld [tilespmem:s1+$0xE460];
	v1 =	vadd.f32 $8.000000000e+00, v1  }
0xcd: {  	v2 =	vadd.f32 $8.000000000e+00, v2;
	[tilespmem:s1+$0xE400] =	vst v0;
	v0 =	vld [tilespmem:s1+$0xE470]  }
0xce: {  	v3 =	vadd.f32 $8.000000000e+00, v3;
	[tilespmem:s1+$0xE410] =	vst v1;
	v1 =	vld [tilespmem:s1+$0xE480]  }
0xcf: {  	v4 =	vadd.f32 $8.000000000e+00, v4;
	[tilespmem:s1+$0xE420] =	vst v2;
	v2 =	vld [tilespmem:s1+$0xE490]  }
0xd0: {  	v5 =	vadd.f32 $8.000000000e+00, v5;
	[tilespmem:s1+$0xE430] =	vst v3;
	v3 =	vld [tilespmem:s1+$0xE4A0]  }
0xd1: {  	v6 =	vadd.f32 $8.000000000e+00, v6;
	[tilespmem:s1+$0xE440] =	vst v4;
	v4 =	vld [tilespmem:s1+$0xE4B0]  }
0xd2: {  	[tilespmem:s1+$0xE450] =	vst v5;
	v5 =	vld [tilespmem:s1+$0xE4C0];
	v0 =	vadd.f32 $8.000000000e+00, v0  }
0xd3: {  	[tilespmem:s1+$0xE460] =	vst v6;
	v6 =	vld [tilespmem:s1+$0xE4D0];
	v1 =	vadd.f32 $8.000000000e+00, v1  }
0xd4: {  	v2 =	vadd.f32 $8.000000000e+00, v2;
	[tilespmem:s1+$0xE470] =	vst v0;
	v0 =	vld [tilespmem:s1+$0xE4E0]  }
0xd5: {  	v3 =	vadd.f32 $8.000000000e+00, v3;
	[tilespmem:s1+$0xE480] =	vst v1;
	v1 =	vld [tilespmem:s1+$0xE4F0]  }
0xd6: {  	v4 =	vadd.f32 $8.000000000e+00, v4;
	[tilespmem:s1+$0xE490] =	vst v2;
	v2 =	vld [tilespmem:s1+$0xE500]  }
0xd7: {  	v5 =	vadd.f32 $8.000000000e+00, v5;
	[tilespmem:s1+$0xE4A0] =	vst v3;
	v3 =	vld [tilespmem:s1+$0xE510]  }
0xd8: {  	v6 =	vadd.f32 $8.000000000e+00, v6;
	[tilespmem:s1+$0xE4B0] =	vst v4;
	v4 =	vld [tilespmem:s1+$0xE520]  }
0xd9: {  	[tilespmem:s1+$0xE4C0] =	vst v5;
	v5 =	vld [tilespmem:s1+$0xE530];
	v0 =	vadd.f32 $8.000000000e+00, v0  }
0xda: {  	[tilespmem:s1+$0xE4D0] =	vst v6;
	v6 =	vld [tilespmem:s1+$0xE540]  }
0xdb: {  	v1 =	vadd.f32 $8.000000000e+00, v1;
	[tilespmem:s1+$0xE4E0] =	vst v0;
	v0 =	vld [tilespmem:s1+$0xE550]  }
0xdc: {  	v2 =	vadd.f32 $8.000000000e+00, v2  }
0xdd: {  	[tilespmem:s1+$0xE4F0] =	vst v1;
	v1 =	vadd.f32 $8.000000000e+00, v3;
	v3 =	vld [tilespmem:s1+$0xE570]  }
0xde: {  	v7 =	vld [tilespmem:s1+$0xE560];
	[tilespmem:s1+$0xE500] =	vst v2;
	v2 =	vadd.f32 $8.000000000e+00, v4  }
0xdf: {  	v4 =	vld [tilespmem:s1+$0xE580];
	[tilespmem:s1+$0xE510] =	vst v1;
	v1 =	vadd.f32 $8.000000000e+00, v5  }
0xe0: {  	[tilespmem:s1+$0xE520] =	vst v2;
	v5 =	vld [tilespmem:s1+$0xE590];
	v2 =	vadd.f32 $8.000000000e+00, v6;
	v6 =	vadd.f32 $8.000000000e+00, v0  }
0xe1: {  	[tilespmem:s1+$0xE530] =	vst v1;
	v1 =	vld [tilespmem:s1+$0xE5A0]  }
0xe2: {  	v0 =	vld [tilespmem:s1+$0xE5B0];
	[tilespmem:s1+$0xE550] =	vst v6;
	v6 =	vadd.f32 $8.000000000e+00, v3  }
0xe3: {  	v7 =	vadd.f32 $8.000000000e+00, v7;
	[tilespmem:s1+$0xE540] =	vst v2;
	v2 =	vld [tilespmem:s1+$0xE5C0]  }
0xe4: {  	v3 =	vld [tilespmem:s1+$0xE5D0];
	[tilespmem:s1+$0xE570] =	vst v6;
	v6 =	vadd.f32 $8.000000000e+00, v4  }
0xe5: {  	s0 =	simm.s32 $0x800;
	[tilespmem:s1+$0xE560] =	vst v7;
	v5 =	vadd.f32 $8.000000000e+00, v5;
	v4 =	vld [tilespmem:s1+$0xE5E0]  }
.LBB2_7:
0xe6: {  	s11 =	sshra.s32 s0, $0x2;
	p0 =	sne.s32 s0, $0xF800;
	[tilespmem:s1+$0xE580] =	vst v6;
	v1 =	vadd.f32 $8.000000000e+00, v1;
	v6 =	vld [tilespmem:s1+$0xE5F0]  }
0xe7: {  	v7 =	vld [tilespmem:s11+$0xE400];
	[tilespmem:s1+$0xE590] =	vst v5;
	v0 =	vadd.f32 $8.000000000e+00, v0  }
0xe8: {  	v5 =	vld [tilespmem:s11+$0xE410];
	[tilespmem:s1+$0xE5A0] =	vst v1;
	v1 =	vadd.f32 $8.000000000e+00, v2  }
0xe9: {  	v2 =	vld [tilespmem:s11+$0xE420];
	[tilespmem:s1+$0xE5B0] =	vst v0;
	v0 =	vadd.f32 $8.000000000e+00, v3  }
0xea: {  	v3 =	vld [tilespmem:s11+$0xE430];
	[tilespmem:s1+$0xE5C0] =	vst v1;
	v1 =	vadd.f32 $8.000000000e+00, v4  }
0xeb: {  	v4 =	vld [tilespmem:s11+$0xE440];
	[tilespmem:s1+$0xE5D0] =	vst v0;
	v0 =	vadd.f32 $8.000000000e+00, v6  }
0xec: {  	v6 =	vadd.f32 $8.000000000e+00, v7;
	v7 =	vld [tilespmem:s11+$0xE450];
	[tilespmem:s1+$0xE5E0] =	vst v1  }
0xed: {  	v1 =	vadd.f32 $8.000000000e+00, v5;
	v5 =	vld [tilespmem:s11+$0xE460];
	[tilespmem:s1+$0xE5F0] =	vst v0;
	s1 =	smov.u32 s11  }
0xee: {  	[tilespmem:s1+$0xE400] =	vst v6;
	v0 =	vadd.f32 $8.000000000e+00, v2;
	v2 =	vld [tilespmem:s1+$0xE470]  }
0xef: {  	[tilespmem:s1+$0xE410] =	vst v1;
	v1 =	vadd.f32 $8.000000000e+00, v3;
	v3 =	vld [tilespmem:s1+$0xE480]  }
0xf0: {  	[tilespmem:s1+$0xE420] =	vst v0;
	v0 =	vadd.f32 $8.000000000e+00, v4;
	v4 =	vld [tilespmem:s1+$0xE490]  }
0xf1: {  	[tilespmem:s1+$0xE430] =	vst v1;
	v1 =	vadd.f32 $8.000000000e+00, v7;
	v6 =	vld [tilespmem:s1+$0xE4A0]  }
0xf2: {  	[tilespmem:s1+$0xE440] =	vst v0;
	v0 =	vadd.f32 $8.000000000e+00, v5;
	v5 =	vld [tilespmem:s1+$0xE4B0]  }
0xf3: {  	[tilespmem:s1+$0xE450] =	vst v1;
	v1 =	vadd.f32 $8.000000000e+00, v2;
	v2 =	vld [tilespmem:s1+$0xE4C0]  }
0xf4: {  	[tilespmem:s1+$0xE460] =	vst v0;
	v0 =	vadd.f32 $8.000000000e+00, v3;
	v3 =	vld [tilespmem:s1+$0xE4D0]  }
0xf5: {  	[tilespmem:s1+$0xE470] =	vst v1;
	v1 =	vadd.f32 $8.000000000e+00, v4;
	v4 =	vld [tilespmem:s1+$0xE4E0]  }
0xf6: {  	[tilespmem:s1+$0xE480] =	vst v0;
	v0 =	vadd.f32 $8.000000000e+00, v6;
	v6 =	vld [tilespmem:s1+$0xE4F0]  }
0xf7: {  	[tilespmem:s1+$0xE490] =	vst v1;
	v1 =	vadd.f32 $8.000000000e+00, v5;
	v5 =	vld [tilespmem:s1+$0xE500]  }
0xf8: {  	[tilespmem:s1+$0xE4A0] =	vst v0;
	v0 =	vadd.f32 $8.000000000e+00, v2;
	v2 =	vld [tilespmem:s1+$0xE510]  }
0xf9: {  	[tilespmem:s1+$0xE4B0] =	vst v1;
	v1 =	vadd.f32 $8.000000000e+00, v3;
	v3 =	vld [tilespmem:s1+$0xE520]  }
0xfa: {  	[tilespmem:s1+$0xE4C0] =	vst v0;
	v0 =	vadd.f32 $8.000000000e+00, v4;
	v4 =	vld [tilespmem:s1+$0xE530]  }
0xfb: {  	[tilespmem:s1+$0xE4D0] =	vst v1;
	v1 =	vadd.f32 $8.000000000e+00, v6;
	v6 =	vld [tilespmem:s1+$0xE540]  }
0xfc: {  	[tilespmem:s1+$0xE4E0] =	vst v0;
	v0 =	vadd.f32 $8.000000000e+00, v5;
	v5 =	vld [tilespmem:s1+$0xE550]  }
0xfd: {  	[tilespmem:s1+$0xE4F0] =	vst v1;
	v1 =	vadd.f32 $8.000000000e+00, v2;
	v2 =	vld [tilespmem:s1+$0xE560]  }
0xfe: {  	[tilespmem:s1+$0xE500] =	vst v0;
	v0 =	vadd.f32 $8.000000000e+00, v3;
	v3 =	vld [tilespmem:s1+$0xE570]  }
0xff: {  	[tilespmem:s1+$0xE510] =	vst v1;
	v1 =	vadd.f32 $8.000000000e+00, v4;
	v4 =	vld [tilespmem:s1+$0xE580]  }
0x100: {  	[tilespmem:s1+$0xE520] =	vst v0;
	v0 =	vadd.f32 $8.000000000e+00, v6;
	v7 =	vld [tilespmem:s1+$0xE590]  }
.Ltmp2:
0x101: {  	[tilespmem:s1+$0xE530] =	vst v1;
	v5 =	vadd.f32 $8.000000000e+00, v5;
	v1 =	vld [tilespmem:s1+$0xE5A0];
	(pc) =	sbr.rel @p0 .LBB2_7-.Ltmp2, $4  }
0x102: {  	[tilespmem:s1+$0xE540] =	vst v0;
	v6 =	vadd.f32 $8.000000000e+00, v2;
	v0 =	vld [tilespmem:s1+$0xE5B0]  }
0x103: {  	[tilespmem:s1+$0xE550] =	vst v5;
	v5 =	vadd.f32 $8.000000000e+00, v3;
	v2 =	vld [tilespmem:s1+$0xE5C0]  }
0x104: {  	[tilespmem:s1+$0xE560] =	vst v6;
	v6 =	vadd.f32 $8.000000000e+00, v4;
	v3 =	vld [tilespmem:s1+$0xE5D0]  }
0x105: {  	s0 =	sadd.s32 $0x800, s0;
	[tilespmem:s1+$0xE570] =	vst v5;
	v5 =	vadd.f32 $8.000000000e+00, v7;
	v4 =	vld [tilespmem:s1+$0xE5E0]  }
0x106: {  	[tilespmem:s1+$0xE580] =	vst v6;
	v1 =	vadd.f32 $8.000000000e+00, v1;
	v6 =	vld [tilespmem:s1+$0xE5F0]  }
0x107: {  	[tilespmem:s1+$0xE590] =	vst v5;
	v0 =	vadd.f32 $8.000000000e+00, v0  }
0x108: {  	[tilespmem:s1+$0xE5A0] =	vst v1;
	v1 =	vadd.f32 $8.000000000e+00, v2  }
0x109: {  	[tilespmem:s1+$0xE5B0] =	vst v0;
	v0 =	vadd.f32 $8.000000000e+00, v3  }
0x10a: {  	s0 =	sshll.u32 s31, $0xE;
	[tilespmem:s1+$0xE5C0] =	vst v1;
	v1 =	vadd.f32 $8.000000000e+00, v4  }
0x10b: {  	s0 =	sadd.s32 s6, s0;
	[tilespmem:s1+$0xE5D0] =	vst v0;
	v0 =	vadd.f32 $8.000000000e+00, v6  }
0x10c: {  	s0 =	sshrl.u32 s0, $0x3;
	[tilespmem:s1+$0xE5E0] =	vst v1  }
0x10d: {  	p0 =	seq.s32 s28, $0x18;
	s0 =	sadd.s32 s2, s0;
	[tilespmem:s1+$0xE5F0] =	vst v0  }
0x10e: {  	[hbm4b:s0+s3] =	stream.linear.scatter [tilespmem:s15], [sflag:$0x7], $0x4000, $0x38;
	[tilespmem:$0x16400] =	vst v63  }
0x10f: {  	s0 =	sshll.u32 @!p0 s28, $0xA;
	_ =	swait.ge [sflag:s21], $0x4000  }
0x110: {  	s11 =	simm.s32 @!p0 $0x80;
	s0 =	sand.u32 @!p0 $0x3FFFFC00, s0;
	[sflag:s21] =	ssyncset.done $0x0  }
0x111: {  	s30 =	simm.s32 @!p0 $0x6400;
	s1 =	sadd.s32 @!p0 $0x400, s0;
	[sflag:s21] =	ssyncadd.s32 $0xFFFFC000  }
0x112: {  	[tilespmem:s30], [sflag:$0x1] =	stream.indirect.gather @!p0 [hbm4b:s4+s11], $0x40, s1, s11, $0xb8;
	[tilespmem:$0x16400] =	vst v63  }
0x113: {  	s0 =	sadd.s32 @!p0 $0x480, s0;
	s1 =	simm.s32 @!p0 $0x8400  }
0x114: {  	[tilespmem:s1], [sflag:$0x1] =	stream.indirect.gather @!p0 [hbm4b:s4+s11], $0x40, s0, s11, $0xb8;
	[tilespmem:$0x16400] =	vst v63  }
0x115: {  	_ =	swait.ge [sflag:s22], $0x4000  }
0x116: {  	[sflag:s22] =	ssyncset.done $0x0  }
0x117: {  	s1 =	simm.s32 $0x0;
	[sflag:s22] =	ssyncadd.s32 $0xFFFFC000  }
0x118: {  	v0 =	vld [tilespmem:s1+$0x12400]  }
0x119: {  	v1 =	vld [tilespmem:s1+$0x12410]  }
0x11a: {  	v2 =	vld [tilespmem:s1+$0x12420]  }
0x11b: {  	v3 =	vld [tilespmem:s1+$0x12430]  }
0x11c: {  	v4 =	vld [tilespmem:s1+$0x12440]  }
0x11d: {  	v5 =	vld [tilespmem:s1+$0x12450];
	v0 =	vadd.f32 $8.000000000e+00, v0  }
0x11e: {  	v6 =	vld [tilespmem:s1+$0x12460];
	v1 =	vadd.f32 $8.000000000e+00, v1  }
0x11f: {  	v2 =	vadd.f32 $8.000000000e+00, v2;
	[tilespmem:s1+$0x12400] =	vst v0;
	v0 =	vld [tilespmem:s1+$0x12470]  }
0x120: {  	v3 =	vadd.f32 $8.000000000e+00, v3;
	[tilespmem:s1+$0x12410] =	vst v1;
	v1 =	vld [tilespmem:s1+$0x12480]  }
0x121: {  	v4 =	vadd.f32 $8.000000000e+00, v4;
	[tilespmem:s1+$0x12420] =	vst v2;
	v2 =	vld [tilespmem:s1+$0x12490]  }
0x122: {  	v5 =	vadd.f32 $8.000000000e+00, v5;
	[tilespmem:s1+$0x12430] =	vst v3;
	v3 =	vld [tilespmem:s1+$0x124A0]  }
0x123: {  	v6 =	vadd.f32 $8.000000000e+00, v6;
	[tilespmem:s1+$0x12440] =	vst v4;
	v4 =	vld [tilespmem:s1+$0x124B0]  }
0x124: {  	[tilespmem:s1+$0x12450] =	vst v5;
	v5 =	vld [tilespmem:s1+$0x124C0];
	v0 =	vadd.f32 $8.000000000e+00, v0  }
0x125: {  	[tilespmem:s1+$0x12460] =	vst v6;
	v6 =	vld [tilespmem:s1+$0x124D0];
	v1 =	vadd.f32 $8.000000000e+00, v1  }
0x126: {  	v2 =	vadd.f32 $8.000000000e+00, v2;
	[tilespmem:s1+$0x12470] =	vst v0;
	v0 =	vld [tilespmem:s1+$0x124E0]  }
0x127: {  	v3 =	vadd.f32 $8.000000000e+00, v3;
	[tilespmem:s1+$0x12480] =	vst v1;
	v1 =	vld [tilespmem:s1+$0x124F0]  }
0x128: {  	v4 =	vadd.f32 $8.000000000e+00, v4;
	[tilespmem:s1+$0x12490] =	vst v2;
	v2 =	vld [tilespmem:s1+$0x12500]  }
0x129: {  	v5 =	vadd.f32 $8.000000000e+00, v5;
	[tilespmem:s1+$0x124A0] =	vst v3;
	v3 =	vld [tilespmem:s1+$0x12510]  }
0x12a: {  	v6 =	vadd.f32 $8.000000000e+00, v6;
	[tilespmem:s1+$0x124B0] =	vst v4;
	v4 =	vld [tilespmem:s1+$0x12520]  }
0x12b: {  	[tilespmem:s1+$0x124C0] =	vst v5;
	v5 =	vld [tilespmem:s1+$0x12530];
	v0 =	vadd.f32 $8.000000000e+00, v0  }
0x12c: {  	[tilespmem:s1+$0x124D0] =	vst v6;
	v6 =	vld [tilespmem:s1+$0x12540]  }
0x12d: {  	v1 =	vadd.f32 $8.000000000e+00, v1;
	[tilespmem:s1+$0x124E0] =	vst v0;
	v0 =	vld [tilespmem:s1+$0x12550]  }
0x12e: {  	v2 =	vadd.f32 $8.000000000e+00, v2  }
0x12f: {  	[tilespmem:s1+$0x124F0] =	vst v1;
	v1 =	vadd.f32 $8.000000000e+00, v3;
	v3 =	vld [tilespmem:s1+$0x12570]  }
0x130: {  	v7 =	vld [tilespmem:s1+$0x12560];
	[tilespmem:s1+$0x12500] =	vst v2;
	v2 =	vadd.f32 $8.000000000e+00, v4  }
0x131: {  	v4 =	vld [tilespmem:s1+$0x12580];
	[tilespmem:s1+$0x12510] =	vst v1;
	v1 =	vadd.f32 $8.000000000e+00, v5  }
0x132: {  	[tilespmem:s1+$0x12520] =	vst v2;
	v5 =	vld [tilespmem:s1+$0x12590];
	v2 =	vadd.f32 $8.000000000e+00, v6;
	v6 =	vadd.f32 $8.000000000e+00, v0  }
0x133: {  	[tilespmem:s1+$0x12530] =	vst v1;
	v1 =	vld [tilespmem:s1+$0x125A0]  }
0x134: {  	v0 =	vld [tilespmem:s1+$0x125B0];
	[tilespmem:s1+$0x12550] =	vst v6;
	v6 =	vadd.f32 $8.000000000e+00, v3  }
0x135: {  	v7 =	vadd.f32 $8.000000000e+00, v7;
	[tilespmem:s1+$0x12540] =	vst v2;
	v2 =	vld [tilespmem:s1+$0x125C0]  }
0x136: {  	v3 =	vld [tilespmem:s1+$0x125D0];
	[tilespmem:s1+$0x12570] =	vst v6;
	v6 =	vadd.f32 $8.000000000e+00, v4  }
0x137: {  	s0 =	simm.s32 $0x800;
	[tilespmem:s1+$0x12560] =	vst v7;
	v5 =	vadd.f32 $8.000000000e+00, v5;
	v4 =	vld [tilespmem:s1+$0x125E0]  }
.LBB2_9:
0x138: {  	s11 =	sshra.s32 s0, $0x2;
	p0 =	sne.s32 s0, $0xF800;
	[tilespmem:s1+$0x12580] =	vst v6;
	v1 =	vadd.f32 $8.000000000e+00, v1;
	v6 =	vld [tilespmem:s1+$0x125F0]  }
0x139: {  	v7 =	vld [tilespmem:s11+$0x12400];
	[tilespmem:s1+$0x12590] =	vst v5;
	v0 =	vadd.f32 $8.000000000e+00, v0  }
0x13a: {  	v5 =	vld [tilespmem:s11+$0x12410];
	[tilespmem:s1+$0x125A0] =	vst v1;
	v1 =	vadd.f32 $8.000000000e+00, v2  }
0x13b: {  	v2 =	vld [tilespmem:s11+$0x12420];
	[tilespmem:s1+$0x125B0] =	vst v0;
	v0 =	vadd.f32 $8.000000000e+00, v3  }
0x13c: {  	v3 =	vld [tilespmem:s11+$0x12430];
	[tilespmem:s1+$0x125C0] =	vst v1;
	v1 =	vadd.f32 $8.000000000e+00, v4  }
0x13d: {  	v4 =	vld [tilespmem:s11+$0x12440];
	[tilespmem:s1+$0x125D0] =	vst v0;
	v0 =	vadd.f32 $8.000000000e+00, v6  }
0x13e: {  	v6 =	vadd.f32 $8.000000000e+00, v7;
	v7 =	vld [tilespmem:s11+$0x12450];
	[tilespmem:s1+$0x125E0] =	vst v1  }
0x13f: {  	v1 =	vadd.f32 $8.000000000e+00, v5;
	v5 =	vld [tilespmem:s11+$0x12460];
	[tilespmem:s1+$0x125F0] =	vst v0;
	s1 =	smov.u32 s11  }
0x140: {  	[tilespmem:s1+$0x12400] =	vst v6;
	v0 =	vadd.f32 $8.000000000e+00, v2;
	v2 =	vld [tilespmem:s1+$0x12470]  }
0x141: {  	[tilespmem:s1+$0x12410] =	vst v1;
	v1 =	vadd.f32 $8.000000000e+00, v3;
	v3 =	vld [tilespmem:s1+$0x12480]  }
0x142: {  	[tilespmem:s1+$0x12420] =	vst v0;
	v0 =	vadd.f32 $8.000000000e+00, v4;
	v4 =	vld [tilespmem:s1+$0x12490]  }
0x143: {  	[tilespmem:s1+$0x12430] =	vst v1;
	v1 =	vadd.f32 $8.000000000e+00, v7;
	v6 =	vld [tilespmem:s1+$0x124A0]  }
0x144: {  	[tilespmem:s1+$0x12440] =	vst v0;
	v0 =	vadd.f32 $8.000000000e+00, v5;
	v5 =	vld [tilespmem:s1+$0x124B0]  }
0x145: {  	[tilespmem:s1+$0x12450] =	vst v1;
	v1 =	vadd.f32 $8.000000000e+00, v2;
	v2 =	vld [tilespmem:s1+$0x124C0]  }
0x146: {  	[tilespmem:s1+$0x12460] =	vst v0;
	v0 =	vadd.f32 $8.000000000e+00, v3;
	v3 =	vld [tilespmem:s1+$0x124D0]  }
0x147: {  	[tilespmem:s1+$0x12470] =	vst v1;
	v1 =	vadd.f32 $8.000000000e+00, v4;
	v4 =	vld [tilespmem:s1+$0x124E0]  }
0x148: {  	[tilespmem:s1+$0x12480] =	vst v0;
	v0 =	vadd.f32 $8.000000000e+00, v6;
	v6 =	vld [tilespmem:s1+$0x124F0]  }
0x149: {  	[tilespmem:s1+$0x12490] =	vst v1;
	v1 =	vadd.f32 $8.000000000e+00, v5;
	v5 =	vld [tilespmem:s1+$0x12500]  }
0x14a: {  	[tilespmem:s1+$0x124A0] =	vst v0;
	v0 =	vadd.f32 $8.000000000e+00, v2;
	v2 =	vld [tilespmem:s1+$0x12510]  }
0x14b: {  	[tilespmem:s1+$0x124B0] =	vst v1;
	v1 =	vadd.f32 $8.000000000e+00, v3;
	v3 =	vld [tilespmem:s1+$0x12520]  }
0x14c: {  	[tilespmem:s1+$0x124C0] =	vst v0;
	v0 =	vadd.f32 $8.000000000e+00, v4;
	v4 =	vld [tilespmem:s1+$0x12530]  }
0x14d: {  	[tilespmem:s1+$0x124D0] =	vst v1;
	v1 =	vadd.f32 $8.000000000e+00, v6;
	v6 =	vld [tilespmem:s1+$0x12540]  }
0x14e: {  	[tilespmem:s1+$0x124E0] =	vst v0;
	v0 =	vadd.f32 $8.000000000e+00, v5;
	v5 =	vld [tilespmem:s1+$0x12550]  }
0x14f: {  	[tilespmem:s1+$0x124F0] =	vst v1;
	v1 =	vadd.f32 $8.000000000e+00, v2;
	v2 =	vld [tilespmem:s1+$0x12560]  }
0x150: {  	[tilespmem:s1+$0x12500] =	vst v0;
	v0 =	vadd.f32 $8.000000000e+00, v3;
	v3 =	vld [tilespmem:s1+$0x12570]  }
0x151: {  	[tilespmem:s1+$0x12510] =	vst v1;
	v1 =	vadd.f32 $8.000000000e+00, v4;
	v4 =	vld [tilespmem:s1+$0x12580]  }
0x152: {  	[tilespmem:s1+$0x12520] =	vst v0;
	v0 =	vadd.f32 $8.000000000e+00, v6;
	v7 =	vld [tilespmem:s1+$0x12590]  }
.Ltmp3:
0x153: {  	[tilespmem:s1+$0x12530] =	vst v1;
	v5 =	vadd.f32 $8.000000000e+00, v5;
	v1 =	vld [tilespmem:s1+$0x125A0];
	(pc) =	sbr.rel @p0 .LBB2_9-.Ltmp3, $4  }
0x154: {  	[tilespmem:s1+$0x12540] =	vst v0;
	v6 =	vadd.f32 $8.000000000e+00, v2;
	v0 =	vld [tilespmem:s1+$0x125B0]  }
0x155: {  	[tilespmem:s1+$0x12550] =	vst v5;
	v5 =	vadd.f32 $8.000000000e+00, v3;
	v2 =	vld [tilespmem:s1+$0x125C0]  }
0x156: {  	[tilespmem:s1+$0x12560] =	vst v6;
	v6 =	vadd.f32 $8.000000000e+00, v4;
	v3 =	vld [tilespmem:s1+$0x125D0]  }
0x157: {  	s0 =	sadd.s32 $0x800, s0;
	[tilespmem:s1+$0x12570] =	vst v5;
	v5 =	vadd.f32 $8.000000000e+00, v7;
	v4 =	vld [tilespmem:s1+$0x125E0]  }
0x158: {  	[tilespmem:s1+$0x12580] =	vst v6;
	v1 =	vadd.f32 $8.000000000e+00, v1;
	v59 =	vld [tilespmem:s1+$0x125F0]  }
0x159: {  	[tilespmem:s1+$0x12590] =	vst v5;
	v0 =	vadd.f32 $8.000000000e+00, v0  }
0x15a: {  	s28 =	sadd.s32 $0x1, s28;
	[tilespmem:s1+$0x125A0] =	vst v1;
	v60 =	vadd.f32 $8.000000000e+00, v2  }
0x15b: {  	p0 =	sne.s32 s28, $0x19;
	[tilespmem:s1+$0x125B0] =	vst v0;
	v61 =	vadd.f32 $8.000000000e+00, v3  }
.Ltmp4:
0x15c: {  	s0 =	sshll.u32 s29, $0xE;
	[tilespmem:s1+$0x125C0] =	vst v60;
	v62 =	vadd.f32 $8.000000000e+00, v4;
	(pc) =	sbr.rel @p0 .LBB2_2-.Ltmp4, $4  }
0x15d: {  	s0 =	sadd.s32 s6, s0;
	[tilespmem:s1+$0x125D0] =	vst v61;
	v63 =	vadd.f32 $8.000000000e+00, v59  }
0x15e: {  	s0 =	sshrl.u32 s0, $0x3;
	[tilespmem:s1+$0x125E0] =	vst v62  }
0x15f: {  	s0 =	sadd.s32 s2, s0;
	[tilespmem:s1+$0x125F0] =	vst v63  }
0x160: {  	[hbm4b:s0+s3] =	stream.linear.scatter [tilespmem:s18], [sflag:$0x8], $0x4000, $0x38;
	[tilespmem:$0x16400] =	vst v63  }
0x161: {  	_ =	swait.ge [sflag:s23], $0x4000  }
0x162: {  	[sflag:s23] =	ssyncset.done $0x0  }
0x163: {  	s26 =	sadd.s32 $0x1, s26;
	[sflag:s23] =	ssyncadd.s32 $0xFFFFC000  }
0x164: {  	p0 =	sne.s32 s26, s7;
	_ =	swait.ge [sflag:s24], $0x4000  }
.Ltmp5:
0x165: {  	[sflag:s24] =	ssyncset.done $0x0;
	(pc) =	sbr.rel @p0 .LBB2_1-.Ltmp5, $4  }
0x166: {  	[sflag:s24] =	ssyncadd.s32 $0xFFFFC000  }
0x167: {  	_ =	swait.ge [sflag:s25], $0x4000  }
0x168: {  	[sflag:s25] =	ssyncset.done $0x0  }
0x169: {  	[sflag:s25] =	ssyncadd.s32 $0xFFFFC000  }
0x16a: {  	_ =	sfence.sel $0x180000  }
0x16b: {  	[bflag:$0x0] =	sbarrier.arrive $0xFFFF  }
0x16c: {  	_ =	strace $0x90000047  }
0x16d: {  	s0 =	stileid.u32;
	[bflag:$0x2] =	sbarrier.arrive $0xFFFF  }
0x16e: {  	p0 =	sne.s32 s0, $0x0;
	s0 =	rddreg [dreg:$0x2]  }
0x16f: {  	s0 =	sadd.s32 @!p0 $0x100000, s0  }
0x170: {  	[sflag:s0] =	ssyncadd.tile.s32 @!p0 $0x1;
	_ =	shalt  }
.Lfunc_end2:
_tile_overlayer_lowered:
.L_overlay_start_2:
0x171: {  	(tag) =	ssettag $0x2  }
0x172: {  	s0 =	rddreg [dreg:$0x0];
	s2 =	stileid.u32  }
0x173: {  	s1 =	rddreg [dreg:$0x1];
	p0 =	sne.s32 s2, $0x0  }
0x174: {  	s3 =	rddreg [dreg:$0x2];
	[bflag:$0x3] =	sbarrier.arrive $0xFFFF;
	s2 =	simm.s32 @!p0 $0x1C09  }
0x175: {  	[timem:s3], [sflag:s2] =	dma.local @!p0 [hbm:s0], s1  }
0x176: {  	s0 =	simm.s32 @!p0 $0x9  }
0x177: {  	_ =	swait.ge @!p0 [sflag:s0], s1  }
0x178: {  	s1 =	ssub.s32 @!p0 $0x0, s1;
	[sflag:s0] =	ssyncset.done @!p0 $0x0  }
0x179: {  	[sflag:s0] =	ssyncadd.s32 @!p0 s1  }
0x17a: {  	[bflag:$0x3] =	sbarrier.arrive $0xFFFF  }
0x17b: {  	_ =	shalt  }

// kernel: sparse-core-data-format-call.cloned.1.call-start
scs
called_computation_lowered:
.L_overlay_start_0:
0x0: {  	s2 =	sld [smem:$0x3FD9]  }
0x1: {  	s3 =	sld [smem:$0x3FFE];
	_ =	sdelay $0x1  }
0x2: {  	s1 =	srdreg.scid  }
0x3: {  	s0 =	sand.u32 $0x1, s1  }
0x4: {  	s18 =	sshll.u32 s0, $0xA;
	s2 =	sadd.s32 s3, s2  }
0x5: {  	s2 =	sadd.s32 s2, s18  }
0x6: {  	[smem:$0x3FC6] =	sst s2  }
0x7: {  	_ = 	snop  }
0x8: {  	s2 =	sld [smem:$0x3FD0];
	(tm) =	ssettm $0x1  }
0x9: {  	s19 =	sld [smem:$0x3FFB];
	_ =	sdelay $0x3  }
0xa: {  	_ =	strace s19  }
0xb: {  	s3 =	sld [smem:$0x3FFC];
	_ =	sdelay $0x3  }
0xc: {  	_ =	strace s3  }
0xd: {  	s3 =	sld [smem:$0x3FFD];
	_ =	sdelay $0x3  }
0xe: {  	_ =	strace s3  }
0xf: {  	_ =	strace $0x8FFFFFFF  }
0x10: {  	s20 =	sld [smem:$0x3FDB];
	_ =	sdelay $0x1  }
0x11: {  	s4 =	simm.s32 $_scs_section_size  }
0x12: {  	s5 =	simm.s32 $_size__tile_overlayer_lowered;
	s6 =	simm.s32 $_tile_overlayer_lowered  }
0x13: {  	s23 =	simm.s32 $0x1BFF;
	s22 =	sshll.u32 s6, $0x1;
	s3 =	sadd.s32 s4, s20  }
0x14: {  	s7 =	simm.s32 $0x0;
	s21 =	sshll.u32 s5, $0x1;
	s5 =	sadd.s32 s22, s3  }
0x15: {  	[timem:s7], [sflag:s23] =	dma.local [hbm:s5], s21  }
0x16: {  	_ =	swait.ge [sflag:s23], s21  }
0x17: {  	s4 =	ssub.s32 $0x0, s21;
	[sflag:s23] =	ssyncset.done $0x0  }
0x18: {  	[sflag:s23] =	ssyncadd.s32 s4;
	_ =	sdelay $0x1  }
0x19: {  	s24 =	simm.s32 $0x1B8B  }
0x1a: {  	_ =	swait.ge [sflag:s24], $0x1  }
0x1b: {  	[sflag:s24] =	ssyncset.done $0x0  }
0x1c: {  	s26 =	simm.s32 $0x1B8E;
	s25 =	sld [smem:$0x3FFE];
	[sflag:s24] =	ssyncadd.s32 $0xFFFFFFFF  }
0x1d: {  	s27 =	simm.s32 $execute0_lowered;
	[smem:$0x3FD2] =	sst s26  }
0x1e: {  	s5 =	sshll.u32 s27, $0x1;
	_ =	strace $0x80000049;
	[dreg:$0x1] =	wrdreg $0xFFFFFFFF  }
0x1f: {  	s28 =	simm.s32 $_size_execute0_lowered;
	s3 =	sadd.s32 s3, s5;
	[dreg:$0x0] =	wrdreg $0x0  }
0x20: {  	s5 =	sshll.u32 s28, $0x1;
	[dreg:$0x2] =	wrdreg s3  }
0x21: {  	[dreg:$0x3] =	wrdreg s5  }
0x22: {  	[dreg:$0x4] =	wrdreg $0xC0  }
0x23: {  	_ =	task [dreg:s7], $0x5FFFF  }
0x24: {  	[dreg:$0x1] =	wrdreg $0xFFFFFFFF  }
0x25: {  	[dreg:$0x0] =	wrdreg $0x60  }
0x26: {  	[dreg:$0x2] =	wrdreg s25  }
0x27: {  	[dreg:$0x3] =	wrdreg s2  }
0x28: {  	[dreg:$0x4] =	wrdreg $0x9  }
0x29: {  	_ =	task.clear_ibuf [dreg:s7], $0x5FFFF;
	_ =	strace $0x90000049  }
0x2a: {  	s29 =	simm.s32 $0x9;
	_ =	strace $0x8000004B  }
0x2b: {  	_ =	swait.ge [sflag:s29], $0x1  }
0x2c: {  	[sflag:s29] =	ssyncadd.s32 $0xFFFFFFFF  }
0x2d: {  	_ =	strace $0x9000004B  }
0x2e: {  	_ =	sfence  }
0x2f: {  	s30 =	sld [smem:$0x0];
	_ =	sdelay $0x2  }
0x30: {  	s31 =	sshll.u32 s1, $0xD;
	s1 =	sshrl.u32 s1, $0x2  }
0x31: {  	s3 =	sand.u32 $0x4000, s31;
	s1 =	sadd.s32 s1, s30  }
0x32: {  	s0 =	sor.u32 s3, s0;
	s1 =	sshll.u32 s1, $0x11  }
0x33: {  	s0 =	sor.u32 s1, s0  }
0x34: {  	s0 =	sadd.s32 $0x8F2B, s0  }
0x35: {  	[sflag:s0] =	ssyncadd.remote.s32 $0x1  }
0x36: {  	_ =	sfence.sel $0xFFFF  }
0x37: {  	[dreg:$0x0] =	wrdreg $0xFFFFFFFF;
	(pc) =	sbr.abs _section_cstart, $3  }
0x38: {  	[dreg:$0x1] =	wrdreg $0xFFFFFFFF  }
0x39: {  	_ =	task.clear_ibuf [dreg:s7], $0x2FFFF;
	_ =	strace $0x9FFFFFFF  }
0x3a: {  	(tm) =	ssettm $0x7FFFFFFF  }
0x3b: {  	_ =	shalt  }
tec
execute0_lowered:
.L_overlay_start_1:
0x0: {  	(tag) =	ssettag $0x1  }
0x1: {  	s0 =	srdreg.scid  }
0x2: {  	s1 =	sshll.u32 s0, $0x4  }
0x3: {  	s0 =	stileid.u32;
	s1 =	sand.u32 $0x10, s1  }
0x4: {  	s1 =	sor.u32 s0, s1  }
0x5: {  	s6 =	rddreg [dreg:$0x0];
	s4 =	simm.s32 $0x1;
	s2 =	sshll.u32 s1, $0x7  }
0x6: {  	s7 =	simm.s32 $0x2;
	s12 =	simm.s32 $0x0;
	s1 =	ssub.s32 $0x1000, s2  }
0x7: {  	s8 =	simm.s32 $0x8000;
	s13 =	simm.s32 $0x0;
	s3 =	sand.u32 $0xF80, s1  }
0x8: {  	s9 =	simm.s32 $0x0;
	s5 =	sshrl.u32 s1, $0xC;
	p0 =	sne.s32 s3, $0x0  }
.Ltmp0:
0x9: {  	s1 =	rddreg [dreg:$0x2];
	s4 =	simm.s32 @!p0 $0x0;
	(pc) =	sbr.rel .LBB1_1-.Ltmp0, $4  }
0xa: {  	s11 =	simm.s32 $0x0;
	s3 =	rddreg [dreg:$0x1];
	s5 =	sadd.s32 s4, s5  }
0xb: {  	_ =	strace $0x8000004A;
	s4 =	simm.s32 $0x1;
	s5 =	smul.u32 $0xC8, s5  }
0xc: {  	s6 =	sadd.s32 $0xA00, s6;
	s10 =	smov.u32 s2;
	[sflag:s4] =	ssyncpa.u1 $0x0  }
0xd: {  	p0 =	por $0x0, $0x0;
	[sflag:s7] =	ssyncpa.u1 $0x0;
	s7 =	sor.u32 $0x1, s5  }
.LBB1_4:
0xe: {  	s16 =	sshll.u32 s13, $0x3;
	s17 =	sand.u32 $0x78, s13  }
0xf: {  	s30 =	sand.u32 $0x7E00, s13;
	s12 =	sshll.u32 s12, $0xF;
	s16 =	sand.u32 $0xC00, s16  }
0x10: {  	[tilespmem:s15+$0x810 ss:$0x81] =	vst.msk $0xffff, v2;
	s31 =	sand.u32 $0x7, s13;
	s16 =	sor.u32 s17, s16;
	s17 =	sadd.s32 s3, s30  }
0x11: {  	[tilespmem:s15+$0x1020 ss:$0x81] =	vst.msk $0xffff, v0;
	s13 =	sshll.u32 s31, $0x12;
	s12 =	sadd.s32 s12, s17;
	s16 =	sshrl.u32 s16, $0x3  }
0x12: {  	[tilespmem:s15+$0x0 ss:$0x81] =	vst.msk $0xffff, v1;
	s13 =	sor.u32 $0x400, s13;
	s12 =	sadd.s32 s16, s12  }
0x13: {  	[hbm4b:s12+s13] =	stream.strided.scatter [tilespmem:s14], [sflag:$0x2], $0x2000, s8, s13, $0x20;
	[tilespmem:$0x8080] =	vst v63  }
.LBB1_5:
0x14: {  	s14 =	sadd.s32 $0x1, s9  }
0x15: {  	s12 =	sadd.s32 $0x1000, s10;
	s16 =	smov.u32 s10;
	p2 =	sgt.s32 s14, $0xC7  }
0x16: {  	s16 =	smov.u32 @p2 s12  }
0x17: {  	s14 =	simm.s32 @p2 $0x0;
	p2 =	sgt.s32 s16, $0xFFF  }
0x18: {  	s16 =	smov.u32 @p2 s2;
	p2 =	sne.s32 s11, s7  }
.Ltmp1:
0x19: {  	p1 =	slt.u32 s11, $0x2;
	(pc) =	sbr.rel @!p2 .LBB1_6-.Ltmp1, $4  }
0x1a: {  	s15 =	simm.s32 @!p1 $0x2  }
0x1b: {  	s13 =	smov.u32 s10;
	p0 =	por !p0, !p0;
	_ =	swait.ge @!p1 [sflag:s15], $0x2000  }
0x1c: {  	s12 =	smov.u32 s9;
	[sflag:s15] =	ssyncset.done @!p1 $0x0;
	s9 =	smov.u32 s14  }
0x1d: {  	s11 =	sadd.s32 $0x1, s11;
	[sflag:s15] =	ssyncadd.s32 @!p1 $0xFFFFE000;
	s10 =	smov.u32 s16  }
.LBB1_1:
0x1e: {  	p1 =	sge.u32 s11, s5  }
0x1f: {  	s14 =	sand.u32 @!p1 $0x1FFFFFF, s9  }
0x20: {  	s15 =	smulhi.u32 @!p1 $0x147AE15, s14;
	_ =	sdelay $0x1  }
0x21: {  	s15 =	smul.u32 @!p1 $0xC8, s15  }
0x22: {  	s16 =	sxor.u32 @!p1 $0xFFFFFFFF, s11;
	s17 =	smul.u32 @!p1 $0xC80, s10  }
0x23: {  	s31 =	sadd.s32 $0xFFFFFFFF, s11;
	s16 =	sshll.u32 @!p1 s16, $0xD;
	s14 =	ssub.s32 @!p1 s14, s15  }
0x24: {  	s15 =	sand.u32 @!p1 $0x2000, s16;
	s16 =	sadd.s32 @!p1 s6, s17;
	s14 =	sshll.u32 @!p1 s14, $0x4  }
0x25: {  	s17 =	simm.s32 @!p1 $0x6400;
	s14 =	sadd.s32 @!p1 s14, s16;
	s16 =	simm.s32 @!p1 $0x40  }
0x26: {  	[tilespmem:s15], [sflag:$0x1] =	stream.strided.gather @!p1 [hbm4b:s14+s16], $0x2000, s17, s16, $0x38;
	[tilespmem:$0x8080] =	vst v63  }
0x27: {  	p1 =	sge.u32 s31, s5  }
.Ltmp2:
0x28: {  	_ = 	snop;
	(pc) =	sbr.rel @p1 .LBB1_5-.Ltmp2, $1  }
0x29: {  	_ =	sdelay $0x3  }
0x2a: {  	s14 =	simm.s32 $0x1  }
0x2b: {  	_ =	swait.ge [sflag:s4], $0x2000;
	s14 =	simm.s32 @!p0 $0x0  }
0x2c: {  	[sflag:s4] =	ssyncset.done $0x0;
	s15 =	sshll.u32 s14, $0xD  }
0x2d: {  	[sflag:s4] =	ssyncadd.s32 $0xFFFFE000;
	s18 =	sor.u32 $0x20, s15  }
0x2e: {  	s14 =	smul.u32 $0x8100, s14;
	v3 =	vld [tilespmem:s18+$0x10]  }
0x2f: {  	s30 =	sand.u32 $0x1, s11;
	v2 =	vld [tilespmem:s18+$0xFFFFFFF0]  }
0x30: {  	s15 =	smul.u32 $0x8100, s30;
	s14 =	sshrl.u32 s14, $0x2;
	v0 =	vld [tilespmem:s18+$0x0]  }
0x31: {  	v1 =	vld [tilespmem:s18+$0xFFFFFFE0];
	s16 =	sor.u32 $0x4000, s14  }
0x32: {  	s31 =	sshrl.u32 s15, $0x2;
	s15 =	sadd.s32 $0x0, s16  }
0x33: {  	s17 =	simm.s32 $0x4;
	s18 =	sadd.s32 $0x40, s18;
	s14 =	sor.u32 $0x4000, s31;
	[tilespmem:s15+$0x1830 ss:$0x81] =	vst.msk $0xffff, v3  }
.LBB1_3:
0x34: {  	v3 =	vld [tilespmem:s18+$0x10];
	p1 =	sne.s32 s17, $0x1FC;
	[tilespmem:s15+$0x810 ss:$0x81] =	vst.msk $0xffff, v2;
	s19 =	smov.u32 s17;
	s17 =	sadd.s32 $0x4, s17  }
.Ltmp3:
0x35: {  	v2 =	vld [tilespmem:s18+$0xFFFFFFF0];
	[tilespmem:s15+$0x1020 ss:$0x81] =	vst.msk $0xffff, v0;
	(pc) =	sbr.rel @p1 .LBB1_3-.Ltmp3, $4  }
0x36: {  	v0 =	vld [tilespmem:s18+$0x0];
	[tilespmem:s15+$0x0 ss:$0x81] =	vst.msk $0xffff, v1  }
0x37: {  	s15 =	sshra.s32 s19, $0x2;
	v1 =	vld [tilespmem:s18+$0xFFFFFFE0]  }
0x38: {  	s15 =	sadd.s32 s15, s16  }
0x39: {  	s18 =	sadd.s32 $0x40, s18;
	[tilespmem:s15+$0x1830 ss:$0x81] =	vst.msk $0xffff, v3  }
.Ltmp4:
0x3a: {  	_ = 	snop;
	(pc) =	sbr.rel .LBB1_4-.Ltmp4, $1  }
0x3b: {  	_ =	sdelay $0x3  }
.LBB1_6:
0x3c: {  	_ =	sfence.sel $0x180000  }
0x3d: {  	s2 =	simm.s32 $0x1;
	[bflag:$0x0] =	sbarrier.arrive $0xFFFF  }
0x3e: {  	s31 =	simm.s32 $0x2;
	[sflag:s2] =	ssyncpa.u1 $0x1  }
0x3f: {  	[sflag:s31] =	ssyncpa.u1 $0x1  }
0x40: {  	p0 =	sne.s32 s0, $0x0;
	_ =	strace $0x9000004A  }
0x41: {  	s0 =	sadd.s32 @!p0 $0x100000, s1;
	[bflag:$0x2] =	sbarrier.arrive $0xFFFF  }
0x42: {  	[sflag:s0] =	ssyncadd.tile.s32 @!p0 $0x1;
	_ =	shalt  }
.Lfunc_end1:
_tile_overlayer_lowered:
.L_overlay_start_2:
0x43: {  	(tag) =	ssettag $0x2  }
0x44: {  	s0 =	rddreg [dreg:$0x0];
	s2 =	stileid.u32  }
0x45: {  	s1 =	rddreg [dreg:$0x1];
	p0 =	sne.s32 s2, $0x0  }
0x46: {  	s3 =	rddreg [dreg:$0x2];
	[bflag:$0x3] =	sbarrier.arrive $0xFFFF;
	s2 =	simm.s32 @!p0 $0x1C01  }
0x47: {  	[timem:s3], [sflag:s2] =	dma.local @!p0 [hbm:s0], s1  }
0x48: {  	s0 =	simm.s32 @!p0 $0x1  }
0x49: {  	_ =	swait.ge @!p0 [sflag:s0], s1  }
0x4a: {  	s1 =	ssub.s32 @!p0 $0x0, s1;
	[sflag:s0] =	ssyncset.done @!p0 $0x0  }
0x4b: {  	[sflag:s0] =	ssyncadd.s32 @!p0 s1  }
0x4c: {  	[bflag:$0x3] =	sbarrier.arrive $0xFFFF  }
0x4d: {  	_ =	shalt  }

</sc_bundles>
